<compile_context>
chip_gen: v7x
topology: tpu7x:2x2x1
jax: 0.10.2.dev20260603
libtpu: 0.0.44.dev20260713+nightly
codegen_flags: <defaults>
</compile_context>

<pallas_src>
import functools

import jax
import jax.numpy as jnp
from jax import lax
from jax.experimental import pallas as pl
from jax.experimental.pallas import tpu as pltpu
from jax.experimental.pallas import tpu_sc as plsc

N = 10000
E = 320000
D = 128
DE = 16
PAY = 144
NC = 2
NS = 16
NW = NC * NS
C = 80
EROWS = E // C
A0 = 128
EA = 0
B1 = 120
EB = 8
T0 = NS * A0 + 4 * EA
N_ACC = 10240
RPT = N_ACC // NS
BN = 1000
BP = 1000


def _sc_body(fn_hbm, sd_hbm,
             accf_hbm,
             sdv0, sdv1, sdv2, sdv3,
             rows0, rows1, shf,
             ls0, ls1, ls2, ls3,
             gs0, gs1, ss0, ss1):
    c = lax.axis_index("c")
    s = lax.axis_index("s")
    r0 = s * RPT
    nch = jnp.where(c == 0,
                    A0 + 4 * (s < EA).astype(jnp.int32),
                    B1 + 4 * (s < EB).astype(jnp.int32))
    row0 = jnp.where(c == 0,
                     s * A0 + 4 * jnp.minimum(s, EA),
                     T0 + s * B1 + 4 * jnp.minimum(s, EB))

    sdv = (sdv0, sdv1, sdv2, sdv3)
    rows = (rows0, rows1)
    lsem = (ls0, ls1, ls2, ls3)
    gsem = (gs0, gs1)
    ssem = (ss0, ss1)

    zf32 = jnp.zeros((16,), jnp.float32)

    def zrow(i, carry):
        for j in range(PAY // 16):
            rows0[i, pl.ds(j * 16, 16)] = zf32
        return carry

    lax.fori_loop(0, C, zrow, 0)
    for k in range(RPT // C):
        pltpu.async_copy(rows0, shf.at[pl.ds(r0 + k * C, C)], gs0)
    for k in range(RPT // C):
        pltpu.make_async_copy(rows0, shf.at[pl.ds(0, C)], gs0).wait()
    plsc.subcore_barrier()

    def issue_l(i, k):
        soff = pl.multiple_of((row0 + i) * 2, 2)
        pltpu.async_copy(sd_hbm.at[pl.ds(soff, 2)], sdv[k], lsem[k])

    def wait_l(k):
        pltpu.make_async_copy(sd_hbm.at[pl.ds(0, 2)], sdv[k], lsem[k]).wait()

    def issue_g(i, k, b):
        pltpu.async_copy(fn_hbm.at[sdv[k].at[0]], rows[b], gsem[b])

    def wait_g(k, b):
        pltpu.make_async_copy(fn_hbm.at[sdv[k].at[0]], rows[b], gsem[b]).wait()

    def issue_s(k, b):
        pltpu.async_copy(rows[b], shf.at[sdv[k].at[1]], ssem[b], add=True)

    def wait_s(k, b):
        pltpu.make_async_copy(rows[b], shf.at[sdv[k].at[1]], ssem[b]).wait()

    issue_l(0, 0)
    issue_l(1, 1)

    def block(j, carry):
        for k in range(4):
            i = 4 * j + k
            b = k % 2
            wait_l(k)
            @pl.when(i >= 2)
            def _():
                wait_s((k + 2) % 4, b)

            issue_g(i, k, b)

            @pl.when(i >= 1)
            def _():
                wait_g((k + 3) % 4, 1 - b)
                issue_s((k + 3) % 4, 1 - b)

            @pl.when(i + 2 < nch)
            def _():
                issue_l(i + 2, (k + 2) % 4)
        return carry

    lax.fori_loop(0, nch // 4, block, 0)
    wait_g(3, 1)
    issue_s(3, 1)
    wait_s(2, 0)
    wait_s(3, 1)
    plsc.subcore_barrier()
    pltpu.sync_copy(shf.at[pl.ds(r0, RPT)], accf_hbm.at[c, pl.ds(r0, RPT)])


_sc_segsum = functools.partial(
    pl.kernel,
    out_type=jax.ShapeDtypeStruct((NC, N_ACC, PAY), jnp.float32),
    mesh=plsc.VectorSubcoreMesh(core_axis_name="c", subcore_axis_name="s", num_cores=NC, num_subcores=NS),
    scratch_types=[
        pltpu.VMEM((2, C), jnp.int32),
        pltpu.VMEM((2, C), jnp.int32),
        pltpu.VMEM((2, C), jnp.int32),
        pltpu.VMEM((2, C), jnp.int32),
        pltpu.VMEM((C, PAY), jnp.float32),
        pltpu.VMEM((C, PAY), jnp.float32),
        pltpu.VMEM_SHARED((N_ACC, PAY), jnp.float32),
        pltpu.SemaphoreType.DMA,
        pltpu.SemaphoreType.DMA,
        pltpu.SemaphoreType.DMA,
        pltpu.SemaphoreType.DMA,
        pltpu.SemaphoreType.DMA,
        pltpu.SemaphoreType.DMA,
        pltpu.SemaphoreType.DMA,
        pltpu.SemaphoreType.DMA,
    ],
    compiler_params=pltpu.CompilerParams(use_tc_tiling_on_sc=False),
)(_sc_body)


CW = 128
WROWS = E // CW
KW = 80
WPAD = NW * KW * CW - E


def _scw_body(w_hbm, dst_hbm, accw_hbm,
              dv0, dv1, dv2, dv3, wr0, wr1, shw,
              ls0, ls1, ls2, ls3, gs0, gs1, ss0, ss1):
    c = lax.axis_index("c")
    s = lax.axis_index("s")
    r0 = s * RPT
    row0 = (s * NC + c) * KW

    dv = (dv0, dv1, dv2, dv3)
    wr = (wr0, wr1)
    lsem = (ls0, ls1, ls2, ls3)
    gsem = (gs0, gs1)
    ssem = (ss0, ss1)

    zf32 = jnp.zeros((16,), jnp.float32)

    def zrow(i, carry):
        wr0[i, pl.ds(0, 16)] = zf32
        return carry

    lax.fori_loop(0, CW, zrow, 0)
    for k in range(RPT // CW):
        pltpu.async_copy(wr0, shw.at[pl.ds(r0 + k * CW, CW)], gs0)
    for k in range(RPT // CW):
        pltpu.make_async_copy(wr0, shw.at[pl.ds(0, CW)], gs0).wait()
    plsc.subcore_barrier()

    def issue_l(i, k):
        doff = pl.multiple_of((row0 + i) * CW, CW)
        pltpu.async_copy(dst_hbm.at[pl.ds(doff, CW)], dv[k], lsem[k])

    def wait_l(k):
        pltpu.make_async_copy(dst_hbm.at[pl.ds(0, CW)], dv[k], lsem[k]).wait()

    def issue_g(i, k, b):
        woff = pl.multiple_of(jnp.minimum(row0 + i, WROWS - 1) * CW, CW)
        pltpu.async_copy(w_hbm.at[pl.ds(woff, CW)], wr[b], gsem[b])

    def wait_g(k, b):
        pltpu.make_async_copy(w_hbm.at[pl.ds(0, CW)], wr[b], gsem[b]).wait()

    def issue_s(k, b):
        pltpu.async_copy(wr[b], shw.at[dv[k]], ssem[b], add=True)

    def wait_s(k, b):
        pltpu.make_async_copy(wr[b], shw.at[dv[k]], ssem[b]).wait()

    issue_l(0, 0)
    issue_l(1, 1)

    def block(j, carry):
        for k in range(4):
            i = 4 * j + k
            b = k % 2
            wait_l(k)

            @pl.when(i >= 2)
            def _():
                wait_s((k + 2) % 4, b)

            issue_g(i, k, b)

            @pl.when(i >= 1)
            def _():
                wait_g((k + 3) % 4, 1 - b)
                issue_s((k + 3) % 4, 1 - b)

            @pl.when(i + 2 < KW)
            def _():
                issue_l(i + 2, (k + 2) % 4)
        return carry

    lax.fori_loop(0, KW // 4, block, 0)
    wait_g(3, 1)
    issue_s(3, 1)
    wait_s(2, 0)
    wait_s(3, 1)
    plsc.subcore_barrier()
    pltpu.sync_copy(shw.at[pl.ds(r0, RPT)], accw_hbm.at[c, pl.ds(r0, RPT)])


_scw_segsum = functools.partial(
    pl.kernel,
    out_type=jax.ShapeDtypeStruct((NC, N_ACC, DE), jnp.float32),
    mesh=plsc.VectorSubcoreMesh(core_axis_name="c", subcore_axis_name="s", num_cores=NC, num_subcores=NS),
    scratch_types=[
        pltpu.VMEM((CW,), jnp.int32),
        pltpu.VMEM((CW,), jnp.int32),
        pltpu.VMEM((CW,), jnp.int32),
        pltpu.VMEM((CW,), jnp.int32),
        pltpu.VMEM((CW, DE), jnp.float32),
        pltpu.VMEM((CW, DE), jnp.float32),
        pltpu.VMEM_SHARED((N_ACC, DE), jnp.float32),
        pltpu.SemaphoreType.DMA,
        pltpu.SemaphoreType.DMA,
        pltpu.SemaphoreType.DMA,
        pltpu.SemaphoreType.DMA,
        pltpu.SemaphoreType.DMA,
        pltpu.SemaphoreType.DMA,
        pltpu.SemaphoreType.DMA,
        pltpu.SemaphoreType.DMA,
    ],
    compiler_params=pltpu.CompilerParams(use_tc_tiling_on_sc=False),
)(_scw_body)


def _prep_body(x_ref, f_ref, ei_ref, o_ref, sd_ref):
    x = x_ref[...]
    q = jnp.sum(x * x, axis=1, keepdims=True)
    one = jnp.ones_like(q)
    pad = jnp.zeros((x.shape[0], PAY - D - 5), jnp.float32)
    o_ref[...] = jnp.concatenate([f_ref[...], x, q, one, pad], axis=1)
    e = ei_ref[...]
    sd_ref[...] = jnp.stack([e[0], e[1]], axis=1).reshape(sd_ref.shape)


def _epi_body(acc_ref, accw_ref, fn_ref, wg_ref, w2_ref, w3_ref, w4_ref,
              wu_ref, bu_ref, o_ref):
    A = acc_ref[0] + acc_ref[1]
    Bw = accw_ref[0] + accw_ref[1]
    fn = fn_ref[...]
    f = fn[:, :D]
    xv = fn[:, D:D + 3]
    q = fn[:, D + 3:D + 4]
    Ax = A[:, D:D + 3]
    Aq = A[:, D + 3:D + 4]
    deg = A[:, D + 4:D + 5]
    s = Aq + deg * q - 2.0 * jnp.sum(xv * Ax, axis=1, keepdims=True)
    m = (jnp.dot(A, wg_ref[...], preferred_element_type=jnp.float32)
         + jnp.dot(Bw, w3_ref[...], preferred_element_type=jnp.float32)
         + deg * jnp.dot(f, w2_ref[...], preferred_element_type=jnp.float32)
         + s * w4_ref[...])
    o_ref[...] = (jnp.dot(m + f, wu_ref[...], preferred_element_type=jnp.float32)
                  + bu_ref[...])


def kernel(x, f, w, W_msg, b_msg, W_upd, b_upd, edge_index):
    x = x.astype(jnp.float32)
    f = f.astype(jnp.float32)
    w = w.astype(jnp.float32)

    ei3 = edge_index.reshape(2, EROWS, C)
    dstw = jnp.concatenate(
        [edge_index[1],
         N + (jnp.arange(WPAD, dtype=jnp.int32) % (N_ACC - N))])

    wg = jnp.zeros((PAY, D), jnp.float32)
    wg = wg.at[:D].set(W_msg[:D])
    wg = wg.at[D + 4].set(b_msg)
    w2 = W_msg[D:2 * D]
    w3 = W_msg[2 * D:2 * D + DE]
    w4 = W_msg[2 * D + DE:2 * D + DE + 1]
    bu = b_upd.reshape(1, D)

    nblk = N // BP
    erb = EROWS // nblk
    fnode, sd = pl.pallas_call(
        _prep_body,
        out_shape=[
            jax.ShapeDtypeStruct((N_ACC, PAY), jnp.float32),
            jax.ShapeDtypeStruct((2 * EROWS, C), jnp.int32),
        ],
        grid=(nblk,),
        in_specs=[
            pl.BlockSpec((BP, 3), lambda i: (i, 0)),
            pl.BlockSpec((BP, D), lambda i: (i, 0)),
            pl.BlockSpec((2, erb, C), lambda i: (0, i, 0)),
        ],
        out_specs=[
            pl.BlockSpec((BP, PAY), lambda i: (i, 0)),
            pl.BlockSpec((2 * erb, C), lambda i: (i, 0)),
        ],
    )(x, f, ei3)

    accf = _sc_segsum(fnode, sd)
    accw = _scw_segsum(w, dstw)

    out = pl.pallas_call(
        _epi_body,
        out_shape=jax.ShapeDtypeStruct((N, D), jnp.float32),
        grid=(N // BN,),
        in_specs=[
            pl.BlockSpec((NC, BN, PAY), lambda i: (0, i, 0)),
            pl.BlockSpec((NC, BN, DE), lambda i: (0, i, 0)),
            pl.BlockSpec((BN, PAY), lambda i: (i, 0)),
            pl.BlockSpec((PAY, D), lambda i: (0, 0)),
            pl.BlockSpec((D, D), lambda i: (0, 0)),
            pl.BlockSpec((DE, D), lambda i: (0, 0)),
            pl.BlockSpec((1, D), lambda i: (0, 0)),
            pl.BlockSpec((D, D), lambda i: (0, 0)),
            pl.BlockSpec((1, D), lambda i: (0, 0)),
        ],
        out_specs=pl.BlockSpec((BN, D), lambda i: (i, 0)),
    )(accf, accw, fnode, wg, w2, w3, w4, W_upd, bu)

    return out

# --- scband reference (transcript-rebuilt; emitter-appended) ---
"""Pipeline reference for scband-mplayer-28681791603324 (READ-ONLY COPY).

The authoritative reference and input builder live on the scoring server;
editing this copy changes nothing except your own understanding.
"""

import jax, jax.numpy as jnp
import numpy as np

N = 10000
E = 320000
D = 128
DE = 16


def setup_inputs(seed: int = 0) -> dict:
    key = jax.random.key(seed)
    ks = jax.random.split(key, 8)
    x = jax.random.normal(ks[0], (N, 3), dtype=jnp.float32)
    f = jax.random.normal(ks[1], (N, D), dtype=jnp.float32)
    edge_index = jax.random.randint(ks[2], (2, E), 0, N, dtype=jnp.int32)
    w = jax.random.normal(ks[3], (E, DE), dtype=jnp.float32)
    # message_network: Linear(2*D + DE + 1 -> D)
    W_msg = jax.random.normal(ks[4], (2 * D + DE + 1, D), dtype=jnp.float32) * 0.05
    b_msg = jnp.zeros((D,), dtype=jnp.float32)
    # update_network: Linear(D -> D)
    W_upd = jax.random.normal(ks[5], (D, D), dtype=jnp.float32) * 0.05
    b_upd = jnp.zeros((D,), dtype=jnp.float32)
    return {"x": x, "f": f, "w": w, "W_msg": W_msg, "b_msg": b_msg, "W_upd": W_upd, "b_upd": b_upd, "edge_index": edge_index}


def reference(x, f, w, W_msg, b_msg, W_upd, b_upd, edge_index):
    src = edge_index[0]
    dst = edge_index[1]
    # message_function: squared distance between src/dst positions
    squared_distance = jnp.sum((x[src] - x[dst]) ** 2, axis=-1, keepdims=True)
    message_input = jnp.concatenate([f[src], f[dst], w, squared_distance], axis=-1)
    m = message_input @ W_msg + b_msg  # message_network
    # reduce: fn.sum(msg='m', out='m_sum') -> scatter-add onto dst nodes
    m_sum = jax.ops.segment_sum(m, dst, num_segments=N)
    # update_function: f = update_network(m_sum + f)
    f_new = (m_sum + f) @ W_upd + b_upd
    return f_new

if __name__ == "__main__":
    import jax
    _d = setup_inputs()
    print(jax.jit(kernel)(*tuple(_d.values())))

</pallas_src>

<mosaic_0001>
#map = affine_map<(d0, d1) -> (0, 0)>
#map1 = affine_map<(d0, d1) -> (0)>
#map2 = affine_map<(d0, d1) -> (0, 0, 0)>
module attributes {stable_mosaic.version = 14 : i64} {
  func.func @_scw_body(%arg0: i32, %arg1: i32, %arg2: memref<320000x16xf32, #tpu.memory_space<hbm>>, %arg3: memref<327680xi32, #tpu.memory_space<hbm>>, %arg4: memref<2x10240x16xf32, #tpu.memory_space<hbm>>, %arg5: memref<128xi32, #tpu.memory_space<vmem>>, %arg6: memref<128xi32, #tpu.memory_space<vmem>>, %arg7: memref<128xi32, #tpu.memory_space<vmem>>, %arg8: memref<128xi32, #tpu.memory_space<vmem>>, %arg9: memref<128x16xf32, #tpu.memory_space<vmem>>, %arg10: memref<128x16xf32, #tpu.memory_space<vmem>>, %arg11: memref<10240x16xf32, #tpu.memory_space<vmem_shared>>, %arg12: memref<!tpu.dma_semaphore, #tpu.memory_space<semaphore_mem>>, %arg13: memref<!tpu.dma_semaphore, #tpu.memory_space<semaphore_mem>>, %arg14: memref<!tpu.dma_semaphore, #tpu.memory_space<semaphore_mem>>, %arg15: memref<!tpu.dma_semaphore, #tpu.memory_space<semaphore_mem>>, %arg16: memref<!tpu.dma_semaphore, #tpu.memory_space<semaphore_mem>>, %arg17: memref<!tpu.dma_semaphore, #tpu.memory_space<semaphore_mem>>, %arg18: memref<!tpu.dma_semaphore, #tpu.memory_space<semaphore_mem>>, %arg19: memref<!tpu.dma_semaphore, #tpu.memory_space<semaphore_mem>>) attributes {dimension_semantics = [#tpu.dimension_semantics<core_parallel>, #tpu.dimension_semantics<subcore_parallel>], iteration_bounds = array<i64: 2, 16>, scalar_prefetch = 0 : i64, scratch_operands = 15 : i64, tpu.core_type = #tpu.core_type<sc_vector_subcore>, window_params = [{transform_indices = #map}, {transform_indices = #map1}, {transform_indices = #map2}]} {
    %mul3A = arith.constant 640 : i32
    %mul3A_0 = arith.muli %arg1, %mul3A : i32
    %mul3A_1 = arith.constant 2 : i32
    %mul3A_2 = arith.muli %arg1, %mul3A_1 : i32
    %add3A = arith.addi %mul3A_2, %arg0 : i32
    %mul3A_3 = arith.constant 80 : i32
    %mul3A_4 = arith.muli %add3A, %mul3A_3 : i32
    %broadcast_in_dim3A = arith.constant 0.000000e+00 : f32
    %broadcast_in_dim3A_5 = vector.broadcast %broadcast_in_dim3A : f32 to vector<16xf32>
    %scan3A = arith.constant 0 : i32
    %scan3A_6 = arith.constant 0 : i32
    %scan3A_7 = arith.constant 128 : i32
    %scan3A_8 = arith.addi %scan3A_6, %scan3A_7 : i32
    %scan3A_9 = arith.constant 1 : i32
    scf.for %scan3A_104 = %scan3A_6 to %scan3A_8 step %scan3A_9  : i32 {
      %swap3A = arith.index_cast %scan3A_104 : i32 to index
      %swap3A_105 = arith.constant 0 : index
      %swap3A_106 = tpu.vector_load %arg9[%swap3A, %swap3A_105] {strides = array<i32>} : memref<128x16xf32, #tpu.memory_space<vmem>>, vector<1x16xf32>,
      %swap3A_107 = vector.shape_cast %swap3A_106 : vector<1x16xf32> to vector<16xf32>
      %swap3A_108 = vector.shape_cast %broadcast_in_dim3A_5 : vector<16xf32> to vector<1x16xf32>
      tpu.vector_store %arg9[%swap3A, %swap3A_105], %swap3A_108 {strides = array<i32>} : memref<128x16xf32, #tpu.memory_space<vmem>>, vector<1x16xf32>,
    }
    %scan3A_10 = arith.constant 128 : i32
    %add3A_11 = arith.constant 0 : i32
    %add3A_12 = arith.addi %mul3A_0, %add3A_11 : i32
    %dma_start3A = arith.constant 0 : i32
    %dma_start3A_13 = tpu.memref_slice %arg11[%add3A_12, %dma_start3A] : memref<10240x16xf32, #tpu.memory_space<vmem_shared>> -> memref<128x16xf32, #tpu.memory_space<vmem_shared>>
    %dma_start3A_14 = arith.constant 0 : i32
    %dma_start3A_15 = tpu.memref_slice %arg11[%add3A_12, %dma_start3A_14] : memref<10240x16xf32, #tpu.memory_space<vmem_shared>> -> memref<128x16xf32, #tpu.memory_space<vmem_shared>>
    tpu.enqueue_dma source(%arg9 : memref<128x16xf32, #tpu.memory_space<vmem>>) target(%dma_start3A_15 : memref<128x16xf32, #tpu.memory_space<vmem_shared>>) target_semaphore(%arg16 : memref<!tpu.dma_semaphore, #tpu.memory_space<semaphore_mem>>)
    %add3A_16 = arith.constant 128 : i32
    %add3A_17 = arith.addi %mul3A_0, %add3A_16 : i32
    %dma_start3A_18 = arith.constant 0 : i32
    %dma_start3A_19 = tpu.memref_slice %arg11[%add3A_17, %dma_start3A_18] : memref<10240x16xf32, #tpu.memory_space<vmem_shared>> -> memref<128x16xf32, #tpu.memory_space<vmem_shared>>
    %dma_start3A_20 = arith.constant 0 : i32
    %dma_start3A_21 = tpu.memref_slice %arg11[%add3A_17, %dma_start3A_20] : memref<10240x16xf32, #tpu.memory_space<vmem_shared>> -> memref<128x16xf32, #tpu.memory_space<vmem_shared>>
    tpu.enqueue_dma source(%arg9 : memref<128x16xf32, #tpu.memory_space<vmem>>) target(%dma_start3A_21 : memref<128x16xf32, #tpu.memory_space<vmem_shared>>) target_semaphore(%arg16 : memref<!tpu.dma_semaphore, #tpu.memory_space<semaphore_mem>>)
    %add3A_22 = arith.constant 256 : i32
    %add3A_23 = arith.addi %mul3A_0, %add3A_22 : i32
    %dma_start3A_24 = arith.constant 0 : i32
    %dma_start3A_25 = tpu.memref_slice %arg11[%add3A_23, %dma_start3A_24] : memref<10240x16xf32, #tpu.memory_space<vmem_shared>> -> memref<128x16xf32, #tpu.memory_space<vmem_shared>>
    %dma_start3A_26 = arith.constant 0 : i32
    %dma_start3A_27 = tpu.memref_slice %arg11[%add3A_23, %dma_start3A_26] : memref<10240x16xf32, #tpu.memory_space<vmem_shared>> -> memref<128x16xf32, #tpu.memory_space<vmem_shared>>
    tpu.enqueue_dma source(%arg9 : memref<128x16xf32, #tpu.memory_space<vmem>>) target(%dma_start3A_27 : memref<128x16xf32, #tpu.memory_space<vmem_shared>>) target_semaphore(%arg16 : memref<!tpu.dma_semaphore, #tpu.memory_space<semaphore_mem>>)
    %add3A_28 = arith.constant 384 : i32
    %add3A_29 = arith.addi %mul3A_0, %add3A_28 : i32
    %dma_start3A_30 = arith.constant 0 : i32
    %dma_start3A_31 = tpu.memref_slice %arg11[%add3A_29, %dma_start3A_30] : memref<10240x16xf32, #tpu.memory_space<vmem_shared>> -> memref<128x16xf32, #tpu.memory_space<vmem_shared>>
    %dma_start3A_32 = arith.constant 0 : i32
    %dma_start3A_33 = tpu.memref_slice %arg11[%add3A_29, %dma_start3A_32] : memref<10240x16xf32, #tpu.memory_space<vmem_shared>> -> memref<128x16xf32, #tpu.memory_space<vmem_shared>>
    tpu.enqueue_dma source(%arg9 : memref<128x16xf32, #tpu.memory_space<vmem>>) target(%dma_start3A_33 : memref<128x16xf32, #tpu.memory_space<vmem_shared>>) target_semaphore(%arg16 : memref<!tpu.dma_semaphore, #tpu.memory_space<semaphore_mem>>)
    %add3A_34 = arith.constant 512 : i32
    %add3A_35 = arith.addi %mul3A_0, %add3A_34 : i32
    %dma_start3A_36 = arith.constant 0 : i32
    %dma_start3A_37 = tpu.memref_slice %arg11[%add3A_35, %dma_start3A_36] : memref<10240x16xf32, #tpu.memory_space<vmem_shared>> -> memref<128x16xf32, #tpu.memory_space<vmem_shared>>
    %dma_start3A_38 = arith.constant 0 : i32
    %dma_start3A_39 = tpu.memref_slice %arg11[%add3A_35, %dma_start3A_38] : memref<10240x16xf32, #tpu.memory_space<vmem_shared>> -> memref<128x16xf32, #tpu.memory_space<vmem_shared>>
    tpu.enqueue_dma source(%arg9 : memref<128x16xf32, #tpu.memory_space<vmem>>) target(%dma_start3A_39 : memref<128x16xf32, #tpu.memory_space<vmem_shared>>) target_semaphore(%arg16 : memref<!tpu.dma_semaphore, #tpu.memory_space<semaphore_mem>>)
    %dma_wait3A = arith.constant 0 : i32
    %dma_wait3A_40 = arith.constant 0 : i32
    %dma_wait3A_41 = tpu.memref_slice %arg11[%dma_wait3A, %dma_wait3A_40] : memref<10240x16xf32, #tpu.memory_space<vmem_shared>> -> memref<128x16xf32, #tpu.memory_space<vmem_shared>>
    %dma_wait3A_42 = arith.constant 0 : i32
    %dma_wait3A_43 = arith.constant 0 : i32
    %dma_wait3A_44 = tpu.memref_slice %arg11[%dma_wait3A_42, %dma_wait3A_43] : memref<10240x16xf32, #tpu.memory_space<vmem_shared>> -> memref<128x16xf32, #tpu.memory_space<vmem_shared>>
    tpu.wait_dma2 semaphore(%arg16 : memref<!tpu.dma_semaphore, #tpu.memory_space<semaphore_mem>>) src(%arg9 : memref<128x16xf32, #tpu.memory_space<vmem>>) dst(%dma_wait3A_44 : memref<128x16xf32, #tpu.memory_space<vmem_shared>>)
    %dma_wait3A_45 = arith.constant 0 : i32
    %dma_wait3A_46 = arith.constant 0 : i32
    %dma_wait3A_47 = tpu.memref_slice %arg11[%dma_wait3A_45, %dma_wait3A_46] : memref<10240x16xf32, #tpu.memory_space<vmem_shared>> -> memref<128x16xf32, #tpu.memory_space<vmem_shared>>
    %dma_wait3A_48 = arith.constant 0 : i32
    %dma_wait3A_49 = arith.constant 0 : i32
    %dma_wait3A_50 = tpu.memref_slice %arg11[%dma_wait3A_48, %dma_wait3A_49] : memref<10240x16xf32, #tpu.memory_space<vmem_shared>> -> memref<128x16xf32, #tpu.memory_space<vmem_shared>>
    tpu.wait_dma2 semaphore(%arg16 : memref<!tpu.dma_semaphore, #tpu.memory_space<semaphore_mem>>) src(%arg9 : memref<128x16xf32, #tpu.memory_space<vmem>>) dst(%dma_wait3A_50 : memref<128x16xf32, #tpu.memory_space<vmem_shared>>)
    %dma_wait3A_51 = arith.constant 0 : i32
    %dma_wait3A_52 = arith.constant 0 : i32
    %dma_wait3A_53 = tpu.memref_slice %arg11[%dma_wait3A_51, %dma_wait3A_52] : memref<10240x16xf32, #tpu.memory_space<vmem_shared>> -> memref<128x16xf32, #tpu.memory_space<vmem_shared>>
    %dma_wait3A_54 = arith.constant 0 : i32
    %dma_wait3A_55 = arith.constant 0 : i32
    %dma_wait3A_56 = tpu.memref_slice %arg11[%dma_wait3A_54, %dma_wait3A_55] : memref<10240x16xf32, #tpu.memory_space<vmem_shared>> -> memref<128x16xf32, #tpu.memory_space<vmem_shared>>
    tpu.wait_dma2 semaphore(%arg16 : memref<!tpu.dma_semaphore, #tpu.memory_space<semaphore_mem>>) src(%arg9 : memref<128x16xf32, #tpu.memory_space<vmem>>) dst(%dma_wait3A_56 : memref<128x16xf32, #tpu.memory_space<vmem_shared>>)
    %dma_wait3A_57 = arith.constant 0 : i32
    %dma_wait3A_58 = arith.constant 0 : i32
    %dma_wait3A_59 = tpu.memref_slice %arg11[%dma_wait3A_57, %dma_wait3A_58] : memref<10240x16xf32, #tpu.memory_space<vmem_shared>> -> memref<128x16xf32, #tpu.memory_space<vmem_shared>>
    %dma_wait3A_60 = arith.constant 0 : i32
    %dma_wait3A_61 = arith.constant 0 : i32
    %dma_wait3A_62 = tpu.memref_slice %arg11[%dma_wait3A_60, %dma_wait3A_61] : memref<10240x16xf32, #tpu.memory_space<vmem_shared>> -> memref<128x16xf32, #tpu.memory_space<vmem_shared>>
    tpu.wait_dma2 semaphore(%arg16 : memref<!tpu.dma_semaphore, #tpu.memory_space<semaphore_mem>>) src(%arg9 : memref<128x16xf32, #tpu.memory_space<vmem>>) dst(%dma_wait3A_62 : memref<128x16xf32, #tpu.memory_space<vmem_shared>>)
    %dma_wait3A_63 = arith.constant 0 : i32
    %dma_wait3A_64 = arith.constant 0 : i32
    %dma_wait3A_65 = tpu.memref_slice %arg11[%dma_wait3A_63, %dma_wait3A_64] : memref<10240x16xf32, #tpu.memory_space<vmem_shared>> -> memref<128x16xf32, #tpu.memory_space<vmem_shared>>
    %dma_wait3A_66 = arith.constant 0 : i32
    %dma_wait3A_67 = arith.constant 0 : i32
    %dma_wait3A_68 = tpu.memref_slice %arg11[%dma_wait3A_66, %dma_wait3A_67] : memref<10240x16xf32, #tpu.memory_space<vmem_shared>> -> memref<128x16xf32, #tpu.memory_space<vmem_shared>>
    tpu.wait_dma2 semaphore(%arg16 : memref<!tpu.dma_semaphore, #tpu.memory_space<semaphore_mem>>) src(%arg9 : memref<128x16xf32, #tpu.memory_space<vmem>>) dst(%dma_wait3A_68 : memref<128x16xf32, #tpu.memory_space<vmem_shared>>)
    %barrier3A = arith.constant 0 : index
    tpu.barrier barrier_id(%barrier3A)
    %add3A_69 = arith.constant 0 : i32
    %add3A_70 = arith.addi %mul3A_4, %add3A_69 : i32
    %mul3A_71 = arith.constant 128 : i32
    %mul3A_72 = arith.muli %add3A_70, %mul3A_71 : i32
    %multiple_of3A = tpu.assume_multiple %mul3A_72, 128 : i32
    %dma_start3A_73 = tpu.memref_slice %arg3[%multiple_of3A] : memref<327680xi32, #tpu.memory_space<hbm>> -> memref<128xi32, #tpu.memory_space<hbm>>
    %dma_start3A_74 = tpu.memref_slice %arg3[%multiple_of3A] : memref<327680xi32, #tpu.memory_space<hbm>> -> memref<128xi32, #tpu.memory_space<hbm>>
    tpu.enqueue_dma source(%dma_start3A_74 : memref<128xi32, #tpu.memory_space<hbm>>) target(%arg5 : memref<128xi32, #tpu.memory_space<vmem>>) target_semaphore(%arg12 : memref<!tpu.dma_semaphore, #tpu.memory_space<semaphore_mem>>)
    %add3A_75 = arith.constant 1 : i32
    %add3A_76 = arith.addi %mul3A_4, %add3A_75 : i32
    %mul3A_77 = arith.constant 128 : i32
    %mul3A_78 = arith.muli %add3A_76, %mul3A_77 : i32
    %multiple_of3A_79 = tpu.assume_multiple %mul3A_78, 128 : i32
    %dma_start3A_80 = tpu.memref_slice %arg3[%multiple_of3A_79] : memref<327680xi32, #tpu.memory_space<hbm>> -> memref<128xi32, #tpu.memory_space<hbm>>
    %dma_start3A_81 = tpu.memref_slice %arg3[%multiple_of3A_79] : memref<327680xi32, #tpu.memory_space<hbm>> -> memref<128xi32, #tpu.memory_space<hbm>>
    tpu.enqueue_dma source(%dma_start3A_81 : memref<128xi32, #tpu.memory_space<hbm>>) target(%arg6 : memref<128xi32, #tpu.memory_space<vmem>>) target_semaphore(%arg13 : memref<!tpu.dma_semaphore, #tpu.memory_space<semaphore_mem>>)
    %scan3A_82 = arith.constant 0 : i32
    %scan3A_83 = arith.constant 0 : i32
    %scan3A_84 = arith.constant 20 : i32
    %scan3A_85 = arith.addi %scan3A_83, %scan3A_84 : i32
    %scan3A_86 = arith.constant 1 : i32
    scf.for %scan3A_104 = %scan3A_83 to %scan3A_85 step %scan3A_86  : i32 {
      %mul3A_105 = arith.constant 4 : i32
      %mul3A_106 = arith.muli %mul3A_105, %scan3A_104 : i32
      %add3A_107 = arith.constant 0 : i32
      %add3A_108 = arith.addi %mul3A_106, %add3A_107 : i32
      %dma_wait3A_109 = arith.constant 0 : i32
      %dma_wait3A_110 = tpu.memref_slice %arg3[%dma_wait3A_109] : memref<327680xi32, #tpu.memory_space<hbm>> -> memref<128xi32, #tpu.memory_space<hbm>>
      %dma_wait3A_111 = arith.constant 0 : i32
      %dma_wait3A_112 = tpu.memref_slice %arg3[%dma_wait3A_111] : memref<327680xi32, #tpu.memory_space<hbm>> -> memref<128xi32, #tpu.memory_space<hbm>>
      tpu.wait_dma2 semaphore(%arg12 : memref<!tpu.dma_semaphore, #tpu.memory_space<semaphore_mem>>) src(%dma_wait3A_112 : memref<128xi32, #tpu.memory_space<hbm>>) dst(%arg5 : memref<128xi32, #tpu.memory_space<vmem>>)
      %ge3A = arith.constant 2 : i32
      %ge3A_113 = arith.cmpi sge, %add3A_108, %ge3A : i32
      %convert_element_type3A = arith.extui %ge3A_113 : i1 to i32
      %cond3A = arith.constant 0 : i32
      %cond3A_114 = arith.cmpi ne, %convert_element_type3A, %cond3A : i32
      scf.if %cond3A_114 {
        %dma_wait3A_240 = arith.constant 0 : i32
        %dma_wait3A_241 = arith.constant 0 : i32
        %dma_wait3A_242 = tpu.memref_slice %arg11[%dma_wait3A_240, %dma_wait3A_241] : memref<10240x16xf32, #tpu.memory_space<vmem_shared>> -> memref<10240x16xf32, #tpu.memory_space<vmem_shared>>
        tpu.wait_indirect_dma semaphore(%arg18 : memref<!tpu.dma_semaphore, #tpu.memory_space<semaphore_mem>>) src(%arg9 : memref<128x16xf32, #tpu.memory_space<vmem>>) dst(%dma_wait3A_242 : memref<10240x16xf32, #tpu.memory_space<vmem_shared>>)
      } else {
      }
      %add3A_115 = arith.addi %mul3A_4, %add3A_108 : i32
      %min3A = arith.constant 2499 : i32
      %min3A_116 = arith.minsi %add3A_115, %min3A : i32
      %mul3A_117 = arith.constant 128 : i32
      %mul3A_118 = arith.muli %min3A_116, %mul3A_117 : i32
      %multiple_of3A_119 = tpu.assume_multiple %mul3A_118, 128 : i32
      %dma_start3A_120 = arith.constant 0 : i32
      %dma_start3A_121 = tpu.memref_slice %arg2[%multiple_of3A_119, %dma_start3A_120] : memref<320000x16xf32, #tpu.memory_space<hbm>> -> memref<128x16xf32, #tpu.memory_space<hbm>>
      %dma_start3A_122 = arith.constant 0 : i32
      %dma_start3A_123 = tpu.memref_slice %arg2[%multiple_of3A_119, %dma_start3A_122] : memref<320000x16xf32, #tpu.memory_space<hbm>> -> memref<128x16xf32, #tpu.memory_space<hbm>>
      tpu.enqueue_dma source(%dma_start3A_123 : memref<128x16xf32, #tpu.memory_space<hbm>>) target(%arg9 : memref<128x16xf32, #tpu.memory_space<vmem>>) target_semaphore(%arg16 : memref<!tpu.dma_semaphore, #tpu.memory_space<semaphore_mem>>)
      %ge3A_124 = arith.constant 1 : i32
      %ge3A_125 = arith.cmpi sge, %add3A_108, %ge3A_124 : i32
      %convert_element_type3A_126 = arith.extui %ge3A_125 : i1 to i32
      %cond3A_127 = arith.constant 0 : i32
      %cond3A_128 = arith.cmpi ne, %convert_element_type3A_126, %cond3A_127 : i32
      scf.if %cond3A_128 {
        %dma_wait3A_240 = arith.constant 0 : i32
        %dma_wait3A_241 = arith.constant 0 : i32
        %dma_wait3A_242 = tpu.memref_slice %arg2[%dma_wait3A_240, %dma_wait3A_241] : memref<320000x16xf32, #tpu.memory_space<hbm>> -> memref<128x16xf32, #tpu.memory_space<hbm>>
        %dma_wait3A_243 = arith.constant 0 : i32
        %dma_wait3A_244 = arith.constant 0 : i32
        %dma_wait3A_245 = tpu.memref_slice %arg2[%dma_wait3A_243, %dma_wait3A_244] : memref<320000x16xf32, #tpu.memory_space<hbm>> -> memref<128x16xf32, #tpu.memory_space<hbm>>
        tpu.wait_dma2 semaphore(%arg17 : memref<!tpu.dma_semaphore, #tpu.memory_space<semaphore_mem>>) src(%dma_wait3A_245 : memref<128x16xf32, #tpu.memory_space<hbm>>) dst(%arg10 : memref<128x16xf32, #tpu.memory_space<vmem>>)
        %dma_start3A_246 = arith.constant 0 : i32
        %dma_start3A_247 = arith.constant 0 : i32
        %dma_start3A_248 = tpu.memref_slice %arg11[%dma_start3A_246, %dma_start3A_247] : memref<10240x16xf32, #tpu.memory_space<vmem_shared>> -> memref<10240x16xf32, #tpu.memory_space<vmem_shared>>
        tpu.enqueue_indirect_dma source(%arg10 : memref<128x16xf32, #tpu.memory_space<vmem>>) target(%dma_start3A_248 : memref<10240x16xf32, #tpu.memory_space<vmem_shared>>) offsets(%arg8 : memref<128xi32, #tpu.memory_space<vmem>>) semaphore(%arg19 : memref<!tpu.dma_semaphore, #tpu.memory_space<semaphore_mem>>) {add = true}
      } else {
      }
      %add3A_129 = arith.constant 2 : i32
      %add3A_130 = arith.addi %add3A_108, %add3A_129 : i32
      %lt3A = arith.constant 80 : i32
      %lt3A_131 = arith.cmpi slt, %add3A_130, %lt3A : i32
      %convert_element_type3A_132 = arith.extui %lt3A_131 : i1 to i32
      %cond3A_133 = arith.constant 0 : i32
      %cond3A_134 = arith.cmpi ne, %convert_element_type3A_132, %cond3A_133 : i32
      scf.if %cond3A_134 {
        %add3A_240 = arith.constant 2 : i32
        %add3A_241 = arith.addi %add3A_108, %add3A_240 : i32
        %add3A_242 = arith.addi %mul3A_4, %add3A_241 : i32
        %mul3A_243 = arith.constant 128 : i32
        %mul3A_244 = arith.muli %add3A_242, %mul3A_243 : i32
        %multiple_of3A_245 = tpu.assume_multiple %mul3A_244, 128 : i32
        %dma_start3A_246 = tpu.memref_slice %arg3[%multiple_of3A_245] : memref<327680xi32, #tpu.memory_space<hbm>> -> memref<128xi32, #tpu.memory_space<hbm>>
        %dma_start3A_247 = tpu.memref_slice %arg3[%multiple_of3A_245] : memref<327680xi32, #tpu.memory_space<hbm>> -> memref<128xi32, #tpu.memory_space<hbm>>
        tpu.enqueue_dma source(%dma_start3A_247 : memref<128xi32, #tpu.memory_space<hbm>>) target(%arg7 : memref<128xi32, #tpu.memory_space<vmem>>) target_semaphore(%arg14 : memref<!tpu.dma_semaphore, #tpu.memory_space<semaphore_mem>>)
      } else {
      }
      %mul3A_135 = arith.constant 4 : i32
      %mul3A_136 = arith.muli %mul3A_135, %scan3A_104 : i32
      %add3A_137 = arith.constant 1 : i32
      %add3A_138 = arith.addi %mul3A_136, %add3A_137 : i32
      %dma_wait3A_139 = arith.constant 0 : i32
      %dma_wait3A_140 = tpu.memref_slice %arg3[%dma_wait3A_139] : memref<327680xi32, #tpu.memory_space<hbm>> -> memref<128xi32, #tpu.memory_space<hbm>>
      %dma_wait3A_141 = arith.constant 0 : i32
      %dma_wait3A_142 = tpu.memref_slice %arg3[%dma_wait3A_141] : memref<327680xi32, #tpu.memory_space<hbm>> -> memref<128xi32, #tpu.memory_space<hbm>>
      tpu.wait_dma2 semaphore(%arg13 : memref<!tpu.dma_semaphore, #tpu.memory_space<semaphore_mem>>) src(%dma_wait3A_142 : memref<128xi32, #tpu.memory_space<hbm>>) dst(%arg6 : memref<128xi32, #tpu.memory_space<vmem>>)
      %ge3A_143 = arith.constant 2 : i32
      %ge3A_144 = arith.cmpi sge, %add3A_138, %ge3A_143 : i32
      %convert_element_type3A_145 = arith.extui %ge3A_144 : i1 to i32
      %cond3A_146 = arith.constant 0 : i32
      %cond3A_147 = arith.cmpi ne, %convert_element_type3A_145, %cond3A_146 : i32
      scf.if %cond3A_147 {
        %dma_wait3A_240 = arith.constant 0 : i32
        %dma_wait3A_241 = arith.constant 0 : i32
        %dma_wait3A_242 = tpu.memref_slice %arg11[%dma_wait3A_240, %dma_wait3A_241] : memref<10240x16xf32, #tpu.memory_space<vmem_shared>> -> memref<10240x16xf32, #tpu.memory_space<vmem_shared>>
        tpu.wait_indirect_dma semaphore(%arg19 : memref<!tpu.dma_semaphore, #tpu.memory_space<semaphore_mem>>) src(%arg10 : memref<128x16xf32, #tpu.memory_space<vmem>>) dst(%dma_wait3A_242 : memref<10240x16xf32, #tpu.memory_space<vmem_shared>>)
      } else {
      }
      %add3A_148 = arith.addi %mul3A_4, %add3A_138 : i32
      %min3A_149 = arith.constant 2499 : i32
      %min3A_150 = arith.minsi %add3A_148, %min3A_149 : i32
      %mul3A_151 = arith.constant 128 : i32
      %mul3A_152 = arith.muli %min3A_150, %mul3A_151 : i32
      %multiple_of3A_153 = tpu.assume_multiple %mul3A_152, 128 : i32
      %dma_start3A_154 = arith.constant 0 : i32
      %dma_start3A_155 = tpu.memref_slice %arg2[%multiple_of3A_153, %dma_start3A_154] : memref<320000x16xf32, #tpu.memory_space<hbm>> -> memref<128x16xf32, #tpu.memory_space<hbm>>
      %dma_start3A_156 = arith.constant 0 : i32
      %dma_start3A_157 = tpu.memref_slice %arg2[%multiple_of3A_153, %dma_start3A_156] : memref<320000x16xf32, #tpu.memory_space<hbm>> -> memref<128x16xf32, #tpu.memory_space<hbm>>
      tpu.enqueue_dma source(%dma_start3A_157 : memref<128x16xf32, #tpu.memory_space<hbm>>) target(%arg10 : memref<128x16xf32, #tpu.memory_space<vmem>>) target_semaphore(%arg17 : memref<!tpu.dma_semaphore, #tpu.memory_space<semaphore_mem>>)
      %ge3A_158 = arith.constant 1 : i32
      %ge3A_159 = arith.cmpi sge, %add3A_138, %ge3A_158 : i32
      %convert_element_type3A_160 = arith.extui %ge3A_159 : i1 to i32
      %cond3A_161 = arith.constant 0 : i32
      %cond3A_162 = arith.cmpi ne, %convert_element_type3A_160, %cond3A_161 : i32
      scf.if %cond3A_162 {
        %dma_wait3A_240 = arith.constant 0 : i32
        %dma_wait3A_241 = arith.constant 0 : i32
        %dma_wait3A_242 = tpu.memref_slice %arg2[%dma_wait3A_240, %dma_wait3A_241] : memref<320000x16xf32, #tpu.memory_space<hbm>> -> memref<128x16xf32, #tpu.memory_space<hbm>>
        %dma_wait3A_243 = arith.constant 0 : i32
        %dma_wait3A_244 = arith.constant 0 : i32
        %dma_wait3A_245 = tpu.memref_slice %arg2[%dma_wait3A_243, %dma_wait3A_244] : memref<320000x16xf32, #tpu.memory_space<hbm>> -> memref<128x16xf32, #tpu.memory_space<hbm>>
        tpu.wait_dma2 semaphore(%arg16 : memref<!tpu.dma_semaphore, #tpu.memory_space<semaphore_mem>>) src(%dma_wait3A_245 : memref<128x16xf32, #tpu.memory_space<hbm>>) dst(%arg9 : memref<128x16xf32, #tpu.memory_space<vmem>>)
        %dma_start3A_246 = arith.constant 0 : i32
        %dma_start3A_247 = arith.constant 0 : i32
        %dma_start3A_248 = tpu.memref_slice %arg11[%dma_start3A_246, %dma_start3A_247] : memref<10240x16xf32, #tpu.memory_space<vmem_shared>> -> memref<10240x16xf32, #tpu.memory_space<vmem_shared>>
        tpu.enqueue_indirect_dma source(%arg9 : memref<128x16xf32, #tpu.memory_space<vmem>>) target(%dma_start3A_248 : memref<10240x16xf32, #tpu.memory_space<vmem_shared>>) offsets(%arg5 : memref<128xi32, #tpu.memory_space<vmem>>) semaphore(%arg18 : memref<!tpu.dma_semaphore, #tpu.memory_space<semaphore_mem>>) {add = true}
      } else {
      }
      %add3A_163 = arith.constant 2 : i32
      %add3A_164 = arith.addi %add3A_138, %add3A_163 : i32
      %lt3A_165 = arith.constant 80 : i32
      %lt3A_166 = arith.cmpi slt, %add3A_164, %lt3A_165 : i32
      %convert_element_type3A_167 = arith.extui %lt3A_166 : i1 to i32
      %cond3A_168 = arith.constant 0 : i32
      %cond3A_169 = arith.cmpi ne, %convert_element_type3A_167, %cond3A_168 : i32
      scf.if %cond3A_169 {
        %add3A_240 = arith.constant 2 : i32
        %add3A_241 = arith.addi %add3A_138, %add3A_240 : i32
        %add3A_242 = arith.addi %mul3A_4, %add3A_241 : i32
        %mul3A_243 = arith.constant 128 : i32
        %mul3A_244 = arith.muli %add3A_242, %mul3A_243 : i32
        %multiple_of3A_245 = tpu.assume_multiple %mul3A_244, 128 : i32
        %dma_start3A_246 = tpu.memref_slice %arg3[%multiple_of3A_245] : memref<327680xi32, #tpu.memory_space<hbm>> -> memref<128xi32, #tpu.memory_space<hbm>>
        %dma_start3A_247 = tpu.memref_slice %arg3[%multiple_of3A_245] : memref<327680xi32, #tpu.memory_space<hbm>> -> memref<128xi32, #tpu.memory_space<hbm>>
        tpu.enqueue_dma source(%dma_start3A_247 : memref<128xi32, #tpu.memory_space<hbm>>) target(%arg8 : memref<128xi32, #tpu.memory_space<vmem>>) target_semaphore(%arg15 : memref<!tpu.dma_semaphore, #tpu.memory_space<semaphore_mem>>)
      } else {
      }
      %mul3A_170 = arith.constant 4 : i32
      %mul3A_171 = arith.muli %mul3A_170, %scan3A_104 : i32
      %add3A_172 = arith.constant 2 : i32
      %add3A_173 = arith.addi %mul3A_171, %add3A_172 : i32
      %dma_wait3A_174 = arith.constant 0 : i32
      %dma_wait3A_175 = tpu.memref_slice %arg3[%dma_wait3A_174] : memref<327680xi32, #tpu.memory_space<hbm>> -> memref<128xi32, #tpu.memory_space<hbm>>
      %dma_wait3A_176 = arith.constant 0 : i32
      %dma_wait3A_177 = tpu.memref_slice %arg3[%dma_wait3A_176] : memref<327680xi32, #tpu.memory_space<hbm>> -> memref<128xi32, #tpu.memory_space<hbm>>
      tpu.wait_dma2 semaphore(%arg14 : memref<!tpu.dma_semaphore, #tpu.memory_space<semaphore_mem>>) src(%dma_wait3A_177 : memref<128xi32, #tpu.memory_space<hbm>>) dst(%arg7 : memref<128xi32, #tpu.memory_space<vmem>>)
      %ge3A_178 = arith.constant 2 : i32
      %ge3A_179 = arith.cmpi sge, %add3A_173, %ge3A_178 : i32
      %convert_element_type3A_180 = arith.extui %ge3A_179 : i1 to i32
      %cond3A_181 = arith.constant 0 : i32
      %cond3A_182 = arith.cmpi ne, %convert_element_type3A_180, %cond3A_181 : i32
      scf.if %cond3A_182 {
        %dma_wait3A_240 = arith.constant 0 : i32
        %dma_wait3A_241 = arith.constant 0 : i32
        %dma_wait3A_242 = tpu.memref_slice %arg11[%dma_wait3A_240, %dma_wait3A_241] : memref<10240x16xf32, #tpu.memory_space<vmem_shared>> -> memref<10240x16xf32, #tpu.memory_space<vmem_shared>>
        tpu.wait_indirect_dma semaphore(%arg18 : memref<!tpu.dma_semaphore, #tpu.memory_space<semaphore_mem>>) src(%arg9 : memref<128x16xf32, #tpu.memory_space<vmem>>) dst(%dma_wait3A_242 : memref<10240x16xf32, #tpu.memory_space<vmem_shared>>)
      } else {
      }
      %add3A_183 = arith.addi %mul3A_4, %add3A_173 : i32
      %min3A_184 = arith.constant 2499 : i32
      %min3A_185 = arith.minsi %add3A_183, %min3A_184 : i32
      %mul3A_186 = arith.constant 128 : i32
      %mul3A_187 = arith.muli %min3A_185, %mul3A_186 : i32
      %multiple_of3A_188 = tpu.assume_multiple %mul3A_187, 128 : i32
      %dma_start3A_189 = arith.constant 0 : i32
      %dma_start3A_190 = tpu.memref_slice %arg2[%multiple_of3A_188, %dma_start3A_189] : memref<320000x16xf32, #tpu.memory_space<hbm>> -> memref<128x16xf32, #tpu.memory_space<hbm>>
      %dma_start3A_191 = arith.constant 0 : i32
      %dma_start3A_192 = tpu.memref_slice %arg2[%multiple_of3A_188, %dma_start3A_191] : memref<320000x16xf32, #tpu.memory_space<hbm>> -> memref<128x16xf32, #tpu.memory_space<hbm>>
      tpu.enqueue_dma source(%dma_start3A_192 : memref<128x16xf32, #tpu.memory_space<hbm>>) target(%arg9 : memref<128x16xf32, #tpu.memory_space<vmem>>) target_semaphore(%arg16 : memref<!tpu.dma_semaphore, #tpu.memory_space<semaphore_mem>>)
      %ge3A_193 = arith.constant 1 : i32
      %ge3A_194 = arith.cmpi sge, %add3A_173, %ge3A_193 : i32
      %convert_element_type3A_195 = arith.extui %ge3A_194 : i1 to i32
      %cond3A_196 = arith.constant 0 : i32
      %cond3A_197 = arith.cmpi ne, %convert_element_type3A_195, %cond3A_196 : i32
      scf.if %cond3A_197 {
        %dma_wait3A_240 = arith.constant 0 : i32
        %dma_wait3A_241 = arith.constant 0 : i32
        %dma_wait3A_242 = tpu.memref_slice %arg2[%dma_wait3A_240, %dma_wait3A_241] : memref<320000x16xf32, #tpu.memory_space<hbm>> -> memref<128x16xf32, #tpu.memory_space<hbm>>
        %dma_wait3A_243 = arith.constant 0 : i32
        %dma_wait3A_244 = arith.constant 0 : i32
        %dma_wait3A_245 = tpu.memref_slice %arg2[%dma_wait3A_243, %dma_wait3A_244] : memref<320000x16xf32, #tpu.memory_space<hbm>> -> memref<128x16xf32, #tpu.memory_space<hbm>>
        tpu.wait_dma2 semaphore(%arg17 : memref<!tpu.dma_semaphore, #tpu.memory_space<semaphore_mem>>) src(%dma_wait3A_245 : memref<128x16xf32, #tpu.memory_space<hbm>>) dst(%arg10 : memref<128x16xf32, #tpu.memory_space<vmem>>)
        %dma_start3A_246 = arith.constant 0 : i32
        %dma_start3A_247 = arith.constant 0 : i32
        %dma_start3A_248 = tpu.memref_slice %arg11[%dma_start3A_246, %dma_start3A_247] : memref<10240x16xf32, #tpu.memory_space<vmem_shared>> -> memref<10240x16xf32, #tpu.memory_space<vmem_shared>>
        tpu.enqueue_indirect_dma source(%arg10 : memref<128x16xf32, #tpu.memory_space<vmem>>) target(%dma_start3A_248 : memref<10240x16xf32, #tpu.memory_space<vmem_shared>>) offsets(%arg6 : memref<128xi32, #tpu.memory_space<vmem>>) semaphore(%arg19 : memref<!tpu.dma_semaphore, #tpu.memory_space<semaphore_mem>>) {add = true}
      } else {
      }
      %add3A_198 = arith.constant 2 : i32
      %add3A_199 = arith.addi %add3A_173, %add3A_198 : i32
      %lt3A_200 = arith.constant 80 : i32
      %lt3A_201 = arith.cmpi slt, %add3A_199, %lt3A_200 : i32
      %convert_element_type3A_202 = arith.extui %lt3A_201 : i1 to i32
      %cond3A_203 = arith.constant 0 : i32
      %cond3A_204 = arith.cmpi ne, %convert_element_type3A_202, %cond3A_203 : i32
      scf.if %cond3A_204 {
        %add3A_240 = arith.constant 2 : i32
        %add3A_241 = arith.addi %add3A_173, %add3A_240 : i32
        %add3A_242 = arith.addi %mul3A_4, %add3A_241 : i32
        %mul3A_243 = arith.constant 128 : i32
        %mul3A_244 = arith.muli %add3A_242, %mul3A_243 : i32
        %multiple_of3A_245 = tpu.assume_multiple %mul3A_244, 128 : i32
        %dma_start3A_246 = tpu.memref_slice %arg3[%multiple_of3A_245] : memref<327680xi32, #tpu.memory_space<hbm>> -> memref<128xi32, #tpu.memory_space<hbm>>
        %dma_start3A_247 = tpu.memref_slice %arg3[%multiple_of3A_245] : memref<327680xi32, #tpu.memory_space<hbm>> -> memref<128xi32, #tpu.memory_space<hbm>>
        tpu.enqueue_dma source(%dma_start3A_247 : memref<128xi32, #tpu.memory_space<hbm>>) target(%arg5 : memref<128xi32, #tpu.memory_space<vmem>>) target_semaphore(%arg12 : memref<!tpu.dma_semaphore, #tpu.memory_space<semaphore_mem>>)
      } else {
      }
      %mul3A_205 = arith.constant 4 : i32
      %mul3A_206 = arith.muli %mul3A_205, %scan3A_104 : i32
      %add3A_207 = arith.constant 3 : i32
      %add3A_208 = arith.addi %mul3A_206, %add3A_207 : i32
      %dma_wait3A_209 = arith.constant 0 : i32
      %dma_wait3A_210 = tpu.memref_slice %arg3[%dma_wait3A_209] : memref<327680xi32, #tpu.memory_space<hbm>> -> memref<128xi32, #tpu.memory_space<hbm>>
      %dma_wait3A_211 = arith.constant 0 : i32
      %dma_wait3A_212 = tpu.memref_slice %arg3[%dma_wait3A_211] : memref<327680xi32, #tpu.memory_space<hbm>> -> memref<128xi32, #tpu.memory_space<hbm>>
      tpu.wait_dma2 semaphore(%arg15 : memref<!tpu.dma_semaphore, #tpu.memory_space<semaphore_mem>>) src(%dma_wait3A_212 : memref<128xi32, #tpu.memory_space<hbm>>) dst(%arg8 : memref<128xi32, #tpu.memory_space<vmem>>)
      %ge3A_213 = arith.constant 2 : i32
      %ge3A_214 = arith.cmpi sge, %add3A_208, %ge3A_213 : i32
      %convert_element_type3A_215 = arith.extui %ge3A_214 : i1 to i32
      %cond3A_216 = arith.constant 0 : i32
      %cond3A_217 = arith.cmpi ne, %convert_element_type3A_215, %cond3A_216 : i32
      scf.if %cond3A_217 {
        %dma_wait3A_240 = arith.constant 0 : i32
        %dma_wait3A_241 = arith.constant 0 : i32
        %dma_wait3A_242 = tpu.memref_slice %arg11[%dma_wait3A_240, %dma_wait3A_241] : memref<10240x16xf32, #tpu.memory_space<vmem_shared>> -> memref<10240x16xf32, #tpu.memory_space<vmem_shared>>
        tpu.wait_indirect_dma semaphore(%arg19 : memref<!tpu.dma_semaphore, #tpu.memory_space<semaphore_mem>>) src(%arg10 : memref<128x16xf32, #tpu.memory_space<vmem>>) dst(%dma_wait3A_242 : memref<10240x16xf32, #tpu.memory_space<vmem_shared>>)
      } else {
      }
      %add3A_218 = arith.addi %mul3A_4, %add3A_208 : i32
      %min3A_219 = arith.constant 2499 : i32
      %min3A_220 = arith.minsi %add3A_218, %min3A_219 : i32
      %mul3A_221 = arith.constant 128 : i32
      %mul3A_222 = arith.muli %min3A_220, %mul3A_221 : i32
      %multiple_of3A_223 = tpu.assume_multiple %mul3A_222, 128 : i32
      %dma_start3A_224 = arith.constant 0 : i32
      %dma_start3A_225 = tpu.memref_slice %arg2[%multiple_of3A_223, %dma_start3A_224] : memref<320000x16xf32, #tpu.memory_space<hbm>> -> memref<128x16xf32, #tpu.memory_space<hbm>>
      %dma_start3A_226 = arith.constant 0 : i32
      %dma_start3A_227 = tpu.memref_slice %arg2[%multiple_of3A_223, %dma_start3A_226] : memref<320000x16xf32, #tpu.memory_space<hbm>> -> memref<128x16xf32, #tpu.memory_space<hbm>>
      tpu.enqueue_dma source(%dma_start3A_227 : memref<128x16xf32, #tpu.memory_space<hbm>>) target(%arg10 : memref<128x16xf32, #tpu.memory_space<vmem>>) target_semaphore(%arg17 : memref<!tpu.dma_semaphore, #tpu.memory_space<semaphore_mem>>)
      %ge3A_228 = arith.constant 1 : i32
      %ge3A_229 = arith.cmpi sge, %add3A_208, %ge3A_228 : i32
      %convert_element_type3A_230 = arith.extui %ge3A_229 : i1 to i32
      %cond3A_231 = arith.constant 0 : i32
      %cond3A_232 = arith.cmpi ne, %convert_element_type3A_230, %cond3A_231 : i32
      scf.if %cond3A_232 {
        %dma_wait3A_240 = arith.constant 0 : i32
        %dma_wait3A_241 = arith.constant 0 : i32
        %dma_wait3A_242 = tpu.memref_slice %arg2[%dma_wait3A_240, %dma_wait3A_241] : memref<320000x16xf32, #tpu.memory_space<hbm>> -> memref<128x16xf32, #tpu.memory_space<hbm>>
        %dma_wait3A_243 = arith.constant 0 : i32
        %dma_wait3A_244 = arith.constant 0 : i32
        %dma_wait3A_245 = tpu.memref_slice %arg2[%dma_wait3A_243, %dma_wait3A_244] : memref<320000x16xf32, #tpu.memory_space<hbm>> -> memref<128x16xf32, #tpu.memory_space<hbm>>
        tpu.wait_dma2 semaphore(%arg16 : memref<!tpu.dma_semaphore, #tpu.memory_space<semaphore_mem>>) src(%dma_wait3A_245 : memref<128x16xf32, #tpu.memory_space<hbm>>) dst(%arg9 : memref<128x16xf32, #tpu.memory_space<vmem>>)
        %dma_start3A_246 = arith.constant 0 : i32
        %dma_start3A_247 = arith.constant 0 : i32
        %dma_start3A_248 = tpu.memref_slice %arg11[%dma_start3A_246, %dma_start3A_247] : memref<10240x16xf32, #tpu.memory_space<vmem_shared>> -> memref<10240x16xf32, #tpu.memory_space<vmem_shared>>
        tpu.enqueue_indirect_dma source(%arg9 : memref<128x16xf32, #tpu.memory_space<vmem>>) target(%dma_start3A_248 : memref<10240x16xf32, #tpu.memory_space<vmem_shared>>) offsets(%arg7 : memref<128xi32, #tpu.memory_space<vmem>>) semaphore(%arg18 : memref<!tpu.dma_semaphore, #tpu.memory_space<semaphore_mem>>) {add = true}
      } else {
      }
      %add3A_233 = arith.constant 2 : i32
      %add3A_234 = arith.addi %add3A_208, %add3A_233 : i32
      %lt3A_235 = arith.constant 80 : i32
      %lt3A_236 = arith.cmpi slt, %add3A_234, %lt3A_235 : i32
      %convert_element_type3A_237 = arith.extui %lt3A_236 : i1 to i32
      %cond3A_238 = arith.constant 0 : i32
      %cond3A_239 = arith.cmpi ne, %convert_element_type3A_237, %cond3A_238 : i32
      scf.if %cond3A_239 {
        %add3A_240 = arith.constant 2 : i32
        %add3A_241 = arith.addi %add3A_208, %add3A_240 : i32
        %add3A_242 = arith.addi %mul3A_4, %add3A_241 : i32
        %mul3A_243 = arith.constant 128 : i32
        %mul3A_244 = arith.muli %add3A_242, %mul3A_243 : i32
        %multiple_of3A_245 = tpu.assume_multiple %mul3A_244, 128 : i32
        %dma_start3A_246 = tpu.memref_slice %arg3[%multiple_of3A_245] : memref<327680xi32, #tpu.memory_space<hbm>> -> memref<128xi32, #tpu.memory_space<hbm>>
        %dma_start3A_247 = tpu.memref_slice %arg3[%multiple_of3A_245] : memref<327680xi32, #tpu.memory_space<hbm>> -> memref<128xi32, #tpu.memory_space<hbm>>
        tpu.enqueue_dma source(%dma_start3A_247 : memref<128xi32, #tpu.memory_space<hbm>>) target(%arg6 : memref<128xi32, #tpu.memory_space<vmem>>) target_semaphore(%arg13 : memref<!tpu.dma_semaphore, #tpu.memory_space<semaphore_mem>>)
      } else {
      }
    }
    %scan3A_87 = arith.constant 20 : i32
    %dma_wait3A_88 = arith.constant 0 : i32
    %dma_wait3A_89 = arith.constant 0 : i32
    %dma_wait3A_90 = tpu.memref_slice %arg2[%dma_wait3A_88, %dma_wait3A_89] : memref<320000x16xf32, #tpu.memory_space<hbm>> -> memref<128x16xf32, #tpu.memory_space<hbm>>
    %dma_wait3A_91 = arith.constant 0 : i32
    %dma_wait3A_92 = arith.constant 0 : i32
    %dma_wait3A_93 = tpu.memref_slice %arg2[%dma_wait3A_91, %dma_wait3A_92] : memref<320000x16xf32, #tpu.memory_space<hbm>> -> memref<128x16xf32, #tpu.memory_space<hbm>>
    tpu.wait_dma2 semaphore(%arg17 : memref<!tpu.dma_semaphore, #tpu.memory_space<semaphore_mem>>) src(%dma_wait3A_93 : memref<128x16xf32, #tpu.memory_space<hbm>>) dst(%arg10 : memref<128x16xf32, #tpu.memory_space<vmem>>)
    %dma_start3A_94 = arith.constant 0 : i32
    %dma_start3A_95 = arith.constant 0 : i32
    %dma_start3A_96 = tpu.memref_slice %arg11[%dma_start3A_94, %dma_start3A_95] : memref<10240x16xf32, #tpu.memory_space<vmem_shared>> -> memref<10240x16xf32, #tpu.memory_space<vmem_shared>>
    tpu.enqueue_indirect_dma source(%arg10 : memref<128x16xf32, #tpu.memory_space<vmem>>) target(%dma_start3A_96 : memref<10240x16xf32, #tpu.memory_space<vmem_shared>>) offsets(%arg8 : memref<128xi32, #tpu.memory_space<vmem>>) semaphore(%arg19 : memref<!tpu.dma_semaphore, #tpu.memory_space<semaphore_mem>>) {add = true}
    %dma_wait3A_97 = arith.constant 0 : i32
    %dma_wait3A_98 = arith.constant 0 : i32
    %dma_wait3A_99 = tpu.memref_slice %arg11[%dma_wait3A_97, %dma_wait3A_98] : memref<10240x16xf32, #tpu.memory_space<vmem_shared>> -> memref<10240x16xf32, #tpu.memory_space<vmem_shared>>
    tpu.wait_indirect_dma semaphore(%arg18 : memref<!tpu.dma_semaphore, #tpu.memory_space<semaphore_mem>>) src(%arg9 : memref<128x16xf32, #tpu.memory_space<vmem>>) dst(%dma_wait3A_99 : memref<10240x16xf32, #tpu.memory_space<vmem_shared>>)
    %dma_wait3A_100 = arith.constant 0 : i32
    %dma_wait3A_101 = arith.constant 0 : i32
    %dma_wait3A_102 = tpu.memref_slice %arg11[%dma_wait3A_100, %dma_wait3A_101] : memref<10240x16xf32, #tpu.memory_space<vmem_shared>> -> memref<10240x16xf32, #tpu.memory_space<vmem_shared>>
    tpu.wait_indirect_dma semaphore(%arg19 : memref<!tpu.dma_semaphore, #tpu.memory_space<semaphore_mem>>) src(%arg10 : memref<128x16xf32, #tpu.memory_space<vmem>>) dst(%dma_wait3A_102 : memref<10240x16xf32, #tpu.memory_space<vmem_shared>>)
    %barrier3A_103 = arith.constant 0 : index
    tpu.barrier barrier_id(%barrier3A_103)
    "tpu.region"() ({
      %run_scoped3A = tpu.sem_alloc : memref<!tpu.dma_semaphore, #tpu.memory_space<semaphore_mem>>
      %dma_start3A_104 = arith.constant 0 : i32
      %dma_start3A_105 = tpu.memref_slice %arg4[%arg0, %mul3A_0, %dma_start3A_104] : memref<2x10240x16xf32, #tpu.memory_space<hbm>> -> memref<1x640x16xf32, #tpu.memory_space<hbm>>
      %dma_start3A_106 = tpu.memref_squeeze %dma_start3A_105 : memref<1x640x16xf32, #tpu.memory_space<hbm>> -> memref<640x16xf32, #tpu.memory_space<hbm>>
      %dma_start3A_107 = arith.constant 0 : i32
      %dma_start3A_108 = tpu.memref_slice %arg11[%mul3A_0, %dma_start3A_107] : memref<10240x16xf32, #tpu.memory_space<vmem_shared>> -> memref<640x16xf32, #tpu.memory_space<vmem_shared>>
      tpu.enqueue_dma source(%dma_start3A_108 : memref<640x16xf32, #tpu.memory_space<vmem_shared>>) target(%dma_start3A_106 : memref<640x16xf32, #tpu.memory_space<hbm>>) target_semaphore(%run_scoped3A : memref<!tpu.dma_semaphore, #tpu.memory_space<semaphore_mem>>)
      %dma_wait3A_109 = arith.constant 0 : i32
      %dma_wait3A_110 = tpu.memref_slice %arg4[%arg0, %mul3A_0, %dma_wait3A_109] : memref<2x10240x16xf32, #tpu.memory_space<hbm>> -> memref<1x640x16xf32, #tpu.memory_space<hbm>>
      %dma_wait3A_111 = tpu.memref_squeeze %dma_wait3A_110 : memref<1x640x16xf32, #tpu.memory_space<hbm>> -> memref<640x16xf32, #tpu.memory_space<hbm>>
      %dma_wait3A_112 = arith.constant 0 : i32
      %dma_wait3A_113 = tpu.memref_slice %arg11[%mul3A_0, %dma_wait3A_112] : memref<10240x16xf32, #tpu.memory_space<vmem_shared>> -> memref<640x16xf32, #tpu.memory_space<vmem_shared>>
      tpu.wait_dma2 semaphore(%run_scoped3A : memref<!tpu.dma_semaphore, #tpu.memory_space<semaphore_mem>>) src(%dma_wait3A_113 : memref<640x16xf32, #tpu.memory_space<vmem_shared>>) dst(%dma_wait3A_111 : memref<640x16xf32, #tpu.memory_space<hbm>>)
      tpu.yield
    }) : () -> ()
    return
  }
}

#map = affine_map<(d0, d1) -> (0, 0)>
#map1 = affine_map<(d0, d1) -> (0, 0, 0)>
module attributes {stable_mosaic.version = 14 : i64} {
  func.func @_sc_body(%arg0: i32, %arg1: i32, %arg2: memref<10240x144xf32, #tpu.memory_space<hbm>>, %arg3: memref<8000x80xi32, #tpu.memory_space<hbm>>, %arg4: memref<2x10240x144xf32, #tpu.memory_space<hbm>>, %arg5: memref<2x80xi32, #tpu.memory_space<vmem>>, %arg6: memref<2x80xi32, #tpu.memory_space<vmem>>, %arg7: memref<2x80xi32, #tpu.memory_space<vmem>>, %arg8: memref<2x80xi32, #tpu.memory_space<vmem>>, %arg9: memref<80x144xf32, #tpu.memory_space<vmem>>, %arg10: memref<80x144xf32, #tpu.memory_space<vmem>>, %arg11: memref<10240x144xf32, #tpu.memory_space<vmem_shared>>, %arg12: memref<!tpu.dma_semaphore, #tpu.memory_space<semaphore_mem>>, %arg13: memref<!tpu.dma_semaphore, #tpu.memory_space<semaphore_mem>>, %arg14: memref<!tpu.dma_semaphore, #tpu.memory_space<semaphore_mem>>, %arg15: memref<!tpu.dma_semaphore, #tpu.memory_space<semaphore_mem>>, %arg16: memref<!tpu.dma_semaphore, #tpu.memory_space<semaphore_mem>>, %arg17: memref<!tpu.dma_semaphore, #tpu.memory_space<semaphore_mem>>, %arg18: memref<!tpu.dma_semaphore, #tpu.memory_space<semaphore_mem>>, %arg19: memref<!tpu.dma_semaphore, #tpu.memory_space<semaphore_mem>>) attributes {dimension_semantics = [#tpu.dimension_semantics<core_parallel>, #tpu.dimension_semantics<subcore_parallel>], iteration_bounds = array<i64: 2, 16>, scalar_prefetch = 0 : i64, scratch_operands = 15 : i64, tpu.core_type = #tpu.core_type<sc_vector_subcore>, window_params = [{transform_indices = #map}, {transform_indices = #map}, {transform_indices = #map1}]} {
    %mul3A = arith.constant 640 : i32
    %mul3A_0 = arith.muli %arg1, %mul3A : i32
    %eq3A = arith.constant 0 : i32
    %eq3A_1 = arith.cmpi eq, %arg0, %eq3A : i32
    %lt3A = arith.constant 0 : i32
    %lt3A_2 = arith.cmpi slt, %arg1, %lt3A : i32
    %convert_element_type3A = arith.extui %lt3A_2 : i1 to i32
    %mul3A_3 = arith.constant 4 : i32
    %mul3A_4 = arith.muli %mul3A_3, %convert_element_type3A : i32
    %add3A = arith.constant 128 : i32
    %add3A_5 = arith.addi %add3A, %mul3A_4 : i32
    %lt3A_6 = arith.constant 8 : i32
    %lt3A_7 = arith.cmpi slt, %arg1, %lt3A_6 : i32
    %convert_element_type3A_8 = arith.extui %lt3A_7 : i1 to i32
    %mul3A_9 = arith.constant 4 : i32
    %mul3A_10 = arith.muli %mul3A_9, %convert_element_type3A_8 : i32
    %add3A_11 = arith.constant 120 : i32
    %add3A_12 = arith.addi %add3A_11, %mul3A_10 : i32
    %select_n3A = arith.select %eq3A_1, %add3A_5, %add3A_12 : i32
    %eq3A_13 = arith.constant 0 : i32
    %eq3A_14 = arith.cmpi eq, %arg0, %eq3A_13 : i32
    %mul3A_15 = arith.constant 128 : i32
    %mul3A_16 = arith.muli %arg1, %mul3A_15 : i32
    %min3A = arith.constant 0 : i32
    %min3A_17 = arith.minsi %arg1, %min3A : i32
    %mul3A_18 = arith.constant 4 : i32
    %mul3A_19 = arith.muli %mul3A_18, %min3A_17 : i32
    %add3A_20 = arith.addi %mul3A_16, %mul3A_19 : i32
    %mul3A_21 = arith.constant 120 : i32
    %mul3A_22 = arith.muli %arg1, %mul3A_21 : i32
    %add3A_23 = arith.constant 2048 : i32
    %add3A_24 = arith.addi %add3A_23, %mul3A_22 : i32
    %min3A_25 = arith.constant 8 : i32
    %min3A_26 = arith.minsi %arg1, %min3A_25 : i32
    %mul3A_27 = arith.constant 4 : i32
    %mul3A_28 = arith.muli %mul3A_27, %min3A_26 : i32
    %add3A_29 = arith.addi %add3A_24, %mul3A_28 : i32
    %select_n3A_30 = arith.select %eq3A_14, %add3A_20, %add3A_29 : i32
    %broadcast_in_dim3A = arith.constant 0.000000e+00 : f32
    %broadcast_in_dim3A_31 = vector.broadcast %broadcast_in_dim3A : f32 to vector<16xf32>
    %scan3A = arith.constant 0 : i32
    %scan3A_32 = arith.constant 0 : i32
    %scan3A_33 = arith.constant 80 : i32
    %scan3A_34 = arith.addi %scan3A_32, %scan3A_33 : i32
    %scan3A_35 = arith.constant 1 : i32
    scf.for %scan3A_203 = %scan3A_32 to %scan3A_34 step %scan3A_35  : i32 {
      %swap3A = arith.index_cast %scan3A_203 : i32 to index
      %swap3A_204 = arith.constant 0 : index
      %swap3A_205 = tpu.vector_load %arg9[%swap3A, %swap3A_204] {strides = array<i32>} : memref<80x144xf32, #tpu.memory_space<vmem>>, vector<1x16xf32>,
      %swap3A_206 = vector.shape_cast %swap3A_205 : vector<1x16xf32> to vector<16xf32>
      %swap3A_207 = vector.shape_cast %broadcast_in_dim3A_31 : vector<16xf32> to vector<1x16xf32>
      tpu.vector_store %arg9[%swap3A, %swap3A_204], %swap3A_207 {strides = array<i32>} : memref<80x144xf32, #tpu.memory_space<vmem>>, vector<1x16xf32>,
      %swap3A_208 = arith.index_cast %scan3A_203 : i32 to index
      %swap3A_209 = arith.constant 16 : index
      %swap3A_210 = tpu.vector_load %arg9[%swap3A_208, %swap3A_209] {strides = array<i32>} : memref<80x144xf32, #tpu.memory_space<vmem>>, vector<1x16xf32>,
      %swap3A_211 = vector.shape_cast %swap3A_210 : vector<1x16xf32> to vector<16xf32>
      %swap3A_212 = vector.shape_cast %broadcast_in_dim3A_31 : vector<16xf32> to vector<1x16xf32>
      tpu.vector_store %arg9[%swap3A_208, %swap3A_209], %swap3A_212 {strides = array<i32>} : memref<80x144xf32, #tpu.memory_space<vmem>>, vector<1x16xf32>,
      %swap3A_213 = arith.index_cast %scan3A_203 : i32 to index
      %swap3A_214 = arith.constant 32 : index
      %swap3A_215 = tpu.vector_load %arg9[%swap3A_213, %swap3A_214] {strides = array<i32>} : memref<80x144xf32, #tpu.memory_space<vmem>>, vector<1x16xf32>,
      %swap3A_216 = vector.shape_cast %swap3A_215 : vector<1x16xf32> to vector<16xf32>
      %swap3A_217 = vector.shape_cast %broadcast_in_dim3A_31 : vector<16xf32> to vector<1x16xf32>
      tpu.vector_store %arg9[%swap3A_213, %swap3A_214], %swap3A_217 {strides = array<i32>} : memref<80x144xf32, #tpu.memory_space<vmem>>, vector<1x16xf32>,
      %swap3A_218 = arith.index_cast %scan3A_203 : i32 to index
      %swap3A_219 = arith.constant 48 : index
      %swap3A_220 = tpu.vector_load %arg9[%swap3A_218, %swap3A_219] {strides = array<i32>} : memref<80x144xf32, #tpu.memory_space<vmem>>, vector<1x16xf32>,
      %swap3A_221 = vector.shape_cast %swap3A_220 : vector<1x16xf32> to vector<16xf32>
      %swap3A_222 = vector.shape_cast %broadcast_in_dim3A_31 : vector<16xf32> to vector<1x16xf32>
      tpu.vector_store %arg9[%swap3A_218, %swap3A_219], %swap3A_222 {strides = array<i32>} : memref<80x144xf32, #tpu.memory_space<vmem>>, vector<1x16xf32>,
      %swap3A_223 = arith.index_cast %scan3A_203 : i32 to index
      %swap3A_224 = arith.constant 64 : index
      %swap3A_225 = tpu.vector_load %arg9[%swap3A_223, %swap3A_224] {strides = array<i32>} : memref<80x144xf32, #tpu.memory_space<vmem>>, vector<1x16xf32>,
      %swap3A_226 = vector.shape_cast %swap3A_225 : vector<1x16xf32> to vector<16xf32>
      %swap3A_227 = vector.shape_cast %broadcast_in_dim3A_31 : vector<16xf32> to vector<1x16xf32>
      tpu.vector_store %arg9[%swap3A_223, %swap3A_224], %swap3A_227 {strides = array<i32>} : memref<80x144xf32, #tpu.memory_space<vmem>>, vector<1x16xf32>,
      %swap3A_228 = arith.index_cast %scan3A_203 : i32 to index
      %swap3A_229 = arith.constant 80 : index
      %swap3A_230 = tpu.vector_load %arg9[%swap3A_228, %swap3A_229] {strides = array<i32>} : memref<80x144xf32, #tpu.memory_space<vmem>>, vector<1x16xf32>,
      %swap3A_231 = vector.shape_cast %swap3A_230 : vector<1x16xf32> to vector<16xf32>
      %swap3A_232 = vector.shape_cast %broadcast_in_dim3A_31 : vector<16xf32> to vector<1x16xf32>
      tpu.vector_store %arg9[%swap3A_228, %swap3A_229], %swap3A_232 {strides = array<i32>} : memref<80x144xf32, #tpu.memory_space<vmem>>, vector<1x16xf32>,
      %swap3A_233 = arith.index_cast %scan3A_203 : i32 to index
      %swap3A_234 = arith.constant 96 : index
      %swap3A_235 = tpu.vector_load %arg9[%swap3A_233, %swap3A_234] {strides = array<i32>} : memref<80x144xf32, #tpu.memory_space<vmem>>, vector<1x16xf32>,
      %swap3A_236 = vector.shape_cast %swap3A_235 : vector<1x16xf32> to vector<16xf32>
      %swap3A_237 = vector.shape_cast %broadcast_in_dim3A_31 : vector<16xf32> to vector<1x16xf32>
      tpu.vector_store %arg9[%swap3A_233, %swap3A_234], %swap3A_237 {strides = array<i32>} : memref<80x144xf32, #tpu.memory_space<vmem>>, vector<1x16xf32>,
      %swap3A_238 = arith.index_cast %scan3A_203 : i32 to index
      %swap3A_239 = arith.constant 112 : index
      %swap3A_240 = tpu.vector_load %arg9[%swap3A_238, %swap3A_239] {strides = array<i32>} : memref<80x144xf32, #tpu.memory_space<vmem>>, vector<1x16xf32>,
      %swap3A_241 = vector.shape_cast %swap3A_240 : vector<1x16xf32> to vector<16xf32>
      %swap3A_242 = vector.shape_cast %broadcast_in_dim3A_31 : vector<16xf32> to vector<1x16xf32>
      tpu.vector_store %arg9[%swap3A_238, %swap3A_239], %swap3A_242 {strides = array<i32>} : memref<80x144xf32, #tpu.memory_space<vmem>>, vector<1x16xf32>,
      %swap3A_243 = arith.index_cast %scan3A_203 : i32 to index
      %swap3A_244 = arith.constant 128 : index
      %swap3A_245 = tpu.vector_load %arg9[%swap3A_243, %swap3A_244] {strides = array<i32>} : memref<80x144xf32, #tpu.memory_space<vmem>>, vector<1x16xf32>,
      %swap3A_246 = vector.shape_cast %swap3A_245 : vector<1x16xf32> to vector<16xf32>
      %swap3A_247 = vector.shape_cast %broadcast_in_dim3A_31 : vector<16xf32> to vector<1x16xf32>
      tpu.vector_store %arg9[%swap3A_243, %swap3A_244], %swap3A_247 {strides = array<i32>} : memref<80x144xf32, #tpu.memory_space<vmem>>, vector<1x16xf32>,
    }
    %scan3A_36 = arith.constant 80 : i32
    %add3A_37 = arith.constant 0 : i32
    %add3A_38 = arith.addi %mul3A_0, %add3A_37 : i32
    %dma_start3A = arith.constant 0 : i32
    %dma_start3A_39 = tpu.memref_slice %arg11[%add3A_38, %dma_start3A] : memref<10240x144xf32, #tpu.memory_space<vmem_shared>> -> memref<80x144xf32, #tpu.memory_space<vmem_shared>>
    %dma_start3A_40 = arith.constant 0 : i32
    %dma_start3A_41 = tpu.memref_slice %arg11[%add3A_38, %dma_start3A_40] : memref<10240x144xf32, #tpu.memory_space<vmem_shared>> -> memref<80x144xf32, #tpu.memory_space<vmem_shared>>
    tpu.enqueue_dma source(%arg9 : memref<80x144xf32, #tpu.memory_space<vmem>>) target(%dma_start3A_41 : memref<80x144xf32, #tpu.memory_space<vmem_shared>>) target_semaphore(%arg16 : memref<!tpu.dma_semaphore, #tpu.memory_space<semaphore_mem>>)
    %add3A_42 = arith.constant 80 : i32
    %add3A_43 = arith.addi %mul3A_0, %add3A_42 : i32
    %dma_start3A_44 = arith.constant 0 : i32
    %dma_start3A_45 = tpu.memref_slice %arg11[%add3A_43, %dma_start3A_44] : memref<10240x144xf32, #tpu.memory_space<vmem_shared>> -> memref<80x144xf32, #tpu.memory_space<vmem_shared>>
    %dma_start3A_46 = arith.constant 0 : i32
    %dma_start3A_47 = tpu.memref_slice %arg11[%add3A_43, %dma_start3A_46] : memref<10240x144xf32, #tpu.memory_space<vmem_shared>> -> memref<80x144xf32, #tpu.memory_space<vmem_shared>>
    tpu.enqueue_dma source(%arg9 : memref<80x144xf32, #tpu.memory_space<vmem>>) target(%dma_start3A_47 : memref<80x144xf32, #tpu.memory_space<vmem_shared>>) target_semaphore(%arg16 : memref<!tpu.dma_semaphore, #tpu.memory_space<semaphore_mem>>)
    %add3A_48 = arith.constant 160 : i32
    %add3A_49 = arith.addi %mul3A_0, %add3A_48 : i32
    %dma_start3A_50 = arith.constant 0 : i32
    %dma_start3A_51 = tpu.memref_slice %arg11[%add3A_49, %dma_start3A_50] : memref<10240x144xf32, #tpu.memory_space<vmem_shared>> -> memref<80x144xf32, #tpu.memory_space<vmem_shared>>
    %dma_start3A_52 = arith.constant 0 : i32
    %dma_start3A_53 = tpu.memref_slice %arg11[%add3A_49, %dma_start3A_52] : memref<10240x144xf32, #tpu.memory_space<vmem_shared>> -> memref<80x144xf32, #tpu.memory_space<vmem_shared>>
    tpu.enqueue_dma source(%arg9 : memref<80x144xf32, #tpu.memory_space<vmem>>) target(%dma_start3A_53 : memref<80x144xf32, #tpu.memory_space<vmem_shared>>) target_semaphore(%arg16 : memref<!tpu.dma_semaphore, #tpu.memory_space<semaphore_mem>>)
    %add3A_54 = arith.constant 240 : i32
    %add3A_55 = arith.addi %mul3A_0, %add3A_54 : i32
    %dma_start3A_56 = arith.constant 0 : i32
    %dma_start3A_57 = tpu.memref_slice %arg11[%add3A_55, %dma_start3A_56] : memref<10240x144xf32, #tpu.memory_space<vmem_shared>> -> memref<80x144xf32, #tpu.memory_space<vmem_shared>>
    %dma_start3A_58 = arith.constant 0 : i32
    %dma_start3A_59 = tpu.memref_slice %arg11[%add3A_55, %dma_start3A_58] : memref<10240x144xf32, #tpu.memory_space<vmem_shared>> -> memref<80x144xf32, #tpu.memory_space<vmem_shared>>
    tpu.enqueue_dma source(%arg9 : memref<80x144xf32, #tpu.memory_space<vmem>>) target(%dma_start3A_59 : memref<80x144xf32, #tpu.memory_space<vmem_shared>>) target_semaphore(%arg16 : memref<!tpu.dma_semaphore, #tpu.memory_space<semaphore_mem>>)
    %add3A_60 = arith.constant 320 : i32
    %add3A_61 = arith.addi %mul3A_0, %add3A_60 : i32
    %dma_start3A_62 = arith.constant 0 : i32
    %dma_start3A_63 = tpu.memref_slice %arg11[%add3A_61, %dma_start3A_62] : memref<10240x144xf32, #tpu.memory_space<vmem_shared>> -> memref<80x144xf32, #tpu.memory_space<vmem_shared>>
    %dma_start3A_64 = arith.constant 0 : i32
    %dma_start3A_65 = tpu.memref_slice %arg11[%add3A_61, %dma_start3A_64] : memref<10240x144xf32, #tpu.memory_space<vmem_shared>> -> memref<80x144xf32, #tpu.memory_space<vmem_shared>>
    tpu.enqueue_dma source(%arg9 : memref<80x144xf32, #tpu.memory_space<vmem>>) target(%dma_start3A_65 : memref<80x144xf32, #tpu.memory_space<vmem_shared>>) target_semaphore(%arg16 : memref<!tpu.dma_semaphore, #tpu.memory_space<semaphore_mem>>)
    %add3A_66 = arith.constant 400 : i32
    %add3A_67 = arith.addi %mul3A_0, %add3A_66 : i32
    %dma_start3A_68 = arith.constant 0 : i32
    %dma_start3A_69 = tpu.memref_slice %arg11[%add3A_67, %dma_start3A_68] : memref<10240x144xf32, #tpu.memory_space<vmem_shared>> -> memref<80x144xf32, #tpu.memory_space<vmem_shared>>
    %dma_start3A_70 = arith.constant 0 : i32
    %dma_start3A_71 = tpu.memref_slice %arg11[%add3A_67, %dma_start3A_70] : memref<10240x144xf32, #tpu.memory_space<vmem_shared>> -> memref<80x144xf32, #tpu.memory_space<vmem_shared>>
    tpu.enqueue_dma source(%arg9 : memref<80x144xf32, #tpu.memory_space<vmem>>) target(%dma_start3A_71 : memref<80x144xf32, #tpu.memory_space<vmem_shared>>) target_semaphore(%arg16 : memref<!tpu.dma_semaphore, #tpu.memory_space<semaphore_mem>>)
    %add3A_72 = arith.constant 480 : i32
    %add3A_73 = arith.addi %mul3A_0, %add3A_72 : i32
    %dma_start3A_74 = arith.constant 0 : i32
    %dma_start3A_75 = tpu.memref_slice %arg11[%add3A_73, %dma_start3A_74] : memref<10240x144xf32, #tpu.memory_space<vmem_shared>> -> memref<80x144xf32, #tpu.memory_space<vmem_shared>>
    %dma_start3A_76 = arith.constant 0 : i32
    %dma_start3A_77 = tpu.memref_slice %arg11[%add3A_73, %dma_start3A_76] : memref<10240x144xf32, #tpu.memory_space<vmem_shared>> -> memref<80x144xf32, #tpu.memory_space<vmem_shared>>
    tpu.enqueue_dma source(%arg9 : memref<80x144xf32, #tpu.memory_space<vmem>>) target(%dma_start3A_77 : memref<80x144xf32, #tpu.memory_space<vmem_shared>>) target_semaphore(%arg16 : memref<!tpu.dma_semaphore, #tpu.memory_space<semaphore_mem>>)
    %add3A_78 = arith.constant 560 : i32
    %add3A_79 = arith.addi %mul3A_0, %add3A_78 : i32
    %dma_start3A_80 = arith.constant 0 : i32
    %dma_start3A_81 = tpu.memref_slice %arg11[%add3A_79, %dma_start3A_80] : memref<10240x144xf32, #tpu.memory_space<vmem_shared>> -> memref<80x144xf32, #tpu.memory_space<vmem_shared>>
    %dma_start3A_82 = arith.constant 0 : i32
    %dma_start3A_83 = tpu.memref_slice %arg11[%add3A_79, %dma_start3A_82] : memref<10240x144xf32, #tpu.memory_space<vmem_shared>> -> memref<80x144xf32, #tpu.memory_space<vmem_shared>>
    tpu.enqueue_dma source(%arg9 : memref<80x144xf32, #tpu.memory_space<vmem>>) target(%dma_start3A_83 : memref<80x144xf32, #tpu.memory_space<vmem_shared>>) target_semaphore(%arg16 : memref<!tpu.dma_semaphore, #tpu.memory_space<semaphore_mem>>)
    %dma_wait3A = arith.constant 0 : i32
    %dma_wait3A_84 = arith.constant 0 : i32
    %dma_wait3A_85 = tpu.memref_slice %arg11[%dma_wait3A, %dma_wait3A_84] : memref<10240x144xf32, #tpu.memory_space<vmem_shared>> -> memref<80x144xf32, #tpu.memory_space<vmem_shared>>
    %dma_wait3A_86 = arith.constant 0 : i32
    %dma_wait3A_87 = arith.constant 0 : i32
    %dma_wait3A_88 = tpu.memref_slice %arg11[%dma_wait3A_86, %dma_wait3A_87] : memref<10240x144xf32, #tpu.memory_space<vmem_shared>> -> memref<80x144xf32, #tpu.memory_space<vmem_shared>>
    tpu.wait_dma2 semaphore(%arg16 : memref<!tpu.dma_semaphore, #tpu.memory_space<semaphore_mem>>) src(%arg9 : memref<80x144xf32, #tpu.memory_space<vmem>>) dst(%dma_wait3A_88 : memref<80x144xf32, #tpu.memory_space<vmem_shared>>)
    %dma_wait3A_89 = arith.constant 0 : i32
    %dma_wait3A_90 = arith.constant 0 : i32
    %dma_wait3A_91 = tpu.memref_slice %arg11[%dma_wait3A_89, %dma_wait3A_90] : memref<10240x144xf32, #tpu.memory_space<vmem_shared>> -> memref<80x144xf32, #tpu.memory_space<vmem_shared>>
    %dma_wait3A_92 = arith.constant 0 : i32
    %dma_wait3A_93 = arith.constant 0 : i32
    %dma_wait3A_94 = tpu.memref_slice %arg11[%dma_wait3A_92, %dma_wait3A_93] : memref<10240x144xf32, #tpu.memory_space<vmem_shared>> -> memref<80x144xf32, #tpu.memory_space<vmem_shared>>
    tpu.wait_dma2 semaphore(%arg16 : memref<!tpu.dma_semaphore, #tpu.memory_space<semaphore_mem>>) src(%arg9 : memref<80x144xf32, #tpu.memory_space<vmem>>) dst(%dma_wait3A_94 : memref<80x144xf32, #tpu.memory_space<vmem_shared>>)
    %dma_wait3A_95 = arith.constant 0 : i32
    %dma_wait3A_96 = arith.constant 0 : i32
    %dma_wait3A_97 = tpu.memref_slice %arg11[%dma_wait3A_95, %dma_wait3A_96] : memref<10240x144xf32, #tpu.memory_space<vmem_shared>> -> memref<80x144xf32, #tpu.memory_space<vmem_shared>>
    %dma_wait3A_98 = arith.constant 0 : i32
    %dma_wait3A_99 = arith.constant 0 : i32
    %dma_wait3A_100 = tpu.memref_slice %arg11[%dma_wait3A_98, %dma_wait3A_99] : memref<10240x144xf32, #tpu.memory_space<vmem_shared>> -> memref<80x144xf32, #tpu.memory_space<vmem_shared>>
    tpu.wait_dma2 semaphore(%arg16 : memref<!tpu.dma_semaphore, #tpu.memory_space<semaphore_mem>>) src(%arg9 : memref<80x144xf32, #tpu.memory_space<vmem>>) dst(%dma_wait3A_100 : memref<80x144xf32, #tpu.memory_space<vmem_shared>>)
    %dma_wait3A_101 = arith.constant 0 : i32
    %dma_wait3A_102 = arith.constant 0 : i32
    %dma_wait3A_103 = tpu.memref_slice %arg11[%dma_wait3A_101, %dma_wait3A_102] : memref<10240x144xf32, #tpu.memory_space<vmem_shared>> -> memref<80x144xf32, #tpu.memory_space<vmem_shared>>
    %dma_wait3A_104 = arith.constant 0 : i32
    %dma_wait3A_105 = arith.constant 0 : i32
    %dma_wait3A_106 = tpu.memref_slice %arg11[%dma_wait3A_104, %dma_wait3A_105] : memref<10240x144xf32, #tpu.memory_space<vmem_shared>> -> memref<80x144xf32, #tpu.memory_space<vmem_shared>>
    tpu.wait_dma2 semaphore(%arg16 : memref<!tpu.dma_semaphore, #tpu.memory_space<semaphore_mem>>) src(%arg9 : memref<80x144xf32, #tpu.memory_space<vmem>>) dst(%dma_wait3A_106 : memref<80x144xf32, #tpu.memory_space<vmem_shared>>)
    %dma_wait3A_107 = arith.constant 0 : i32
    %dma_wait3A_108 = arith.constant 0 : i32
    %dma_wait3A_109 = tpu.memref_slice %arg11[%dma_wait3A_107, %dma_wait3A_108] : memref<10240x144xf32, #tpu.memory_space<vmem_shared>> -> memref<80x144xf32, #tpu.memory_space<vmem_shared>>
    %dma_wait3A_110 = arith.constant 0 : i32
    %dma_wait3A_111 = arith.constant 0 : i32
    %dma_wait3A_112 = tpu.memref_slice %arg11[%dma_wait3A_110, %dma_wait3A_111] : memref<10240x144xf32, #tpu.memory_space<vmem_shared>> -> memref<80x144xf32, #tpu.memory_space<vmem_shared>>
    tpu.wait_dma2 semaphore(%arg16 : memref<!tpu.dma_semaphore, #tpu.memory_space<semaphore_mem>>) src(%arg9 : memref<80x144xf32, #tpu.memory_space<vmem>>) dst(%dma_wait3A_112 : memref<80x144xf32, #tpu.memory_space<vmem_shared>>)
    %dma_wait3A_113 = arith.constant 0 : i32
    %dma_wait3A_114 = arith.constant 0 : i32
    %dma_wait3A_115 = tpu.memref_slice %arg11[%dma_wait3A_113, %dma_wait3A_114] : memref<10240x144xf32, #tpu.memory_space<vmem_shared>> -> memref<80x144xf32, #tpu.memory_space<vmem_shared>>
    %dma_wait3A_116 = arith.constant 0 : i32
    %dma_wait3A_117 = arith.constant 0 : i32
    %dma_wait3A_118 = tpu.memref_slice %arg11[%dma_wait3A_116, %dma_wait3A_117] : memref<10240x144xf32, #tpu.memory_space<vmem_shared>> -> memref<80x144xf32, #tpu.memory_space<vmem_shared>>
    tpu.wait_dma2 semaphore(%arg16 : memref<!tpu.dma_semaphore, #tpu.memory_space<semaphore_mem>>) src(%arg9 : memref<80x144xf32, #tpu.memory_space<vmem>>) dst(%dma_wait3A_118 : memref<80x144xf32, #tpu.memory_space<vmem_shared>>)
    %dma_wait3A_119 = arith.constant 0 : i32
    %dma_wait3A_120 = arith.constant 0 : i32
    %dma_wait3A_121 = tpu.memref_slice %arg11[%dma_wait3A_119, %dma_wait3A_120] : memref<10240x144xf32, #tpu.memory_space<vmem_shared>> -> memref<80x144xf32, #tpu.memory_space<vmem_shared>>
    %dma_wait3A_122 = arith.constant 0 : i32
    %dma_wait3A_123 = arith.constant 0 : i32
    %dma_wait3A_124 = tpu.memref_slice %arg11[%dma_wait3A_122, %dma_wait3A_123] : memref<10240x144xf32, #tpu.memory_space<vmem_shared>> -> memref<80x144xf32, #tpu.memory_space<vmem_shared>>
    tpu.wait_dma2 semaphore(%arg16 : memref<!tpu.dma_semaphore, #tpu.memory_space<semaphore_mem>>) src(%arg9 : memref<80x144xf32, #tpu.memory_space<vmem>>) dst(%dma_wait3A_124 : memref<80x144xf32, #tpu.memory_space<vmem_shared>>)
    %dma_wait3A_125 = arith.constant 0 : i32
    %dma_wait3A_126 = arith.constant 0 : i32
    %dma_wait3A_127 = tpu.memref_slice %arg11[%dma_wait3A_125, %dma_wait3A_126] : memref<10240x144xf32, #tpu.memory_space<vmem_shared>> -> memref<80x144xf32, #tpu.memory_space<vmem_shared>>
    %dma_wait3A_128 = arith.constant 0 : i32
    %dma_wait3A_129 = arith.constant 0 : i32
    %dma_wait3A_130 = tpu.memref_slice %arg11[%dma_wait3A_128, %dma_wait3A_129] : memref<10240x144xf32, #tpu.memory_space<vmem_shared>> -> memref<80x144xf32, #tpu.memory_space<vmem_shared>>
    tpu.wait_dma2 semaphore(%arg16 : memref<!tpu.dma_semaphore, #tpu.memory_space<semaphore_mem>>) src(%arg9 : memref<80x144xf32, #tpu.memory_space<vmem>>) dst(%dma_wait3A_130 : memref<80x144xf32, #tpu.memory_space<vmem_shared>>)
    %barrier3A = arith.constant 0 : index
    tpu.barrier barrier_id(%barrier3A)
    %add3A_131 = arith.constant 0 : i32
    %add3A_132 = arith.addi %select_n3A_30, %add3A_131 : i32
    %mul3A_133 = arith.constant 2 : i32
    %mul3A_134 = arith.muli %add3A_132, %mul3A_133 : i32
    %multiple_of3A = tpu.assume_multiple %mul3A_134, 2 : i32
    %dma_start3A_135 = arith.constant 0 : i32
    %dma_start3A_136 = tpu.memref_slice %arg3[%multiple_of3A, %dma_start3A_135] : memref<8000x80xi32, #tpu.memory_space<hbm>> -> memref<2x80xi32, #tpu.memory_space<hbm>>
    %dma_start3A_137 = arith.constant 0 : i32
    %dma_start3A_138 = tpu.memref_slice %arg3[%multiple_of3A, %dma_start3A_137] : memref<8000x80xi32, #tpu.memory_space<hbm>> -> memref<2x80xi32, #tpu.memory_space<hbm>>
    tpu.enqueue_dma source(%dma_start3A_138 : memref<2x80xi32, #tpu.memory_space<hbm>>) target(%arg5 : memref<2x80xi32, #tpu.memory_space<vmem>>) target_semaphore(%arg12 : memref<!tpu.dma_semaphore, #tpu.memory_space<semaphore_mem>>)
    %add3A_139 = arith.constant 1 : i32
    %add3A_140 = arith.addi %select_n3A_30, %add3A_139 : i32
    %mul3A_141 = arith.constant 2 : i32
    %mul3A_142 = arith.muli %add3A_140, %mul3A_141 : i32
    %multiple_of3A_143 = tpu.assume_multiple %mul3A_142, 2 : i32
    %dma_start3A_144 = arith.constant 0 : i32
    %dma_start3A_145 = tpu.memref_slice %arg3[%multiple_of3A_143, %dma_start3A_144] : memref<8000x80xi32, #tpu.memory_space<hbm>> -> memref<2x80xi32, #tpu.memory_space<hbm>>
    %dma_start3A_146 = arith.constant 0 : i32
    %dma_start3A_147 = tpu.memref_slice %arg3[%multiple_of3A_143, %dma_start3A_146] : memref<8000x80xi32, #tpu.memory_space<hbm>> -> memref<2x80xi32, #tpu.memory_space<hbm>>
    tpu.enqueue_dma source(%dma_start3A_147 : memref<2x80xi32, #tpu.memory_space<hbm>>) target(%arg6 : memref<2x80xi32, #tpu.memory_space<vmem>>) target_semaphore(%arg13 : memref<!tpu.dma_semaphore, #tpu.memory_space<semaphore_mem>>)
    %jit3A = arith.constant 4 : i32
    %div3A = arith.divsi %select_n3A, %jit3A : i32
    %sign3A = arith.constant 0 : i32
    %sign3A_148 = arith.cmpi sgt, %select_n3A, %sign3A : i32
    %sign3A_149 = arith.extui %sign3A_148 : i1 to i32
    %sign3A_150 = arith.constant 0 : i32
    %sign3A_151 = arith.cmpi slt, %select_n3A, %sign3A_150 : i32
    %sign3A_152 = arith.extui %sign3A_151 : i1 to i32
    %sign3A_153 = arith.subi %sign3A_149, %sign3A_152 : i32
    %sign3A_154 = arith.constant 0 : i32
    %sign3A_155 = arith.cmpi sgt, %jit3A, %sign3A_154 : i32
    %sign3A_156 = arith.extui %sign3A_155 : i1 to i32
    %sign3A_157 = arith.constant 0 : i32
    %sign3A_158 = arith.cmpi slt, %jit3A, %sign3A_157 : i32
    %sign3A_159 = arith.extui %sign3A_158 : i1 to i32
    %sign3A_160 = arith.subi %sign3A_156, %sign3A_159 : i32
    %ne3A = arith.cmpi ne, %sign3A_153, %sign3A_160 : i32
    %rem3A = arith.remsi %select_n3A, %jit3A : i32
    %ne3A_161 = arith.constant 0 : i32
    %ne3A_162 = arith.cmpi ne, %rem3A, %ne3A_161 : i32
    %and3A = arith.andi %ne3A, %ne3A_162 : i1
    %sub3A = arith.constant 1 : i32
    %sub3A_163 = arith.subi %div3A, %sub3A : i32
    %select_n3A_164 = arith.select %and3A, %sub3A_163, %div3A : i32
    %while3A = arith.constant 0 : i32
    %while3A_165 = arith.constant 0 : i32
    %while3A_166 = arith.subi %select_n3A_164, %while3A_165 : i32
    %while3A_167 = arith.addi %while3A_165, %while3A_166 : i32
    %while3A_168 = arith.constant 1 : i32
    %while3A_169 = arith.divsi %while3A_166, %while3A_168 : i32
    %while3A_170 = arith.muli %while3A_169, %while3A_168 : i32
    %while3A_171 = arith.addi %while3A_165, %while3A_170 : i32
    %while3A_172 = arith.constant 1 : i32
    scf.for %while3A_203 = %while3A_165 to %while3A_171 step %while3A_172  : i32 {
      %mul3A_204 = arith.constant 4 : i32
      %mul3A_205 = arith.muli %mul3A_204, %while3A_203 : i32
      %add3A_206 = arith.constant 0 : i32
      %add3A_207 = arith.addi %mul3A_205, %add3A_206 : i32
      %dma_wait3A_208 = arith.constant 0 : i32
      %dma_wait3A_209 = arith.constant 0 : i32
      %dma_wait3A_210 = tpu.memref_slice %arg3[%dma_wait3A_208, %dma_wait3A_209] : memref<8000x80xi32, #tpu.memory_space<hbm>> -> memref<2x80xi32, #tpu.memory_space<hbm>>
      %dma_wait3A_211 = arith.constant 0 : i32
      %dma_wait3A_212 = arith.constant 0 : i32
      %dma_wait3A_213 = tpu.memref_slice %arg3[%dma_wait3A_211, %dma_wait3A_212] : memref<8000x80xi32, #tpu.memory_space<hbm>> -> memref<2x80xi32, #tpu.memory_space<hbm>>
      tpu.wait_dma2 semaphore(%arg12 : memref<!tpu.dma_semaphore, #tpu.memory_space<semaphore_mem>>) src(%dma_wait3A_213 : memref<2x80xi32, #tpu.memory_space<hbm>>) dst(%arg5 : memref<2x80xi32, #tpu.memory_space<vmem>>)
      %ge3A = arith.constant 2 : i32
      %ge3A_214 = arith.cmpi sge, %add3A_207, %ge3A : i32
      %convert_element_type3A_215 = arith.extui %ge3A_214 : i1 to i32
      %cond3A = arith.constant 0 : i32
      %cond3A_216 = arith.cmpi ne, %convert_element_type3A_215, %cond3A : i32
      scf.if %cond3A_216 {
        %dma_wait3A_334 = arith.constant 1 : i32
        %dma_wait3A_335 = arith.constant 0 : i32
        %dma_wait3A_336 = tpu.memref_slice %arg7[%dma_wait3A_334, %dma_wait3A_335] : memref<2x80xi32, #tpu.memory_space<vmem>> -> memref<1x80xi32, #tpu.memory_space<vmem>>
        %dma_wait3A_337 = tpu.memref_squeeze %dma_wait3A_336 : memref<1x80xi32, #tpu.memory_space<vmem>> -> memref<80xi32, #tpu.memory_space<vmem>>
        %dma_wait3A_338 = arith.constant 0 : i32
        %dma_wait3A_339 = arith.constant 0 : i32
        %dma_wait3A_340 = tpu.memref_slice %arg11[%dma_wait3A_338, %dma_wait3A_339] : memref<10240x144xf32, #tpu.memory_space<vmem_shared>> -> memref<10240x144xf32, #tpu.memory_space<vmem_shared>>
        tpu.wait_indirect_dma semaphore(%arg18 : memref<!tpu.dma_semaphore, #tpu.memory_space<semaphore_mem>>) src(%arg9 : memref<80x144xf32, #tpu.memory_space<vmem>>) dst(%dma_wait3A_340 : memref<10240x144xf32, #tpu.memory_space<vmem_shared>>)
      } else {
      }
      %dma_start3A_217 = arith.constant 0 : i32
      %dma_start3A_218 = arith.constant 0 : i32
      %dma_start3A_219 = tpu.memref_slice %arg5[%dma_start3A_217, %dma_start3A_218] : memref<2x80xi32, #tpu.memory_space<vmem>> -> memref<1x80xi32, #tpu.memory_space<vmem>>
      %dma_start3A_220 = tpu.memref_squeeze %dma_start3A_219 : memref<1x80xi32, #tpu.memory_space<vmem>> -> memref<80xi32, #tpu.memory_space<vmem>>
      %dma_start3A_221 = arith.constant 0 : i32
      %dma_start3A_222 = arith.constant 0 : i32
      %dma_start3A_223 = tpu.memref_slice %arg2[%dma_start3A_221, %dma_start3A_222] : memref<10240x144xf32, #tpu.memory_space<hbm>> -> memref<10240x144xf32, #tpu.memory_space<hbm>>
      tpu.enqueue_indirect_dma source(%dma_start3A_223 : memref<10240x144xf32, #tpu.memory_space<hbm>>) target(%arg9 : memref<80x144xf32, #tpu.memory_space<vmem>>) offsets(%dma_start3A_220 : memref<80xi32, #tpu.memory_space<vmem>>) semaphore(%arg16 : memref<!tpu.dma_semaphore, #tpu.memory_space<semaphore_mem>>)
      %ge3A_224 = arith.constant 1 : i32
      %ge3A_225 = arith.cmpi sge, %add3A_207, %ge3A_224 : i32
      %convert_element_type3A_226 = arith.extui %ge3A_225 : i1 to i32
      %cond3A_227 = arith.constant 0 : i32
      %cond3A_228 = arith.cmpi ne, %convert_element_type3A_226, %cond3A_227 : i32
      scf.if %cond3A_228 {
        %dma_wait3A_334 = arith.constant 0 : i32
        %dma_wait3A_335 = arith.constant 0 : i32
        %dma_wait3A_336 = tpu.memref_slice %arg8[%dma_wait3A_334, %dma_wait3A_335] : memref<2x80xi32, #tpu.memory_space<vmem>> -> memref<1x80xi32, #tpu.memory_space<vmem>>
        %dma_wait3A_337 = tpu.memref_squeeze %dma_wait3A_336 : memref<1x80xi32, #tpu.memory_space<vmem>> -> memref<80xi32, #tpu.memory_space<vmem>>
        %dma_wait3A_338 = arith.constant 0 : i32
        %dma_wait3A_339 = arith.constant 0 : i32
        %dma_wait3A_340 = tpu.memref_slice %arg2[%dma_wait3A_338, %dma_wait3A_339] : memref<10240x144xf32, #tpu.memory_space<hbm>> -> memref<10240x144xf32, #tpu.memory_space<hbm>>
        tpu.wait_indirect_dma semaphore(%arg17 : memref<!tpu.dma_semaphore, #tpu.memory_space<semaphore_mem>>) src(%dma_wait3A_340 : memref<10240x144xf32, #tpu.memory_space<hbm>>) dst(%arg10 : memref<80x144xf32, #tpu.memory_space<vmem>>)
        %dma_start3A_341 = arith.constant 1 : i32
        %dma_start3A_342 = arith.constant 0 : i32
        %dma_start3A_343 = tpu.memref_slice %arg8[%dma_start3A_341, %dma_start3A_342] : memref<2x80xi32, #tpu.memory_space<vmem>> -> memref<1x80xi32, #tpu.memory_space<vmem>>
        %dma_start3A_344 = tpu.memref_squeeze %dma_start3A_343 : memref<1x80xi32, #tpu.memory_space<vmem>> -> memref<80xi32, #tpu.memory_space<vmem>>
        %dma_start3A_345 = arith.constant 0 : i32
        %dma_start3A_346 = arith.constant 0 : i32
        %dma_start3A_347 = tpu.memref_slice %arg11[%dma_start3A_345, %dma_start3A_346] : memref<10240x144xf32, #tpu.memory_space<vmem_shared>> -> memref<10240x144xf32, #tpu.memory_space<vmem_shared>>
        tpu.enqueue_indirect_dma source(%arg10 : memref<80x144xf32, #tpu.memory_space<vmem>>) target(%dma_start3A_347 : memref<10240x144xf32, #tpu.memory_space<vmem_shared>>) offsets(%dma_start3A_344 : memref<80xi32, #tpu.memory_space<vmem>>) semaphore(%arg19 : memref<!tpu.dma_semaphore, #tpu.memory_space<semaphore_mem>>) {add = true}
      } else {
      }
      %add3A_229 = arith.constant 2 : i32
      %add3A_230 = arith.addi %add3A_207, %add3A_229 : i32
      %lt3A_231 = arith.cmpi slt, %add3A_230, %select_n3A : i32
      %convert_element_type3A_232 = arith.extui %lt3A_231 : i1 to i32
      %cond3A_233 = arith.constant 0 : i32
      %cond3A_234 = arith.cmpi ne, %convert_element_type3A_232, %cond3A_233 : i32
      scf.if %cond3A_234 {
        %add3A_334 = arith.constant 2 : i32
        %add3A_335 = arith.addi %add3A_207, %add3A_334 : i32
        %add3A_336 = arith.addi %select_n3A_30, %add3A_335 : i32
        %mul3A_337 = arith.constant 2 : i32
        %mul3A_338 = arith.muli %add3A_336, %mul3A_337 : i32
        %multiple_of3A_339 = tpu.assume_multiple %mul3A_338, 2 : i32
        %dma_start3A_340 = arith.constant 0 : i32
        %dma_start3A_341 = tpu.memref_slice %arg3[%multiple_of3A_339, %dma_start3A_340] : memref<8000x80xi32, #tpu.memory_space<hbm>> -> memref<2x80xi32, #tpu.memory_space<hbm>>
        %dma_start3A_342 = arith.constant 0 : i32
        %dma_start3A_343 = tpu.memref_slice %arg3[%multiple_of3A_339, %dma_start3A_342] : memref<8000x80xi32, #tpu.memory_space<hbm>> -> memref<2x80xi32, #tpu.memory_space<hbm>>
        tpu.enqueue_dma source(%dma_start3A_343 : memref<2x80xi32, #tpu.memory_space<hbm>>) target(%arg7 : memref<2x80xi32, #tpu.memory_space<vmem>>) target_semaphore(%arg14 : memref<!tpu.dma_semaphore, #tpu.memory_space<semaphore_mem>>)
      } else {
      }
      %mul3A_235 = arith.constant 4 : i32
      %mul3A_236 = arith.muli %mul3A_235, %while3A_203 : i32
      %add3A_237 = arith.constant 1 : i32
      %add3A_238 = arith.addi %mul3A_236, %add3A_237 : i32
      %dma_wait3A_239 = arith.constant 0 : i32
      %dma_wait3A_240 = arith.constant 0 : i32
      %dma_wait3A_241 = tpu.memref_slice %arg3[%dma_wait3A_239, %dma_wait3A_240] : memref<8000x80xi32, #tpu.memory_space<hbm>> -> memref<2x80xi32, #tpu.memory_space<hbm>>
      %dma_wait3A_242 = arith.constant 0 : i32
      %dma_wait3A_243 = arith.constant 0 : i32
      %dma_wait3A_244 = tpu.memref_slice %arg3[%dma_wait3A_242, %dma_wait3A_243] : memref<8000x80xi32, #tpu.memory_space<hbm>> -> memref<2x80xi32, #tpu.memory_space<hbm>>
      tpu.wait_dma2 semaphore(%arg13 : memref<!tpu.dma_semaphore, #tpu.memory_space<semaphore_mem>>) src(%dma_wait3A_244 : memref<2x80xi32, #tpu.memory_space<hbm>>) dst(%arg6 : memref<2x80xi32, #tpu.memory_space<vmem>>)
      %ge3A_245 = arith.constant 2 : i32
      %ge3A_246 = arith.cmpi sge, %add3A_238, %ge3A_245 : i32
      %convert_element_type3A_247 = arith.extui %ge3A_246 : i1 to i32
      %cond3A_248 = arith.constant 0 : i32
      %cond3A_249 = arith.cmpi ne, %convert_element_type3A_247, %cond3A_248 : i32
      scf.if %cond3A_249 {
        %dma_wait3A_334 = arith.constant 1 : i32
        %dma_wait3A_335 = arith.constant 0 : i32
        %dma_wait3A_336 = tpu.memref_slice %arg8[%dma_wait3A_334, %dma_wait3A_335] : memref<2x80xi32, #tpu.memory_space<vmem>> -> memref<1x80xi32, #tpu.memory_space<vmem>>
        %dma_wait3A_337 = tpu.memref_squeeze %dma_wait3A_336 : memref<1x80xi32, #tpu.memory_space<vmem>> -> memref<80xi32, #tpu.memory_space<vmem>>
        %dma_wait3A_338 = arith.constant 0 : i32
        %dma_wait3A_339 = arith.constant 0 : i32
        %dma_wait3A_340 = tpu.memref_slice %arg11[%dma_wait3A_338, %dma_wait3A_339] : memref<10240x144xf32, #tpu.memory_space<vmem_shared>> -> memref<10240x144xf32, #tpu.memory_space<vmem_shared>>
        tpu.wait_indirect_dma semaphore(%arg19 : memref<!tpu.dma_semaphore, #tpu.memory_space<semaphore_mem>>) src(%arg10 : memref<80x144xf32, #tpu.memory_space<vmem>>) dst(%dma_wait3A_340 : memref<10240x144xf32, #tpu.memory_space<vmem_shared>>)
      } else {
      }
      %dma_start3A_250 = arith.constant 0 : i32
      %dma_start3A_251 = arith.constant 0 : i32
      %dma_start3A_252 = tpu.memref_slice %arg6[%dma_start3A_250, %dma_start3A_251] : memref<2x80xi32, #tpu.memory_space<vmem>> -> memref<1x80xi32, #tpu.memory_space<vmem>>
      %dma_start3A_253 = tpu.memref_squeeze %dma_start3A_252 : memref<1x80xi32, #tpu.memory_space<vmem>> -> memref<80xi32, #tpu.memory_space<vmem>>
      %dma_start3A_254 = arith.constant 0 : i32
      %dma_start3A_255 = arith.constant 0 : i32
      %dma_start3A_256 = tpu.memref_slice %arg2[%dma_start3A_254, %dma_start3A_255] : memref<10240x144xf32, #tpu.memory_space<hbm>> -> memref<10240x144xf32, #tpu.memory_space<hbm>>
      tpu.enqueue_indirect_dma source(%dma_start3A_256 : memref<10240x144xf32, #tpu.memory_space<hbm>>) target(%arg10 : memref<80x144xf32, #tpu.memory_space<vmem>>) offsets(%dma_start3A_253 : memref<80xi32, #tpu.memory_space<vmem>>) semaphore(%arg17 : memref<!tpu.dma_semaphore, #tpu.memory_space<semaphore_mem>>)
      %ge3A_257 = arith.constant 1 : i32
      %ge3A_258 = arith.cmpi sge, %add3A_238, %ge3A_257 : i32
      %convert_element_type3A_259 = arith.extui %ge3A_258 : i1 to i32
      %cond3A_260 = arith.constant 0 : i32
      %cond3A_261 = arith.cmpi ne, %convert_element_type3A_259, %cond3A_260 : i32
      scf.if %cond3A_261 {
        %dma_wait3A_334 = arith.constant 0 : i32
        %dma_wait3A_335 = arith.constant 0 : i32
        %dma_wait3A_336 = tpu.memref_slice %arg5[%dma_wait3A_334, %dma_wait3A_335] : memref<2x80xi32, #tpu.memory_space<vmem>> -> memref<1x80xi32, #tpu.memory_space<vmem>>
        %dma_wait3A_337 = tpu.memref_squeeze %dma_wait3A_336 : memref<1x80xi32, #tpu.memory_space<vmem>> -> memref<80xi32, #tpu.memory_space<vmem>>
        %dma_wait3A_338 = arith.constant 0 : i32
        %dma_wait3A_339 = arith.constant 0 : i32
        %dma_wait3A_340 = tpu.memref_slice %arg2[%dma_wait3A_338, %dma_wait3A_339] : memref<10240x144xf32, #tpu.memory_space<hbm>> -> memref<10240x144xf32, #tpu.memory_space<hbm>>
        tpu.wait_indirect_dma semaphore(%arg16 : memref<!tpu.dma_semaphore, #tpu.memory_space<semaphore_mem>>) src(%dma_wait3A_340 : memref<10240x144xf32, #tpu.memory_space<hbm>>) dst(%arg9 : memref<80x144xf32, #tpu.memory_space<vmem>>)
        %dma_start3A_341 = arith.constant 1 : i32
        %dma_start3A_342 = arith.constant 0 : i32
        %dma_start3A_343 = tpu.memref_slice %arg5[%dma_start3A_341, %dma_start3A_342] : memref<2x80xi32, #tpu.memory_space<vmem>> -> memref<1x80xi32, #tpu.memory_space<vmem>>
        %dma_start3A_344 = tpu.memref_squeeze %dma_start3A_343 : memref<1x80xi32, #tpu.memory_space<vmem>> -> memref<80xi32, #tpu.memory_space<vmem>>
        %dma_start3A_345 = arith.constant 0 : i32
        %dma_start3A_346 = arith.constant 0 : i32
        %dma_start3A_347 = tpu.memref_slice %arg11[%dma_start3A_345, %dma_start3A_346] : memref<10240x144xf32, #tpu.memory_space<vmem_shared>> -> memref<10240x144xf32, #tpu.memory_space<vmem_shared>>
        tpu.enqueue_indirect_dma source(%arg9 : memref<80x144xf32, #tpu.memory_space<vmem>>) target(%dma_start3A_347 : memref<10240x144xf32, #tpu.memory_space<vmem_shared>>) offsets(%dma_start3A_344 : memref<80xi32, #tpu.memory_space<vmem>>) semaphore(%arg18 : memref<!tpu.dma_semaphore, #tpu.memory_space<semaphore_mem>>) {add = true}
      } else {
      }
      %add3A_262 = arith.constant 2 : i32
      %add3A_263 = arith.addi %add3A_238, %add3A_262 : i32
      %lt3A_264 = arith.cmpi slt, %add3A_263, %select_n3A : i32
      %convert_element_type3A_265 = arith.extui %lt3A_264 : i1 to i32
      %cond3A_266 = arith.constant 0 : i32
      %cond3A_267 = arith.cmpi ne, %convert_element_type3A_265, %cond3A_266 : i32
      scf.if %cond3A_267 {
        %add3A_334 = arith.constant 2 : i32
        %add3A_335 = arith.addi %add3A_238, %add3A_334 : i32
        %add3A_336 = arith.addi %select_n3A_30, %add3A_335 : i32
        %mul3A_337 = arith.constant 2 : i32
        %mul3A_338 = arith.muli %add3A_336, %mul3A_337 : i32
        %multiple_of3A_339 = tpu.assume_multiple %mul3A_338, 2 : i32
        %dma_start3A_340 = arith.constant 0 : i32
        %dma_start3A_341 = tpu.memref_slice %arg3[%multiple_of3A_339, %dma_start3A_340] : memref<8000x80xi32, #tpu.memory_space<hbm>> -> memref<2x80xi32, #tpu.memory_space<hbm>>
        %dma_start3A_342 = arith.constant 0 : i32
        %dma_start3A_343 = tpu.memref_slice %arg3[%multiple_of3A_339, %dma_start3A_342] : memref<8000x80xi32, #tpu.memory_space<hbm>> -> memref<2x80xi32, #tpu.memory_space<hbm>>
        tpu.enqueue_dma source(%dma_start3A_343 : memref<2x80xi32, #tpu.memory_space<hbm>>) target(%arg8 : memref<2x80xi32, #tpu.memory_space<vmem>>) target_semaphore(%arg15 : memref<!tpu.dma_semaphore, #tpu.memory_space<semaphore_mem>>)
      } else {
      }
      %mul3A_268 = arith.constant 4 : i32
      %mul3A_269 = arith.muli %mul3A_268, %while3A_203 : i32
      %add3A_270 = arith.constant 2 : i32
      %add3A_271 = arith.addi %mul3A_269, %add3A_270 : i32
      %dma_wait3A_272 = arith.constant 0 : i32
      %dma_wait3A_273 = arith.constant 0 : i32
      %dma_wait3A_274 = tpu.memref_slice %arg3[%dma_wait3A_272, %dma_wait3A_273] : memref<8000x80xi32, #tpu.memory_space<hbm>> -> memref<2x80xi32, #tpu.memory_space<hbm>>
      %dma_wait3A_275 = arith.constant 0 : i32
      %dma_wait3A_276 = arith.constant 0 : i32
      %dma_wait3A_277 = tpu.memref_slice %arg3[%dma_wait3A_275, %dma_wait3A_276] : memref<8000x80xi32, #tpu.memory_space<hbm>> -> memref<2x80xi32, #tpu.memory_space<hbm>>
      tpu.wait_dma2 semaphore(%arg14 : memref<!tpu.dma_semaphore, #tpu.memory_space<semaphore_mem>>) src(%dma_wait3A_277 : memref<2x80xi32, #tpu.memory_space<hbm>>) dst(%arg7 : memref<2x80xi32, #tpu.memory_space<vmem>>)
      %ge3A_278 = arith.constant 2 : i32
      %ge3A_279 = arith.cmpi sge, %add3A_271, %ge3A_278 : i32
      %convert_element_type3A_280 = arith.extui %ge3A_279 : i1 to i32
      %cond3A_281 = arith.constant 0 : i32
      %cond3A_282 = arith.cmpi ne, %convert_element_type3A_280, %cond3A_281 : i32
      scf.if %cond3A_282 {
        %dma_wait3A_334 = arith.constant 1 : i32
        %dma_wait3A_335 = arith.constant 0 : i32
        %dma_wait3A_336 = tpu.memref_slice %arg5[%dma_wait3A_334, %dma_wait3A_335] : memref<2x80xi32, #tpu.memory_space<vmem>> -> memref<1x80xi32, #tpu.memory_space<vmem>>
        %dma_wait3A_337 = tpu.memref_squeeze %dma_wait3A_336 : memref<1x80xi32, #tpu.memory_space<vmem>> -> memref<80xi32, #tpu.memory_space<vmem>>
        %dma_wait3A_338 = arith.constant 0 : i32
        %dma_wait3A_339 = arith.constant 0 : i32
        %dma_wait3A_340 = tpu.memref_slice %arg11[%dma_wait3A_338, %dma_wait3A_339] : memref<10240x144xf32, #tpu.memory_space<vmem_shared>> -> memref<10240x144xf32, #tpu.memory_space<vmem_shared>>
        tpu.wait_indirect_dma semaphore(%arg18 : memref<!tpu.dma_semaphore, #tpu.memory_space<semaphore_mem>>) src(%arg9 : memref<80x144xf32, #tpu.memory_space<vmem>>) dst(%dma_wait3A_340 : memref<10240x144xf32, #tpu.memory_space<vmem_shared>>)
      } else {
      }
      %dma_start3A_283 = arith.constant 0 : i32
      %dma_start3A_284 = arith.constant 0 : i32
      %dma_start3A_285 = tpu.memref_slice %arg7[%dma_start3A_283, %dma_start3A_284] : memref<2x80xi32, #tpu.memory_space<vmem>> -> memref<1x80xi32, #tpu.memory_space<vmem>>
      %dma_start3A_286 = tpu.memref_squeeze %dma_start3A_285 : memref<1x80xi32, #tpu.memory_space<vmem>> -> memref<80xi32, #tpu.memory_space<vmem>>
      %dma_start3A_287 = arith.constant 0 : i32
      %dma_start3A_288 = arith.constant 0 : i32
      %dma_start3A_289 = tpu.memref_slice %arg2[%dma_start3A_287, %dma_start3A_288] : memref<10240x144xf32, #tpu.memory_space<hbm>> -> memref<10240x144xf32, #tpu.memory_space<hbm>>
      tpu.enqueue_indirect_dma source(%dma_start3A_289 : memref<10240x144xf32, #tpu.memory_space<hbm>>) target(%arg9 : memref<80x144xf32, #tpu.memory_space<vmem>>) offsets(%dma_start3A_286 : memref<80xi32, #tpu.memory_space<vmem>>) semaphore(%arg16 : memref<!tpu.dma_semaphore, #tpu.memory_space<semaphore_mem>>)
      %ge3A_290 = arith.constant 1 : i32
      %ge3A_291 = arith.cmpi sge, %add3A_271, %ge3A_290 : i32
      %convert_element_type3A_292 = arith.extui %ge3A_291 : i1 to i32
      %cond3A_293 = arith.constant 0 : i32
      %cond3A_294 = arith.cmpi ne, %convert_element_type3A_292, %cond3A_293 : i32
      scf.if %cond3A_294 {
        %dma_wait3A_334 = arith.constant 0 : i32
        %dma_wait3A_335 = arith.constant 0 : i32
        %dma_wait3A_336 = tpu.memref_slice %arg6[%dma_wait3A_334, %dma_wait3A_335] : memref<2x80xi32, #tpu.memory_space<vmem>> -> memref<1x80xi32, #tpu.memory_space<vmem>>
        %dma_wait3A_337 = tpu.memref_squeeze %dma_wait3A_336 : memref<1x80xi32, #tpu.memory_space<vmem>> -> memref<80xi32, #tpu.memory_space<vmem>>
        %dma_wait3A_338 = arith.constant 0 : i32
        %dma_wait3A_339 = arith.constant 0 : i32
        %dma_wait3A_340 = tpu.memref_slice %arg2[%dma_wait3A_338, %dma_wait3A_339] : memref<10240x144xf32, #tpu.memory_space<hbm>> -> memref<10240x144xf32, #tpu.memory_space<hbm>>
        tpu.wait_indirect_dma semaphore(%arg17 : memref<!tpu.dma_semaphore, #tpu.memory_space<semaphore_mem>>) src(%dma_wait3A_340 : memref<10240x144xf32, #tpu.memory_space<hbm>>) dst(%arg10 : memref<80x144xf32, #tpu.memory_space<vmem>>)
        %dma_start3A_341 = arith.constant 1 : i32
        %dma_start3A_342 = arith.constant 0 : i32
        %dma_start3A_343 = tpu.memref_slice %arg6[%dma_start3A_341, %dma_start3A_342] : memref<2x80xi32, #tpu.memory_space<vmem>> -> memref<1x80xi32, #tpu.memory_space<vmem>>
        %dma_start3A_344 = tpu.memref_squeeze %dma_start3A_343 : memref<1x80xi32, #tpu.memory_space<vmem>> -> memref<80xi32, #tpu.memory_space<vmem>>
        %dma_start3A_345 = arith.constant 0 : i32
        %dma_start3A_346 = arith.constant 0 : i32
        %dma_start3A_347 = tpu.memref_slice %arg11[%dma_start3A_345, %dma_start3A_346] : memref<10240x144xf32, #tpu.memory_space<vmem_shared>> -> memref<10240x144xf32, #tpu.memory_space<vmem_shared>>
        tpu.enqueue_indirect_dma source(%arg10 : memref<80x144xf32, #tpu.memory_space<vmem>>) target(%dma_start3A_347 : memref<10240x144xf32, #tpu.memory_space<vmem_shared>>) offsets(%dma_start3A_344 : memref<80xi32, #tpu.memory_space<vmem>>) semaphore(%arg19 : memref<!tpu.dma_semaphore, #tpu.memory_space<semaphore_mem>>) {add = true}
      } else {
      }
      %add3A_295 = arith.constant 2 : i32
      %add3A_296 = arith.addi %add3A_271, %add3A_295 : i32
      %lt3A_297 = arith.cmpi slt, %add3A_296, %select_n3A : i32
      %convert_element_type3A_298 = arith.extui %lt3A_297 : i1 to i32
      %cond3A_299 = arith.constant 0 : i32
      %cond3A_300 = arith.cmpi ne, %convert_element_type3A_298, %cond3A_299 : i32
      scf.if %cond3A_300 {
        %add3A_334 = arith.constant 2 : i32
        %add3A_335 = arith.addi %add3A_271, %add3A_334 : i32
        %add3A_336 = arith.addi %select_n3A_30, %add3A_335 : i32
        %mul3A_337 = arith.constant 2 : i32
        %mul3A_338 = arith.muli %add3A_336, %mul3A_337 : i32
        %multiple_of3A_339 = tpu.assume_multiple %mul3A_338, 2 : i32
        %dma_start3A_340 = arith.constant 0 : i32
        %dma_start3A_341 = tpu.memref_slice %arg3[%multiple_of3A_339, %dma_start3A_340] : memref<8000x80xi32, #tpu.memory_space<hbm>> -> memref<2x80xi32, #tpu.memory_space<hbm>>
        %dma_start3A_342 = arith.constant 0 : i32
        %dma_start3A_343 = tpu.memref_slice %arg3[%multiple_of3A_339, %dma_start3A_342] : memref<8000x80xi32, #tpu.memory_space<hbm>> -> memref<2x80xi32, #tpu.memory_space<hbm>>
        tpu.enqueue_dma source(%dma_start3A_343 : memref<2x80xi32, #tpu.memory_space<hbm>>) target(%arg5 : memref<2x80xi32, #tpu.memory_space<vmem>>) target_semaphore(%arg12 : memref<!tpu.dma_semaphore, #tpu.memory_space<semaphore_mem>>)
      } else {
      }
      %mul3A_301 = arith.constant 4 : i32
      %mul3A_302 = arith.muli %mul3A_301, %while3A_203 : i32
      %add3A_303 = arith.constant 3 : i32
      %add3A_304 = arith.addi %mul3A_302, %add3A_303 : i32
      %dma_wait3A_305 = arith.constant 0 : i32
      %dma_wait3A_306 = arith.constant 0 : i32
      %dma_wait3A_307 = tpu.memref_slice %arg3[%dma_wait3A_305, %dma_wait3A_306] : memref<8000x80xi32, #tpu.memory_space<hbm>> -> memref<2x80xi32, #tpu.memory_space<hbm>>
      %dma_wait3A_308 = arith.constant 0 : i32
      %dma_wait3A_309 = arith.constant 0 : i32
      %dma_wait3A_310 = tpu.memref_slice %arg3[%dma_wait3A_308, %dma_wait3A_309] : memref<8000x80xi32, #tpu.memory_space<hbm>> -> memref<2x80xi32, #tpu.memory_space<hbm>>
      tpu.wait_dma2 semaphore(%arg15 : memref<!tpu.dma_semaphore, #tpu.memory_space<semaphore_mem>>) src(%dma_wait3A_310 : memref<2x80xi32, #tpu.memory_space<hbm>>) dst(%arg8 : memref<2x80xi32, #tpu.memory_space<vmem>>)
      %ge3A_311 = arith.constant 2 : i32
      %ge3A_312 = arith.cmpi sge, %add3A_304, %ge3A_311 : i32
      %convert_element_type3A_313 = arith.extui %ge3A_312 : i1 to i32
      %cond3A_314 = arith.constant 0 : i32
      %cond3A_315 = arith.cmpi ne, %convert_element_type3A_313, %cond3A_314 : i32
      scf.if %cond3A_315 {
        %dma_wait3A_334 = arith.constant 1 : i32
        %dma_wait3A_335 = arith.constant 0 : i32
        %dma_wait3A_336 = tpu.memref_slice %arg6[%dma_wait3A_334, %dma_wait3A_335] : memref<2x80xi32, #tpu.memory_space<vmem>> -> memref<1x80xi32, #tpu.memory_space<vmem>>
        %dma_wait3A_337 = tpu.memref_squeeze %dma_wait3A_336 : memref<1x80xi32, #tpu.memory_space<vmem>> -> memref<80xi32, #tpu.memory_space<vmem>>
        %dma_wait3A_338 = arith.constant 0 : i32
        %dma_wait3A_339 = arith.constant 0 : i32
        %dma_wait3A_340 = tpu.memref_slice %arg11[%dma_wait3A_338, %dma_wait3A_339] : memref<10240x144xf32, #tpu.memory_space<vmem_shared>> -> memref<10240x144xf32, #tpu.memory_space<vmem_shared>>
        tpu.wait_indirect_dma semaphore(%arg19 : memref<!tpu.dma_semaphore, #tpu.memory_space<semaphore_mem>>) src(%arg10 : memref<80x144xf32, #tpu.memory_space<vmem>>) dst(%dma_wait3A_340 : memref<10240x144xf32, #tpu.memory_space<vmem_shared>>)
      } else {
      }
      %dma_start3A_316 = arith.constant 0 : i32
      %dma_start3A_317 = arith.constant 0 : i32
      %dma_start3A_318 = tpu.memref_slice %arg8[%dma_start3A_316, %dma_start3A_317] : memref<2x80xi32, #tpu.memory_space<vmem>> -> memref<1x80xi32, #tpu.memory_space<vmem>>
      %dma_start3A_319 = tpu.memref_squeeze %dma_start3A_318 : memref<1x80xi32, #tpu.memory_space<vmem>> -> memref<80xi32, #tpu.memory_space<vmem>>
      %dma_start3A_320 = arith.constant 0 : i32
      %dma_start3A_321 = arith.constant 0 : i32
      %dma_start3A_322 = tpu.memref_slice %arg2[%dma_start3A_320, %dma_start3A_321] : memref<10240x144xf32, #tpu.memory_space<hbm>> -> memref<10240x144xf32, #tpu.memory_space<hbm>>
      tpu.enqueue_indirect_dma source(%dma_start3A_322 : memref<10240x144xf32, #tpu.memory_space<hbm>>) target(%arg10 : memref<80x144xf32, #tpu.memory_space<vmem>>) offsets(%dma_start3A_319 : memref<80xi32, #tpu.memory_space<vmem>>) semaphore(%arg17 : memref<!tpu.dma_semaphore, #tpu.memory_space<semaphore_mem>>)
      %ge3A_323 = arith.constant 1 : i32
      %ge3A_324 = arith.cmpi sge, %add3A_304, %ge3A_323 : i32
      %convert_element_type3A_325 = arith.extui %ge3A_324 : i1 to i32
      %cond3A_326 = arith.constant 0 : i32
      %cond3A_327 = arith.cmpi ne, %convert_element_type3A_325, %cond3A_326 : i32
      scf.if %cond3A_327 {
        %dma_wait3A_334 = arith.constant 0 : i32
        %dma_wait3A_335 = arith.constant 0 : i32
        %dma_wait3A_336 = tpu.memref_slice %arg7[%dma_wait3A_334, %dma_wait3A_335] : memref<2x80xi32, #tpu.memory_space<vmem>> -> memref<1x80xi32, #tpu.memory_space<vmem>>
        %dma_wait3A_337 = tpu.memref_squeeze %dma_wait3A_336 : memref<1x80xi32, #tpu.memory_space<vmem>> -> memref<80xi32, #tpu.memory_space<vmem>>
        %dma_wait3A_338 = arith.constant 0 : i32
        %dma_wait3A_339 = arith.constant 0 : i32
        %dma_wait3A_340 = tpu.memref_slice %arg2[%dma_wait3A_338, %dma_wait3A_339] : memref<10240x144xf32, #tpu.memory_space<hbm>> -> memref<10240x144xf32, #tpu.memory_space<hbm>>
        tpu.wait_indirect_dma semaphore(%arg16 : memref<!tpu.dma_semaphore, #tpu.memory_space<semaphore_mem>>) src(%dma_wait3A_340 : memref<10240x144xf32, #tpu.memory_space<hbm>>) dst(%arg9 : memref<80x144xf32, #tpu.memory_space<vmem>>)
        %dma_start3A_341 = arith.constant 1 : i32
        %dma_start3A_342 = arith.constant 0 : i32
        %dma_start3A_343 = tpu.memref_slice %arg7[%dma_start3A_341, %dma_start3A_342] : memref<2x80xi32, #tpu.memory_space<vmem>> -> memref<1x80xi32, #tpu.memory_space<vmem>>
        %dma_start3A_344 = tpu.memref_squeeze %dma_start3A_343 : memref<1x80xi32, #tpu.memory_space<vmem>> -> memref<80xi32, #tpu.memory_space<vmem>>
        %dma_start3A_345 = arith.constant 0 : i32
        %dma_start3A_346 = arith.constant 0 : i32
        %dma_start3A_347 = tpu.memref_slice %arg11[%dma_start3A_345, %dma_start3A_346] : memref<10240x144xf32, #tpu.memory_space<vmem_shared>> -> memref<10240x144xf32, #tpu.memory_space<vmem_shared>>
        tpu.enqueue_indirect_dma source(%arg9 : memref<80x144xf32, #tpu.memory_space<vmem>>) target(%dma_start3A_347 : memref<10240x144xf32, #tpu.memory_space<vmem_shared>>) offsets(%dma_start3A_344 : memref<80xi32, #tpu.memory_space<vmem>>) semaphore(%arg18 : memref<!tpu.dma_semaphore, #tpu.memory_space<semaphore_mem>>) {add = true}
      } else {
      }
      %add3A_328 = arith.constant 2 : i32
      %add3A_329 = arith.addi %add3A_304, %add3A_328 : i32
      %lt3A_330 = arith.cmpi slt, %add3A_329, %select_n3A : i32
      %convert_element_type3A_331 = arith.extui %lt3A_330 : i1 to i32
      %cond3A_332 = arith.constant 0 : i32
      %cond3A_333 = arith.cmpi ne, %convert_element_type3A_331, %cond3A_332 : i32
      scf.if %cond3A_333 {
        %add3A_334 = arith.constant 2 : i32
        %add3A_335 = arith.addi %add3A_304, %add3A_334 : i32
        %add3A_336 = arith.addi %select_n3A_30, %add3A_335 : i32
        %mul3A_337 = arith.constant 2 : i32
        %mul3A_338 = arith.muli %add3A_336, %mul3A_337 : i32
        %multiple_of3A_339 = tpu.assume_multiple %mul3A_338, 2 : i32
        %dma_start3A_340 = arith.constant 0 : i32
        %dma_start3A_341 = tpu.memref_slice %arg3[%multiple_of3A_339, %dma_start3A_340] : memref<8000x80xi32, #tpu.memory_space<hbm>> -> memref<2x80xi32, #tpu.memory_space<hbm>>
        %dma_start3A_342 = arith.constant 0 : i32
        %dma_start3A_343 = tpu.memref_slice %arg3[%multiple_of3A_339, %dma_start3A_342] : memref<8000x80xi32, #tpu.memory_space<hbm>> -> memref<2x80xi32, #tpu.memory_space<hbm>>
        tpu.enqueue_dma source(%dma_start3A_343 : memref<2x80xi32, #tpu.memory_space<hbm>>) target(%arg6 : memref<2x80xi32, #tpu.memory_space<vmem>>) target_semaphore(%arg13 : memref<!tpu.dma_semaphore, #tpu.memory_space<semaphore_mem>>)
      } else {
      }
    }
    %while3A_173 = arith.constant 1 : i32
    scf.for %while3A_203 = %while3A_171 to %while3A_167 step %while3A_173  : i32 {
      %mul3A_204 = arith.constant 4 : i32
      %mul3A_205 = arith.muli %mul3A_204, %while3A_203 : i32
      %add3A_206 = arith.constant 0 : i32
      %add3A_207 = arith.addi %mul3A_205, %add3A_206 : i32
      %dma_wait3A_208 = arith.constant 0 : i32
      %dma_wait3A_209 = arith.constant 0 : i32
      %dma_wait3A_210 = tpu.memref_slice %arg3[%dma_wait3A_208, %dma_wait3A_209] : memref<8000x80xi32, #tpu.memory_space<hbm>> -> memref<2x80xi32, #tpu.memory_space<hbm>>
      %dma_wait3A_211 = arith.constant 0 : i32
      %dma_wait3A_212 = arith.constant 0 : i32
      %dma_wait3A_213 = tpu.memref_slice %arg3[%dma_wait3A_211, %dma_wait3A_212] : memref<8000x80xi32, #tpu.memory_space<hbm>> -> memref<2x80xi32, #tpu.memory_space<hbm>>
      tpu.wait_dma2 semaphore(%arg12 : memref<!tpu.dma_semaphore, #tpu.memory_space<semaphore_mem>>) src(%dma_wait3A_213 : memref<2x80xi32, #tpu.memory_space<hbm>>) dst(%arg5 : memref<2x80xi32, #tpu.memory_space<vmem>>)
      %ge3A = arith.constant 2 : i32
      %ge3A_214 = arith.cmpi sge, %add3A_207, %ge3A : i32
      %convert_element_type3A_215 = arith.extui %ge3A_214 : i1 to i32
      %cond3A = arith.constant 0 : i32
      %cond3A_216 = arith.cmpi ne, %convert_element_type3A_215, %cond3A : i32
      scf.if %cond3A_216 {
        %dma_wait3A_334 = arith.constant 1 : i32
        %dma_wait3A_335 = arith.constant 0 : i32
        %dma_wait3A_336 = tpu.memref_slice %arg7[%dma_wait3A_334, %dma_wait3A_335] : memref<2x80xi32, #tpu.memory_space<vmem>> -> memref<1x80xi32, #tpu.memory_space<vmem>>
        %dma_wait3A_337 = tpu.memref_squeeze %dma_wait3A_336 : memref<1x80xi32, #tpu.memory_space<vmem>> -> memref<80xi32, #tpu.memory_space<vmem>>
        %dma_wait3A_338 = arith.constant 0 : i32
        %dma_wait3A_339 = arith.constant 0 : i32
        %dma_wait3A_340 = tpu.memref_slice %arg11[%dma_wait3A_338, %dma_wait3A_339] : memref<10240x144xf32, #tpu.memory_space<vmem_shared>> -> memref<10240x144xf32, #tpu.memory_space<vmem_shared>>
        tpu.wait_indirect_dma semaphore(%arg18 : memref<!tpu.dma_semaphore, #tpu.memory_space<semaphore_mem>>) src(%arg9 : memref<80x144xf32, #tpu.memory_space<vmem>>) dst(%dma_wait3A_340 : memref<10240x144xf32, #tpu.memory_space<vmem_shared>>)
      } else {
      }
      %dma_start3A_217 = arith.constant 0 : i32
      %dma_start3A_218 = arith.constant 0 : i32
      %dma_start3A_219 = tpu.memref_slice %arg5[%dma_start3A_217, %dma_start3A_218] : memref<2x80xi32, #tpu.memory_space<vmem>> -> memref<1x80xi32, #tpu.memory_space<vmem>>
      %dma_start3A_220 = tpu.memref_squeeze %dma_start3A_219 : memref<1x80xi32, #tpu.memory_space<vmem>> -> memref<80xi32, #tpu.memory_space<vmem>>
      %dma_start3A_221 = arith.constant 0 : i32
      %dma_start3A_222 = arith.constant 0 : i32
      %dma_start3A_223 = tpu.memref_slice %arg2[%dma_start3A_221, %dma_start3A_222] : memref<10240x144xf32, #tpu.memory_space<hbm>> -> memref<10240x144xf32, #tpu.memory_space<hbm>>
      tpu.enqueue_indirect_dma source(%dma_start3A_223 : memref<10240x144xf32, #tpu.memory_space<hbm>>) target(%arg9 : memref<80x144xf32, #tpu.memory_space<vmem>>) offsets(%dma_start3A_220 : memref<80xi32, #tpu.memory_space<vmem>>) semaphore(%arg16 : memref<!tpu.dma_semaphore, #tpu.memory_space<semaphore_mem>>)
      %ge3A_224 = arith.constant 1 : i32
      %ge3A_225 = arith.cmpi sge, %add3A_207, %ge3A_224 : i32
      %convert_element_type3A_226 = arith.extui %ge3A_225 : i1 to i32
      %cond3A_227 = arith.constant 0 : i32
      %cond3A_228 = arith.cmpi ne, %convert_element_type3A_226, %cond3A_227 : i32
      scf.if %cond3A_228 {
        %dma_wait3A_334 = arith.constant 0 : i32
        %dma_wait3A_335 = arith.constant 0 : i32
        %dma_wait3A_336 = tpu.memref_slice %arg8[%dma_wait3A_334, %dma_wait3A_335] : memref<2x80xi32, #tpu.memory_space<vmem>> -> memref<1x80xi32, #tpu.memory_space<vmem>>
        %dma_wait3A_337 = tpu.memref_squeeze %dma_wait3A_336 : memref<1x80xi32, #tpu.memory_space<vmem>> -> memref<80xi32, #tpu.memory_space<vmem>>
        %dma_wait3A_338 = arith.constant 0 : i32
        %dma_wait3A_339 = arith.constant 0 : i32
        %dma_wait3A_340 = tpu.memref_slice %arg2[%dma_wait3A_338, %dma_wait3A_339] : memref<10240x144xf32, #tpu.memory_space<hbm>> -> memref<10240x144xf32, #tpu.memory_space<hbm>>
        tpu.wait_indirect_dma semaphore(%arg17 : memref<!tpu.dma_semaphore, #tpu.memory_space<semaphore_mem>>) src(%dma_wait3A_340 : memref<10240x144xf32, #tpu.memory_space<hbm>>) dst(%arg10 : memref<80x144xf32, #tpu.memory_space<vmem>>)
        %dma_start3A_341 = arith.constant 1 : i32
        %dma_start3A_342 = arith.constant 0 : i32
        %dma_start3A_343 = tpu.memref_slice %arg8[%dma_start3A_341, %dma_start3A_342] : memref<2x80xi32, #tpu.memory_space<vmem>> -> memref<1x80xi32, #tpu.memory_space<vmem>>
        %dma_start3A_344 = tpu.memref_squeeze %dma_start3A_343 : memref<1x80xi32, #tpu.memory_space<vmem>> -> memref<80xi32, #tpu.memory_space<vmem>>
        %dma_start3A_345 = arith.constant 0 : i32
        %dma_start3A_346 = arith.constant 0 : i32
        %dma_start3A_347 = tpu.memref_slice %arg11[%dma_start3A_345, %dma_start3A_346] : memref<10240x144xf32, #tpu.memory_space<vmem_shared>> -> memref<10240x144xf32, #tpu.memory_space<vmem_shared>>
        tpu.enqueue_indirect_dma source(%arg10 : memref<80x144xf32, #tpu.memory_space<vmem>>) target(%dma_start3A_347 : memref<10240x144xf32, #tpu.memory_space<vmem_shared>>) offsets(%dma_start3A_344 : memref<80xi32, #tpu.memory_space<vmem>>) semaphore(%arg19 : memref<!tpu.dma_semaphore, #tpu.memory_space<semaphore_mem>>) {add = true}
      } else {
      }
      %add3A_229 = arith.constant 2 : i32
      %add3A_230 = arith.addi %add3A_207, %add3A_229 : i32
      %lt3A_231 = arith.cmpi slt, %add3A_230, %select_n3A : i32
      %convert_element_type3A_232 = arith.extui %lt3A_231 : i1 to i32
      %cond3A_233 = arith.constant 0 : i32
      %cond3A_234 = arith.cmpi ne, %convert_element_type3A_232, %cond3A_233 : i32
      scf.if %cond3A_234 {
        %add3A_334 = arith.constant 2 : i32
        %add3A_335 = arith.addi %add3A_207, %add3A_334 : i32
        %add3A_336 = arith.addi %select_n3A_30, %add3A_335 : i32
        %mul3A_337 = arith.constant 2 : i32
        %mul3A_338 = arith.muli %add3A_336, %mul3A_337 : i32
        %multiple_of3A_339 = tpu.assume_multiple %mul3A_338, 2 : i32
        %dma_start3A_340 = arith.constant 0 : i32
        %dma_start3A_341 = tpu.memref_slice %arg3[%multiple_of3A_339, %dma_start3A_340] : memref<8000x80xi32, #tpu.memory_space<hbm>> -> memref<2x80xi32, #tpu.memory_space<hbm>>
        %dma_start3A_342 = arith.constant 0 : i32
        %dma_start3A_343 = tpu.memref_slice %arg3[%multiple_of3A_339, %dma_start3A_342] : memref<8000x80xi32, #tpu.memory_space<hbm>> -> memref<2x80xi32, #tpu.memory_space<hbm>>
        tpu.enqueue_dma source(%dma_start3A_343 : memref<2x80xi32, #tpu.memory_space<hbm>>) target(%arg7 : memref<2x80xi32, #tpu.memory_space<vmem>>) target_semaphore(%arg14 : memref<!tpu.dma_semaphore, #tpu.memory_space<semaphore_mem>>)
      } else {
      }
      %mul3A_235 = arith.constant 4 : i32
      %mul3A_236 = arith.muli %mul3A_235, %while3A_203 : i32
      %add3A_237 = arith.constant 1 : i32
      %add3A_238 = arith.addi %mul3A_236, %add3A_237 : i32
      %dma_wait3A_239 = arith.constant 0 : i32
      %dma_wait3A_240 = arith.constant 0 : i32
      %dma_wait3A_241 = tpu.memref_slice %arg3[%dma_wait3A_239, %dma_wait3A_240] : memref<8000x80xi32, #tpu.memory_space<hbm>> -> memref<2x80xi32, #tpu.memory_space<hbm>>
      %dma_wait3A_242 = arith.constant 0 : i32
      %dma_wait3A_243 = arith.constant 0 : i32
      %dma_wait3A_244 = tpu.memref_slice %arg3[%dma_wait3A_242, %dma_wait3A_243] : memref<8000x80xi32, #tpu.memory_space<hbm>> -> memref<2x80xi32, #tpu.memory_space<hbm>>
      tpu.wait_dma2 semaphore(%arg13 : memref<!tpu.dma_semaphore, #tpu.memory_space<semaphore_mem>>) src(%dma_wait3A_244 : memref<2x80xi32, #tpu.memory_space<hbm>>) dst(%arg6 : memref<2x80xi32, #tpu.memory_space<vmem>>)
      %ge3A_245 = arith.constant 2 : i32
      %ge3A_246 = arith.cmpi sge, %add3A_238, %ge3A_245 : i32
      %convert_element_type3A_247 = arith.extui %ge3A_246 : i1 to i32
      %cond3A_248 = arith.constant 0 : i32
      %cond3A_249 = arith.cmpi ne, %convert_element_type3A_247, %cond3A_248 : i32
      scf.if %cond3A_249 {
        %dma_wait3A_334 = arith.constant 1 : i32
        %dma_wait3A_335 = arith.constant 0 : i32
        %dma_wait3A_336 = tpu.memref_slice %arg8[%dma_wait3A_334, %dma_wait3A_335] : memref<2x80xi32, #tpu.memory_space<vmem>> -> memref<1x80xi32, #tpu.memory_space<vmem>>
        %dma_wait3A_337 = tpu.memref_squeeze %dma_wait3A_336 : memref<1x80xi32, #tpu.memory_space<vmem>> -> memref<80xi32, #tpu.memory_space<vmem>>
        %dma_wait3A_338 = arith.constant 0 : i32
        %dma_wait3A_339 = arith.constant 0 : i32
        %dma_wait3A_340 = tpu.memref_slice %arg11[%dma_wait3A_338, %dma_wait3A_339] : memref<10240x144xf32, #tpu.memory_space<vmem_shared>> -> memref<10240x144xf32, #tpu.memory_space<vmem_shared>>
        tpu.wait_indirect_dma semaphore(%arg19 : memref<!tpu.dma_semaphore, #tpu.memory_space<semaphore_mem>>) src(%arg10 : memref<80x144xf32, #tpu.memory_space<vmem>>) dst(%dma_wait3A_340 : memref<10240x144xf32, #tpu.memory_space<vmem_shared>>)
      } else {
      }
      %dma_start3A_250 = arith.constant 0 : i32
      %dma_start3A_251 = arith.constant 0 : i32
      %dma_start3A_252 = tpu.memref_slice %arg6[%dma_start3A_250, %dma_start3A_251] : memref<2x80xi32, #tpu.memory_space<vmem>> -> memref<1x80xi32, #tpu.memory_space<vmem>>
      %dma_start3A_253 = tpu.memref_squeeze %dma_start3A_252 : memref<1x80xi32, #tpu.memory_space<vmem>> -> memref<80xi32, #tpu.memory_space<vmem>>
      %dma_start3A_254 = arith.constant 0 : i32
      %dma_start3A_255 = arith.constant 0 : i32
      %dma_start3A_256 = tpu.memref_slice %arg2[%dma_start3A_254, %dma_start3A_255] : memref<10240x144xf32, #tpu.memory_space<hbm>> -> memref<10240x144xf32, #tpu.memory_space<hbm>>
      tpu.enqueue_indirect_dma source(%dma_start3A_256 : memref<10240x144xf32, #tpu.memory_space<hbm>>) target(%arg10 : memref<80x144xf32, #tpu.memory_space<vmem>>) offsets(%dma_start3A_253 : memref<80xi32, #tpu.memory_space<vmem>>) semaphore(%arg17 : memref<!tpu.dma_semaphore, #tpu.memory_space<semaphore_mem>>)
      %ge3A_257 = arith.constant 1 : i32
      %ge3A_258 = arith.cmpi sge, %add3A_238, %ge3A_257 : i32
      %convert_element_type3A_259 = arith.extui %ge3A_258 : i1 to i32
      %cond3A_260 = arith.constant 0 : i32
      %cond3A_261 = arith.cmpi ne, %convert_element_type3A_259, %cond3A_260 : i32
      scf.if %cond3A_261 {
        %dma_wait3A_334 = arith.constant 0 : i32
        %dma_wait3A_335 = arith.constant 0 : i32
        %dma_wait3A_336 = tpu.memref_slice %arg5[%dma_wait3A_334, %dma_wait3A_335] : memref<2x80xi32, #tpu.memory_space<vmem>> -> memref<1x80xi32, #tpu.memory_space<vmem>>
        %dma_wait3A_337 = tpu.memref_squeeze %dma_wait3A_336 : memref<1x80xi32, #tpu.memory_space<vmem>> -> memref<80xi32, #tpu.memory_space<vmem>>
        %dma_wait3A_338 = arith.constant 0 : i32
        %dma_wait3A_339 = arith.constant 0 : i32
        %dma_wait3A_340 = tpu.memref_slice %arg2[%dma_wait3A_338, %dma_wait3A_339] : memref<10240x144xf32, #tpu.memory_space<hbm>> -> memref<10240x144xf32, #tpu.memory_space<hbm>>
        tpu.wait_indirect_dma semaphore(%arg16 : memref<!tpu.dma_semaphore, #tpu.memory_space<semaphore_mem>>) src(%dma_wait3A_340 : memref<10240x144xf32, #tpu.memory_space<hbm>>) dst(%arg9 : memref<80x144xf32, #tpu.memory_space<vmem>>)
        %dma_start3A_341 = arith.constant 1 : i32
        %dma_start3A_342 = arith.constant 0 : i32
        %dma_start3A_343 = tpu.memref_slice %arg5[%dma_start3A_341, %dma_start3A_342] : memref<2x80xi32, #tpu.memory_space<vmem>> -> memref<1x80xi32, #tpu.memory_space<vmem>>
        %dma_start3A_344 = tpu.memref_squeeze %dma_start3A_343 : memref<1x80xi32, #tpu.memory_space<vmem>> -> memref<80xi32, #tpu.memory_space<vmem>>
        %dma_start3A_345 = arith.constant 0 : i32
        %dma_start3A_346 = arith.constant 0 : i32
        %dma_start3A_347 = tpu.memref_slice %arg11[%dma_start3A_345, %dma_start3A_346] : memref<10240x144xf32, #tpu.memory_space<vmem_shared>> -> memref<10240x144xf32, #tpu.memory_space<vmem_shared>>
        tpu.enqueue_indirect_dma source(%arg9 : memref<80x144xf32, #tpu.memory_space<vmem>>) target(%dma_start3A_347 : memref<10240x144xf32, #tpu.memory_space<vmem_shared>>) offsets(%dma_start3A_344 : memref<80xi32, #tpu.memory_space<vmem>>) semaphore(%arg18 : memref<!tpu.dma_semaphore, #tpu.memory_space<semaphore_mem>>) {add = true}
      } else {
      }
      %add3A_262 = arith.constant 2 : i32
      %add3A_263 = arith.addi %add3A_238, %add3A_262 : i32
      %lt3A_264 = arith.cmpi slt, %add3A_263, %select_n3A : i32
      %convert_element_type3A_265 = arith.extui %lt3A_264 : i1 to i32
      %cond3A_266 = arith.constant 0 : i32
      %cond3A_267 = arith.cmpi ne, %convert_element_type3A_265, %cond3A_266 : i32
      scf.if %cond3A_267 {
        %add3A_334 = arith.constant 2 : i32
        %add3A_335 = arith.addi %add3A_238, %add3A_334 : i32
        %add3A_336 = arith.addi %select_n3A_30, %add3A_335 : i32
        %mul3A_337 = arith.constant 2 : i32
        %mul3A_338 = arith.muli %add3A_336, %mul3A_337 : i32
        %multiple_of3A_339 = tpu.assume_multiple %mul3A_338, 2 : i32
        %dma_start3A_340 = arith.constant 0 : i32
        %dma_start3A_341 = tpu.memref_slice %arg3[%multiple_of3A_339, %dma_start3A_340] : memref<8000x80xi32, #tpu.memory_space<hbm>> -> memref<2x80xi32, #tpu.memory_space<hbm>>
        %dma_start3A_342 = arith.constant 0 : i32
        %dma_start3A_343 = tpu.memref_slice %arg3[%multiple_of3A_339, %dma_start3A_342] : memref<8000x80xi32, #tpu.memory_space<hbm>> -> memref<2x80xi32, #tpu.memory_space<hbm>>
        tpu.enqueue_dma source(%dma_start3A_343 : memref<2x80xi32, #tpu.memory_space<hbm>>) target(%arg8 : memref<2x80xi32, #tpu.memory_space<vmem>>) target_semaphore(%arg15 : memref<!tpu.dma_semaphore, #tpu.memory_space<semaphore_mem>>)
      } else {
      }
      %mul3A_268 = arith.constant 4 : i32
      %mul3A_269 = arith.muli %mul3A_268, %while3A_203 : i32
      %add3A_270 = arith.constant 2 : i32
      %add3A_271 = arith.addi %mul3A_269, %add3A_270 : i32
      %dma_wait3A_272 = arith.constant 0 : i32
      %dma_wait3A_273 = arith.constant 0 : i32
      %dma_wait3A_274 = tpu.memref_slice %arg3[%dma_wait3A_272, %dma_wait3A_273] : memref<8000x80xi32, #tpu.memory_space<hbm>> -> memref<2x80xi32, #tpu.memory_space<hbm>>
      %dma_wait3A_275 = arith.constant 0 : i32
      %dma_wait3A_276 = arith.constant 0 : i32
      %dma_wait3A_277 = tpu.memref_slice %arg3[%dma_wait3A_275, %dma_wait3A_276] : memref<8000x80xi32, #tpu.memory_space<hbm>> -> memref<2x80xi32, #tpu.memory_space<hbm>>
      tpu.wait_dma2 semaphore(%arg14 : memref<!tpu.dma_semaphore, #tpu.memory_space<semaphore_mem>>) src(%dma_wait3A_277 : memref<2x80xi32, #tpu.memory_space<hbm>>) dst(%arg7 : memref<2x80xi32, #tpu.memory_space<vmem>>)
      %ge3A_278 = arith.constant 2 : i32
      %ge3A_279 = arith.cmpi sge, %add3A_271, %ge3A_278 : i32
      %convert_element_type3A_280 = arith.extui %ge3A_279 : i1 to i32
      %cond3A_281 = arith.constant 0 : i32
      %cond3A_282 = arith.cmpi ne, %convert_element_type3A_280, %cond3A_281 : i32
      scf.if %cond3A_282 {
        %dma_wait3A_334 = arith.constant 1 : i32
        %dma_wait3A_335 = arith.constant 0 : i32
        %dma_wait3A_336 = tpu.memref_slice %arg5[%dma_wait3A_334, %dma_wait3A_335] : memref<2x80xi32, #tpu.memory_space<vmem>> -> memref<1x80xi32, #tpu.memory_space<vmem>>
        %dma_wait3A_337 = tpu.memref_squeeze %dma_wait3A_336 : memref<1x80xi32, #tpu.memory_space<vmem>> -> memref<80xi32, #tpu.memory_space<vmem>>
        %dma_wait3A_338 = arith.constant 0 : i32
        %dma_wait3A_339 = arith.constant 0 : i32
        %dma_wait3A_340 = tpu.memref_slice %arg11[%dma_wait3A_338, %dma_wait3A_339] : memref<10240x144xf32, #tpu.memory_space<vmem_shared>> -> memref<10240x144xf32, #tpu.memory_space<vmem_shared>>
        tpu.wait_indirect_dma semaphore(%arg18 : memref<!tpu.dma_semaphore, #tpu.memory_space<semaphore_mem>>) src(%arg9 : memref<80x144xf32, #tpu.memory_space<vmem>>) dst(%dma_wait3A_340 : memref<10240x144xf32, #tpu.memory_space<vmem_shared>>)
      } else {
      }
      %dma_start3A_283 = arith.constant 0 : i32
      %dma_start3A_284 = arith.constant 0 : i32
      %dma_start3A_285 = tpu.memref_slice %arg7[%dma_start3A_283, %dma_start3A_284] : memref<2x80xi32, #tpu.memory_space<vmem>> -> memref<1x80xi32, #tpu.memory_space<vmem>>
      %dma_start3A_286 = tpu.memref_squeeze %dma_start3A_285 : memref<1x80xi32, #tpu.memory_space<vmem>> -> memref<80xi32, #tpu.memory_space<vmem>>
      %dma_start3A_287 = arith.constant 0 : i32
      %dma_start3A_288 = arith.constant 0 : i32
      %dma_start3A_289 = tpu.memref_slice %arg2[%dma_start3A_287, %dma_start3A_288] : memref<10240x144xf32, #tpu.memory_space<hbm>> -> memref<10240x144xf32, #tpu.memory_space<hbm>>
      tpu.enqueue_indirect_dma source(%dma_start3A_289 : memref<10240x144xf32, #tpu.memory_space<hbm>>) target(%arg9 : memref<80x144xf32, #tpu.memory_space<vmem>>) offsets(%dma_start3A_286 : memref<80xi32, #tpu.memory_space<vmem>>) semaphore(%arg16 : memref<!tpu.dma_semaphore, #tpu.memory_space<semaphore_mem>>)
      %ge3A_290 = arith.constant 1 : i32
      %ge3A_291 = arith.cmpi sge, %add3A_271, %ge3A_290 : i32
      %convert_element_type3A_292 = arith.extui %ge3A_291 : i1 to i32
      %cond3A_293 = arith.constant 0 : i32
      %cond3A_294 = arith.cmpi ne, %convert_element_type3A_292, %cond3A_293 : i32
      scf.if %cond3A_294 {
        %dma_wait3A_334 = arith.constant 0 : i32
        %dma_wait3A_335 = arith.constant 0 : i32
        %dma_wait3A_336 = tpu.memref_slice %arg6[%dma_wait3A_334, %dma_wait3A_335] : memref<2x80xi32, #tpu.memory_space<vmem>> -> memref<1x80xi32, #tpu.memory_space<vmem>>
        %dma_wait3A_337 = tpu.memref_squeeze %dma_wait3A_336 : memref<1x80xi32, #tpu.memory_space<vmem>> -> memref<80xi32, #tpu.memory_space<vmem>>
        %dma_wait3A_338 = arith.constant 0 : i32
        %dma_wait3A_339 = arith.constant 0 : i32
        %dma_wait3A_340 = tpu.memref_slice %arg2[%dma_wait3A_338, %dma_wait3A_339] : memref<10240x144xf32, #tpu.memory_space<hbm>> -> memref<10240x144xf32, #tpu.memory_space<hbm>>
        tpu.wait_indirect_dma semaphore(%arg17 : memref<!tpu.dma_semaphore, #tpu.memory_space<semaphore_mem>>) src(%dma_wait3A_340 : memref<10240x144xf32, #tpu.memory_space<hbm>>) dst(%arg10 : memref<80x144xf32, #tpu.memory_space<vmem>>)
        %dma_start3A_341 = arith.constant 1 : i32
        %dma_start3A_342 = arith.constant 0 : i32
        %dma_start3A_343 = tpu.memref_slice %arg6[%dma_start3A_341, %dma_start3A_342] : memref<2x80xi32, #tpu.memory_space<vmem>> -> memref<1x80xi32, #tpu.memory_space<vmem>>
        %dma_start3A_344 = tpu.memref_squeeze %dma_start3A_343 : memref<1x80xi32, #tpu.memory_space<vmem>> -> memref<80xi32, #tpu.memory_space<vmem>>
        %dma_start3A_345 = arith.constant 0 : i32
        %dma_start3A_346 = arith.constant 0 : i32
        %dma_start3A_347 = tpu.memref_slice %arg11[%dma_start3A_345, %dma_start3A_346] : memref<10240x144xf32, #tpu.memory_space<vmem_shared>> -> memref<10240x144xf32, #tpu.memory_space<vmem_shared>>
        tpu.enqueue_indirect_dma source(%arg10 : memref<80x144xf32, #tpu.memory_space<vmem>>) target(%dma_start3A_347 : memref<10240x144xf32, #tpu.memory_space<vmem_shared>>) offsets(%dma_start3A_344 : memref<80xi32, #tpu.memory_space<vmem>>) semaphore(%arg19 : memref<!tpu.dma_semaphore, #tpu.memory_space<semaphore_mem>>) {add = true}
      } else {
      }
      %add3A_295 = arith.constant 2 : i32
      %add3A_296 = arith.addi %add3A_271, %add3A_295 : i32
      %lt3A_297 = arith.cmpi slt, %add3A_296, %select_n3A : i32
      %convert_element_type3A_298 = arith.extui %lt3A_297 : i1 to i32
      %cond3A_299 = arith.constant 0 : i32
      %cond3A_300 = arith.cmpi ne, %convert_element_type3A_298, %cond3A_299 : i32
      scf.if %cond3A_300 {
        %add3A_334 = arith.constant 2 : i32
        %add3A_335 = arith.addi %add3A_271, %add3A_334 : i32
        %add3A_336 = arith.addi %select_n3A_30, %add3A_335 : i32
        %mul3A_337 = arith.constant 2 : i32
        %mul3A_338 = arith.muli %add3A_336, %mul3A_337 : i32
        %multiple_of3A_339 = tpu.assume_multiple %mul3A_338, 2 : i32
        %dma_start3A_340 = arith.constant 0 : i32
        %dma_start3A_341 = tpu.memref_slice %arg3[%multiple_of3A_339, %dma_start3A_340] : memref<8000x80xi32, #tpu.memory_space<hbm>> -> memref<2x80xi32, #tpu.memory_space<hbm>>
        %dma_start3A_342 = arith.constant 0 : i32
        %dma_start3A_343 = tpu.memref_slice %arg3[%multiple_of3A_339, %dma_start3A_342] : memref<8000x80xi32, #tpu.memory_space<hbm>> -> memref<2x80xi32, #tpu.memory_space<hbm>>
        tpu.enqueue_dma source(%dma_start3A_343 : memref<2x80xi32, #tpu.memory_space<hbm>>) target(%arg5 : memref<2x80xi32, #tpu.memory_space<vmem>>) target_semaphore(%arg12 : memref<!tpu.dma_semaphore, #tpu.memory_space<semaphore_mem>>)
      } else {
      }
      %mul3A_301 = arith.constant 4 : i32
      %mul3A_302 = arith.muli %mul3A_301, %while3A_203 : i32
      %add3A_303 = arith.constant 3 : i32
      %add3A_304 = arith.addi %mul3A_302, %add3A_303 : i32
      %dma_wait3A_305 = arith.constant 0 : i32
      %dma_wait3A_306 = arith.constant 0 : i32
      %dma_wait3A_307 = tpu.memref_slice %arg3[%dma_wait3A_305, %dma_wait3A_306] : memref<8000x80xi32, #tpu.memory_space<hbm>> -> memref<2x80xi32, #tpu.memory_space<hbm>>
      %dma_wait3A_308 = arith.constant 0 : i32
      %dma_wait3A_309 = arith.constant 0 : i32
      %dma_wait3A_310 = tpu.memref_slice %arg3[%dma_wait3A_308, %dma_wait3A_309] : memref<8000x80xi32, #tpu.memory_space<hbm>> -> memref<2x80xi32, #tpu.memory_space<hbm>>
      tpu.wait_dma2 semaphore(%arg15 : memref<!tpu.dma_semaphore, #tpu.memory_space<semaphore_mem>>) src(%dma_wait3A_310 : memref<2x80xi32, #tpu.memory_space<hbm>>) dst(%arg8 : memref<2x80xi32, #tpu.memory_space<vmem>>)
      %ge3A_311 = arith.constant 2 : i32
      %ge3A_312 = arith.cmpi sge, %add3A_304, %ge3A_311 : i32
      %convert_element_type3A_313 = arith.extui %ge3A_312 : i1 to i32
      %cond3A_314 = arith.constant 0 : i32
      %cond3A_315 = arith.cmpi ne, %convert_element_type3A_313, %cond3A_314 : i32
      scf.if %cond3A_315 {
        %dma_wait3A_334 = arith.constant 1 : i32
        %dma_wait3A_335 = arith.constant 0 : i32
        %dma_wait3A_336 = tpu.memref_slice %arg6[%dma_wait3A_334, %dma_wait3A_335] : memref<2x80xi32, #tpu.memory_space<vmem>> -> memref<1x80xi32, #tpu.memory_space<vmem>>
        %dma_wait3A_337 = tpu.memref_squeeze %dma_wait3A_336 : memref<1x80xi32, #tpu.memory_space<vmem>> -> memref<80xi32, #tpu.memory_space<vmem>>
        %dma_wait3A_338 = arith.constant 0 : i32
        %dma_wait3A_339 = arith.constant 0 : i32
        %dma_wait3A_340 = tpu.memref_slice %arg11[%dma_wait3A_338, %dma_wait3A_339] : memref<10240x144xf32, #tpu.memory_space<vmem_shared>> -> memref<10240x144xf32, #tpu.memory_space<vmem_shared>>
        tpu.wait_indirect_dma semaphore(%arg19 : memref<!tpu.dma_semaphore, #tpu.memory_space<semaphore_mem>>) src(%arg10 : memref<80x144xf32, #tpu.memory_space<vmem>>) dst(%dma_wait3A_340 : memref<10240x144xf32, #tpu.memory_space<vmem_shared>>)
      } else {
      }
      %dma_start3A_316 = arith.constant 0 : i32
      %dma_start3A_317 = arith.constant 0 : i32
      %dma_start3A_318 = tpu.memref_slice %arg8[%dma_start3A_316, %dma_start3A_317] : memref<2x80xi32, #tpu.memory_space<vmem>> -> memref<1x80xi32, #tpu.memory_space<vmem>>
      %dma_start3A_319 = tpu.memref_squeeze %dma_start3A_318 : memref<1x80xi32, #tpu.memory_space<vmem>> -> memref<80xi32, #tpu.memory_space<vmem>>
      %dma_start3A_320 = arith.constant 0 : i32
      %dma_start3A_321 = arith.constant 0 : i32
      %dma_start3A_322 = tpu.memref_slice %arg2[%dma_start3A_320, %dma_start3A_321] : memref<10240x144xf32, #tpu.memory_space<hbm>> -> memref<10240x144xf32, #tpu.memory_space<hbm>>
      tpu.enqueue_indirect_dma source(%dma_start3A_322 : memref<10240x144xf32, #tpu.memory_space<hbm>>) target(%arg10 : memref<80x144xf32, #tpu.memory_space<vmem>>) offsets(%dma_start3A_319 : memref<80xi32, #tpu.memory_space<vmem>>) semaphore(%arg17 : memref<!tpu.dma_semaphore, #tpu.memory_space<semaphore_mem>>)
      %ge3A_323 = arith.constant 1 : i32
      %ge3A_324 = arith.cmpi sge, %add3A_304, %ge3A_323 : i32
      %convert_element_type3A_325 = arith.extui %ge3A_324 : i1 to i32
      %cond3A_326 = arith.constant 0 : i32
      %cond3A_327 = arith.cmpi ne, %convert_element_type3A_325, %cond3A_326 : i32
      scf.if %cond3A_327 {
        %dma_wait3A_334 = arith.constant 0 : i32
        %dma_wait3A_335 = arith.constant 0 : i32
        %dma_wait3A_336 = tpu.memref_slice %arg7[%dma_wait3A_334, %dma_wait3A_335] : memref<2x80xi32, #tpu.memory_space<vmem>> -> memref<1x80xi32, #tpu.memory_space<vmem>>
        %dma_wait3A_337 = tpu.memref_squeeze %dma_wait3A_336 : memref<1x80xi32, #tpu.memory_space<vmem>> -> memref<80xi32, #tpu.memory_space<vmem>>
        %dma_wait3A_338 = arith.constant 0 : i32
        %dma_wait3A_339 = arith.constant 0 : i32
        %dma_wait3A_340 = tpu.memref_slice %arg2[%dma_wait3A_338, %dma_wait3A_339] : memref<10240x144xf32, #tpu.memory_space<hbm>> -> memref<10240x144xf32, #tpu.memory_space<hbm>>
        tpu.wait_indirect_dma semaphore(%arg16 : memref<!tpu.dma_semaphore, #tpu.memory_space<semaphore_mem>>) src(%dma_wait3A_340 : memref<10240x144xf32, #tpu.memory_space<hbm>>) dst(%arg9 : memref<80x144xf32, #tpu.memory_space<vmem>>)
        %dma_start3A_341 = arith.constant 1 : i32
        %dma_start3A_342 = arith.constant 0 : i32
        %dma_start3A_343 = tpu.memref_slice %arg7[%dma_start3A_341, %dma_start3A_342] : memref<2x80xi32, #tpu.memory_space<vmem>> -> memref<1x80xi32, #tpu.memory_space<vmem>>
        %dma_start3A_344 = tpu.memref_squeeze %dma_start3A_343 : memref<1x80xi32, #tpu.memory_space<vmem>> -> memref<80xi32, #tpu.memory_space<vmem>>
        %dma_start3A_345 = arith.constant 0 : i32
        %dma_start3A_346 = arith.constant 0 : i32
        %dma_start3A_347 = tpu.memref_slice %arg11[%dma_start3A_345, %dma_start3A_346] : memref<10240x144xf32, #tpu.memory_space<vmem_shared>> -> memref<10240x144xf32, #tpu.memory_space<vmem_shared>>
        tpu.enqueue_indirect_dma source(%arg9 : memref<80x144xf32, #tpu.memory_space<vmem>>) target(%dma_start3A_347 : memref<10240x144xf32, #tpu.memory_space<vmem_shared>>) offsets(%dma_start3A_344 : memref<80xi32, #tpu.memory_space<vmem>>) semaphore(%arg18 : memref<!tpu.dma_semaphore, #tpu.memory_space<semaphore_mem>>) {add = true}
      } else {
      }
      %add3A_328 = arith.constant 2 : i32
      %add3A_329 = arith.addi %add3A_304, %add3A_328 : i32
      %lt3A_330 = arith.cmpi slt, %add3A_329, %select_n3A : i32
      %convert_element_type3A_331 = arith.extui %lt3A_330 : i1 to i32
      %cond3A_332 = arith.constant 0 : i32
      %cond3A_333 = arith.cmpi ne, %convert_element_type3A_331, %cond3A_332 : i32
      scf.if %cond3A_333 {
        %add3A_334 = arith.constant 2 : i32
        %add3A_335 = arith.addi %add3A_304, %add3A_334 : i32
        %add3A_336 = arith.addi %select_n3A_30, %add3A_335 : i32
        %mul3A_337 = arith.constant 2 : i32
        %mul3A_338 = arith.muli %add3A_336, %mul3A_337 : i32
        %multiple_of3A_339 = tpu.assume_multiple %mul3A_338, 2 : i32
        %dma_start3A_340 = arith.constant 0 : i32
        %dma_start3A_341 = tpu.memref_slice %arg3[%multiple_of3A_339, %dma_start3A_340] : memref<8000x80xi32, #tpu.memory_space<hbm>> -> memref<2x80xi32, #tpu.memory_space<hbm>>
        %dma_start3A_342 = arith.constant 0 : i32
        %dma_start3A_343 = tpu.memref_slice %arg3[%multiple_of3A_339, %dma_start3A_342] : memref<8000x80xi32, #tpu.memory_space<hbm>> -> memref<2x80xi32, #tpu.memory_space<hbm>>
        tpu.enqueue_dma source(%dma_start3A_343 : memref<2x80xi32, #tpu.memory_space<hbm>>) target(%arg6 : memref<2x80xi32, #tpu.memory_space<vmem>>) target_semaphore(%arg13 : memref<!tpu.dma_semaphore, #tpu.memory_space<semaphore_mem>>)
      } else {
      }
    }
    %dma_wait3A_174 = arith.constant 0 : i32
    %dma_wait3A_175 = arith.constant 0 : i32
    %dma_wait3A_176 = tpu.memref_slice %arg8[%dma_wait3A_174, %dma_wait3A_175] : memref<2x80xi32, #tpu.memory_space<vmem>> -> memref<1x80xi32, #tpu.memory_space<vmem>>
    %dma_wait3A_177 = tpu.memref_squeeze %dma_wait3A_176 : memref<1x80xi32, #tpu.memory_space<vmem>> -> memref<80xi32, #tpu.memory_space<vmem>>
    %dma_wait3A_178 = arith.constant 0 : i32
    %dma_wait3A_179 = arith.constant 0 : i32
    %dma_wait3A_180 = tpu.memref_slice %arg2[%dma_wait3A_178, %dma_wait3A_179] : memref<10240x144xf32, #tpu.memory_space<hbm>> -> memref<10240x144xf32, #tpu.memory_space<hbm>>
    tpu.wait_indirect_dma semaphore(%arg17 : memref<!tpu.dma_semaphore, #tpu.memory_space<semaphore_mem>>) src(%dma_wait3A_180 : memref<10240x144xf32, #tpu.memory_space<hbm>>) dst(%arg10 : memref<80x144xf32, #tpu.memory_space<vmem>>)
    %dma_start3A_181 = arith.constant 1 : i32
    %dma_start3A_182 = arith.constant 0 : i32
    %dma_start3A_183 = tpu.memref_slice %arg8[%dma_start3A_181, %dma_start3A_182] : memref<2x80xi32, #tpu.memory_space<vmem>> -> memref<1x80xi32, #tpu.memory_space<vmem>>
    %dma_start3A_184 = tpu.memref_squeeze %dma_start3A_183 : memref<1x80xi32, #tpu.memory_space<vmem>> -> memref<80xi32, #tpu.memory_space<vmem>>
    %dma_start3A_185 = arith.constant 0 : i32
    %dma_start3A_186 = arith.constant 0 : i32
    %dma_start3A_187 = tpu.memref_slice %arg11[%dma_start3A_185, %dma_start3A_186] : memref<10240x144xf32, #tpu.memory_space<vmem_shared>> -> memref<10240x144xf32, #tpu.memory_space<vmem_shared>>
    tpu.enqueue_indirect_dma source(%arg10 : memref<80x144xf32, #tpu.memory_space<vmem>>) target(%dma_start3A_187 : memref<10240x144xf32, #tpu.memory_space<vmem_shared>>) offsets(%dma_start3A_184 : memref<80xi32, #tpu.memory_space<vmem>>) semaphore(%arg19 : memref<!tpu.dma_semaphore, #tpu.memory_space<semaphore_mem>>) {add = true}
    %dma_wait3A_188 = arith.constant 1 : i32
    %dma_wait3A_189 = arith.constant 0 : i32
    %dma_wait3A_190 = tpu.memref_slice %arg7[%dma_wait3A_188, %dma_wait3A_189] : memref<2x80xi32, #tpu.memory_space<vmem>> -> memref<1x80xi32, #tpu.memory_space<vmem>>
    %dma_wait3A_191 = tpu.memref_squeeze %dma_wait3A_190 : memref<1x80xi32, #tpu.memory_space<vmem>> -> memref<80xi32, #tpu.memory_space<vmem>>
    %dma_wait3A_192 = arith.constant 0 : i32
    %dma_wait3A_193 = arith.constant 0 : i32
    %dma_wait3A_194 = tpu.memref_slice %arg11[%dma_wait3A_192, %dma_wait3A_193] : memref<10240x144xf32, #tpu.memory_space<vmem_shared>> -> memref<10240x144xf32, #tpu.memory_space<vmem_shared>>
    tpu.wait_indirect_dma semaphore(%arg18 : memref<!tpu.dma_semaphore, #tpu.memory_space<semaphore_mem>>) src(%arg9 : memref<80x144xf32, #tpu.memory_space<vmem>>) dst(%dma_wait3A_194 : memref<10240x144xf32, #tpu.memory_space<vmem_shared>>)
    %dma_wait3A_195 = arith.constant 1 : i32
    %dma_wait3A_196 = arith.constant 0 : i32
    %dma_wait3A_197 = tpu.memref_slice %arg8[%dma_wait3A_195, %dma_wait3A_196] : memref<2x80xi32, #tpu.memory_space<vmem>> -> memref<1x80xi32, #tpu.memory_space<vmem>>
    %dma_wait3A_198 = tpu.memref_squeeze %dma_wait3A_197 : memref<1x80xi32, #tpu.memory_space<vmem>> -> memref<80xi32, #tpu.memory_space<vmem>>
    %dma_wait3A_199 = arith.constant 0 : i32
    %dma_wait3A_200 = arith.constant 0 : i32
    %dma_wait3A_201 = tpu.memref_slice %arg11[%dma_wait3A_199, %dma_wait3A_200] : memref<10240x144xf32, #tpu.memory_space<vmem_shared>> -> memref<10240x144xf32, #tpu.memory_space<vmem_shared>>
    tpu.wait_indirect_dma semaphore(%arg19 : memref<!tpu.dma_semaphore, #tpu.memory_space<semaphore_mem>>) src(%arg10 : memref<80x144xf32, #tpu.memory_space<vmem>>) dst(%dma_wait3A_201 : memref<10240x144xf32, #tpu.memory_space<vmem_shared>>)
    %barrier3A_202 = arith.constant 0 : index
    tpu.barrier barrier_id(%barrier3A_202)
    "tpu.region"() ({
      %run_scoped3A = tpu.sem_alloc : memref<!tpu.dma_semaphore, #tpu.memory_space<semaphore_mem>>
      %dma_start3A_203 = arith.constant 0 : i32
      %dma_start3A_204 = tpu.memref_slice %arg4[%arg0, %mul3A_0, %dma_start3A_203] : memref<2x10240x144xf32, #tpu.memory_space<hbm>> -> memref<1x640x144xf32, #tpu.memory_space<hbm>>
      %dma_start3A_205 = tpu.memref_squeeze %dma_start3A_204 : memref<1x640x144xf32, #tpu.memory_space<hbm>> -> memref<640x144xf32, #tpu.memory_space<hbm>>
      %dma_start3A_206 = arith.constant 0 : i32
      %dma_start3A_207 = tpu.memref_slice %arg11[%mul3A_0, %dma_start3A_206] : memref<10240x144xf32, #tpu.memory_space<vmem_shared>> -> memref<640x144xf32, #tpu.memory_space<vmem_shared>>
      tpu.enqueue_dma source(%dma_start3A_207 : memref<640x144xf32, #tpu.memory_space<vmem_shared>>) target(%dma_start3A_205 : memref<640x144xf32, #tpu.memory_space<hbm>>) target_semaphore(%run_scoped3A : memref<!tpu.dma_semaphore, #tpu.memory_space<semaphore_mem>>)
      %dma_wait3A_208 = arith.constant 0 : i32
      %dma_wait3A_209 = tpu.memref_slice %arg4[%arg0, %mul3A_0, %dma_wait3A_208] : memref<2x10240x144xf32, #tpu.memory_space<hbm>> -> memref<1x640x144xf32, #tpu.memory_space<hbm>>
      %dma_wait3A_210 = tpu.memref_squeeze %dma_wait3A_209 : memref<1x640x144xf32, #tpu.memory_space<hbm>> -> memref<640x144xf32, #tpu.memory_space<hbm>>
      %dma_wait3A_211 = arith.constant 0 : i32
      %dma_wait3A_212 = tpu.memref_slice %arg11[%mul3A_0, %dma_wait3A_211] : memref<10240x144xf32, #tpu.memory_space<vmem_shared>> -> memref<640x144xf32, #tpu.memory_space<vmem_shared>>
      tpu.wait_dma2 semaphore(%run_scoped3A : memref<!tpu.dma_semaphore, #tpu.memory_space<semaphore_mem>>) src(%dma_wait3A_212 : memref<640x144xf32, #tpu.memory_space<vmem_shared>>) dst(%dma_wait3A_210 : memref<640x144xf32, #tpu.memory_space<hbm>>)
      tpu.yield
    }) : () -> ()
    return
  }
}

module attributes {stable_mosaic.version = 14 : i64} {
  func.func @_prep_body(%arg0: i32, %arg1: memref<1000x3xf32, #tpu.memory_space<vmem>>, %arg2: memref<1000x128xf32, #tpu.memory_space<vmem>>, %arg3: memref<2x400x80xi32, #tpu.memory_space<vmem>>, %arg4: memref<1000x144xf32, #tpu.memory_space<vmem>>, %arg5: memref<800x80xi32, #tpu.memory_space<vmem>>) attributes {dimension_semantics = [#tpu.dimension_semantics<arbitrary>], iteration_bounds = array<i64: 10>, scalar_prefetch = 0 : i64, scratch_operands = 0 : i64, tpu.core_type = #tpu.core_type<tc>, window_params = [{transform_indices = @transform_0, window_bounds = array<i64: 1000, 3>}, {transform_indices = @transform_1, window_bounds = array<i64: 1000, 128>}, {transform_indices = @transform_2, window_bounds = array<i64: 2, 400, 80>}, {transform_indices = @transform_3, window_bounds = array<i64: 1000, 144>}, {transform_indices = @transform_4, window_bounds = array<i64: 800, 80>}]} {
    %get3A = arith.constant 0 : index
    %get3A_0 = arith.constant 0 : index
    %get3A_1 = vector.load %arg1[%get3A, %get3A_0] : memref<1000x3xf32, #tpu.memory_space<vmem>>, vector<1000x3xf32>
    %mul3A = arith.mulf %get3A_1, %get3A_1 : vector<1000x3xf32>
    %reduce_sum3A = arith.constant dense<0.000000e+00> : vector<1000xf32>
    %reduce_sum3A_2 = vector.multi_reduction <add>, %mul3A, %reduce_sum3A [1] : vector<1000x3xf32> to vector<1000xf32>
    %broadcast_in_dim3A = vector.shape_cast %reduce_sum3A_2 : vector<1000xf32> to vector<1000x1xf32>
    %broadcast_in_dim3A_3 = arith.constant 1.000000e+00 : f32
    %broadcast_in_dim3A_4 = vector.broadcast %broadcast_in_dim3A_3 : f32 to vector<1000x1xf32>
    %broadcast_in_dim3A_5 = arith.constant 0.000000e+00 : f32
    %broadcast_in_dim3A_6 = vector.broadcast %broadcast_in_dim3A_5 : f32 to vector<1000x11xf32>
    %get3A_7 = arith.constant 0 : index
    %get3A_8 = arith.constant 0 : index
    %get3A_9 = vector.load %arg2[%get3A_7, %get3A_8] : memref<1000x128xf32, #tpu.memory_space<vmem>>, vector<1000x128xf32>
    %concatenate3A = tpu.concatenate %get3A_9, %get3A_1, %broadcast_in_dim3A, %broadcast_in_dim3A_4, %broadcast_in_dim3A_6 in 1 : vector<1000x128xf32>, vector<1000x3xf32>, vector<1000x1xf32>, vector<1000x1xf32>, vector<1000x11xf32> -> vector<1000x144xf32>
    %swap3A = arith.constant 0 : index
    %swap3A_10 = arith.constant 0 : index
    %swap3A_11 = vector.load %arg4[%swap3A, %swap3A_10] : memref<1000x144xf32, #tpu.memory_space<vmem>>, vector<1000x144xf32>
    tpu.vector_store %arg4[%swap3A, %swap3A_10], %concatenate3A {strides = array<i32>} : memref<1000x144xf32, #tpu.memory_space<vmem>>, vector<1000x144xf32>,
    %get3A_12 = arith.constant 0 : index
    %get3A_13 = arith.constant 0 : index
    %get3A_14 = arith.constant 0 : index
    %get3A_15 = vector.load %arg3[%get3A_12, %get3A_13, %get3A_14] : memref<2x400x80xi32, #tpu.memory_space<vmem>>, vector<2x400x80xi32>
    %slice3A = vector.extract_strided_slice %get3A_15 {offsets = [0, 0, 0], sizes = [1, 400, 80], strides = [1, 1, 1]} : vector<2x400x80xi32> to vector<1x400x80xi32>
    %squeeze3A = vector.shape_cast %slice3A : vector<1x400x80xi32> to vector<400x80xi32>
    %slice3A_16 = vector.extract_strided_slice %get3A_15 {offsets = [1, 0, 0], sizes = [1, 400, 80], strides = [1, 1, 1]} : vector<2x400x80xi32> to vector<1x400x80xi32>
    %squeeze3A_17 = vector.shape_cast %slice3A_16 : vector<1x400x80xi32> to vector<400x80xi32>
    %stack3A = vector.shape_cast %squeeze3A : vector<400x80xi32> to vector<400x1x80xi32>
    %stack3A_18 = vector.shape_cast %squeeze3A_17 : vector<400x80xi32> to vector<400x1x80xi32>
    %stack3A_19 = tpu.concatenate %stack3A, %stack3A_18 in 1 : vector<400x1x80xi32>, vector<400x1x80xi32> -> vector<400x2x80xi32>
    %reshape3A = vector.shape_cast %stack3A_19 : vector<400x2x80xi32> to vector<800x80xi32>
    %swap3A_20 = arith.constant 0 : index
    %swap3A_21 = arith.constant 0 : index
    %swap3A_22 = vector.load %arg5[%swap3A_20, %swap3A_21] : memref<800x80xi32, #tpu.memory_space<vmem>>, vector<800x80xi32>
    tpu.vector_store %arg5[%swap3A_20, %swap3A_21], %reshape3A {strides = array<i32>} : memref<800x80xi32, #tpu.memory_space<vmem>>, vector<800x80xi32>,
    return
  }
  func.func @transform_0(%arg0: i32) -> (i32, i32) {
    %c0_i32 = arith.constant 0 : i32
    %c0_i32_0 = arith.constant 0 : i32
    return %arg0, %c0_i32 : i32, i32
  }
  func.func @transform_1(%arg0: i32) -> (i32, i32) {
    %c0_i32 = arith.constant 0 : i32
    %c0_i32_0 = arith.constant 0 : i32
    return %arg0, %c0_i32 : i32, i32
  }
  func.func @transform_2(%arg0: i32) -> (i32, i32, i32) {
    %c0_i32 = arith.constant 0 : i32
    %c0_i32_0 = arith.constant 0 : i32
    %c0_i32_1 = arith.constant 0 : i32
    return %c0_i32, %arg0, %c0_i32_0 : i32, i32, i32
  }
  func.func @transform_3(%arg0: i32) -> (i32, i32) {
    %c0_i32 = arith.constant 0 : i32
    %c0_i32_0 = arith.constant 0 : i32
    return %arg0, %c0_i32 : i32, i32
  }
  func.func @transform_4(%arg0: i32) -> (i32, i32) {
    %c0_i32 = arith.constant 0 : i32
    %c0_i32_0 = arith.constant 0 : i32
    return %arg0, %c0_i32 : i32, i32
  }
}

module attributes {stable_mosaic.version = 14 : i64} {
  func.func @_epi_body(%arg0: i32, %arg1: memref<2x1000x144xf32, #tpu.memory_space<vmem>>, %arg2: memref<2x1000x16xf32, #tpu.memory_space<vmem>>, %arg3: memref<1000x144xf32, #tpu.memory_space<vmem>>, %arg4: memref<144x128xf32, #tpu.memory_space<vmem>>, %arg5: memref<128x128xf32, #tpu.memory_space<vmem>>, %arg6: memref<16x128xf32, #tpu.memory_space<vmem>>, %arg7: memref<1x128xf32, #tpu.memory_space<vmem>>, %arg8: memref<128x128xf32, #tpu.memory_space<vmem>>, %arg9: memref<1x128xf32, #tpu.memory_space<vmem>>, %arg10: memref<1000x128xf32, #tpu.memory_space<vmem>>) attributes {dimension_semantics = [#tpu.dimension_semantics<arbitrary>], iteration_bounds = array<i64: 10>, scalar_prefetch = 0 : i64, scratch_operands = 0 : i64, tpu.core_type = #tpu.core_type<tc>, window_params = [{transform_indices = @transform_0, window_bounds = array<i64: 2, 1000, 144>}, {transform_indices = @transform_1, window_bounds = array<i64: 2, 1000, 16>}, {transform_indices = @transform_2, window_bounds = array<i64: 1000, 144>}, {pipeline_mode = #tpu.pipeline_mode<synchronous>, transform_indices = @transform_3, window_bounds = array<i64: 144, 128>}, {pipeline_mode = #tpu.pipeline_mode<synchronous>, transform_indices = @transform_4, window_bounds = array<i64: 128, 128>}, {pipeline_mode = #tpu.pipeline_mode<synchronous>, transform_indices = @transform_5, window_bounds = array<i64: 16, 128>}, {pipeline_mode = #tpu.pipeline_mode<synchronous>, transform_indices = @transform_6, window_bounds = array<i64: 1, 128>}, {pipeline_mode = #tpu.pipeline_mode<synchronous>, transform_indices = @transform_7, window_bounds = array<i64: 128, 128>}, {pipeline_mode = #tpu.pipeline_mode<synchronous>, transform_indices = @transform_8, window_bounds = array<i64: 1, 128>}, {transform_indices = @transform_9, window_bounds = array<i64: 1000, 128>}]} {
    %get3A = arith.constant 0 : index
    %get3A_0 = arith.constant 0 : index
    %get3A_1 = arith.constant 0 : index
    %get3A_2 = vector.load %arg1[%get3A, %get3A_0, %get3A_1] : memref<2x1000x144xf32, #tpu.memory_space<vmem>>, vector<1x1000x144xf32>
    %get3A_3 = vector.shape_cast %get3A_2 : vector<1x1000x144xf32> to vector<1000x144xf32>
    %get3A_4 = arith.constant 1 : index
    %get3A_5 = arith.constant 0 : index
    %get3A_6 = arith.constant 0 : index
    %get3A_7 = vector.load %arg1[%get3A_4, %get3A_5, %get3A_6] : memref<2x1000x144xf32, #tpu.memory_space<vmem>>, vector<1x1000x144xf32>
    %get3A_8 = vector.shape_cast %get3A_7 : vector<1x1000x144xf32> to vector<1000x144xf32>
    %add3A = arith.addf %get3A_3, %get3A_8 : vector<1000x144xf32>
    %get3A_9 = arith.constant 0 : index
    %get3A_10 = arith.constant 0 : index
    %get3A_11 = arith.constant 0 : index
    %get3A_12 = vector.load %arg2[%get3A_9, %get3A_10, %get3A_11] : memref<2x1000x16xf32, #tpu.memory_space<vmem>>, vector<1x1000x16xf32>
    %get3A_13 = vector.shape_cast %get3A_12 : vector<1x1000x16xf32> to vector<1000x16xf32>
    %get3A_14 = arith.constant 1 : index
    %get3A_15 = arith.constant 0 : index
    %get3A_16 = arith.constant 0 : index
    %get3A_17 = vector.load %arg2[%get3A_14, %get3A_15, %get3A_16] : memref<2x1000x16xf32, #tpu.memory_space<vmem>>, vector<1x1000x16xf32>
    %get3A_18 = vector.shape_cast %get3A_17 : vector<1x1000x16xf32> to vector<1000x16xf32>
    %add3A_19 = arith.addf %get3A_13, %get3A_18 : vector<1000x16xf32>
    %get3A_20 = arith.constant 0 : index
    %get3A_21 = arith.constant 0 : index
    %get3A_22 = vector.load %arg3[%get3A_20, %get3A_21] : memref<1000x144xf32, #tpu.memory_space<vmem>>, vector<1000x144xf32>
    %slice3A = vector.extract_strided_slice %get3A_22 {offsets = [0, 0], sizes = [1000, 128], strides = [1, 1]} : vector<1000x144xf32> to vector<1000x128xf32>
    %slice3A_23 = vector.extract_strided_slice %get3A_22 {offsets = [0, 128], sizes = [1000, 3], strides = [1, 1]} : vector<1000x144xf32> to vector<1000x3xf32>
    %slice3A_24 = vector.extract_strided_slice %get3A_22 {offsets = [0, 131], sizes = [1000, 1], strides = [1, 1]} : vector<1000x144xf32> to vector<1000x1xf32>
    %slice3A_25 = vector.extract_strided_slice %add3A {offsets = [0, 128], sizes = [1000, 3], strides = [1, 1]} : vector<1000x144xf32> to vector<1000x3xf32>
    %slice3A_26 = vector.extract_strided_slice %add3A {offsets = [0, 131], sizes = [1000, 1], strides = [1, 1]} : vector<1000x144xf32> to vector<1000x1xf32>
    %slice3A_27 = vector.extract_strided_slice %add3A {offsets = [0, 132], sizes = [1000, 1], strides = [1, 1]} : vector<1000x144xf32> to vector<1000x1xf32>
    %mul3A = arith.mulf %slice3A_27, %slice3A_24 : vector<1000x1xf32>
    %add3A_28 = arith.addf %slice3A_26, %mul3A : vector<1000x1xf32>
    %mul3A_29 = arith.mulf %slice3A_23, %slice3A_25 : vector<1000x3xf32>
    %reduce_sum3A = arith.constant dense<0.000000e+00> : vector<1000xf32>
    %reduce_sum3A_30 = vector.multi_reduction <add>, %mul3A_29, %reduce_sum3A [1] : vector<1000x3xf32> to vector<1000xf32>
    %broadcast_in_dim3A = vector.shape_cast %reduce_sum3A_30 : vector<1000xf32> to vector<1000x1xf32>
    %mul3A_31 = arith.constant 2.000000e+00 : f32
    %mul3A_32 = vector.broadcast %mul3A_31 : f32 to vector<1000x1xf32>
    %mul3A_33 = arith.mulf %mul3A_32, %broadcast_in_dim3A : vector<1000x1xf32>
    %sub3A = arith.subf %add3A_28, %mul3A_33 : vector<1000x1xf32>
    %get3A_34 = arith.constant 0 : index
    %get3A_35 = arith.constant 0 : index
    %get3A_36 = vector.load %arg4[%get3A_34, %get3A_35] : memref<144x128xf32, #tpu.memory_space<vmem>>, vector<144x128xf32>
    %dot_general3A = arith.constant dense<0.000000e+00> : vector<1000x128xf32>
    %dot_general3A_37 = tpu.matmul %add3A, %get3A_36, %dot_general3A {dimension_numbers = #tpu.dot_dimension_numbers<[1], [0], [0], [1], [0, 0, 1, 1], [], []>, transpose_lhs_hint = false} : vector<1000x144xf32>, vector<144x128xf32>, vector<1000x128xf32> -> vector<1000x128xf32>
    %get3A_38 = arith.constant 0 : index
    %get3A_39 = arith.constant 0 : index
    %get3A_40 = vector.load %arg6[%get3A_38, %get3A_39] : memref<16x128xf32, #tpu.memory_space<vmem>>, vector<16x128xf32>
    %dot_general3A_41 = arith.constant dense<0.000000e+00> : vector<1000x128xf32>
    %dot_general3A_42 = tpu.matmul %add3A_19, %get3A_40, %dot_general3A_41 {dimension_numbers = #tpu.dot_dimension_numbers<[1], [0], [0], [1], [0, 0, 1, 1], [], []>, transpose_lhs_hint = false} : vector<1000x16xf32>, vector<16x128xf32>, vector<1000x128xf32> -> vector<1000x128xf32>
    %add3A_43 = arith.addf %dot_general3A_37, %dot_general3A_42 : vector<1000x128xf32>
    %get3A_44 = arith.constant 0 : index
    %get3A_45 = arith.constant 0 : index
    %get3A_46 = vector.load %arg5[%get3A_44, %get3A_45] : memref<128x128xf32, #tpu.memory_space<vmem>>, vector<128x128xf32>
    %dot_general3A_47 = arith.constant dense<0.000000e+00> : vector<1000x128xf32>
    %dot_general3A_48 = tpu.matmul %slice3A, %get3A_46, %dot_general3A_47 {dimension_numbers = #tpu.dot_dimension_numbers<[1], [0], [0], [1], [0, 0, 1, 1], [], []>, transpose_lhs_hint = false} : vector<1000x128xf32>, vector<128x128xf32>, vector<1000x128xf32> -> vector<1000x128xf32>
    %mul3A_49 = vector.broadcast %slice3A_27 : vector<1000x1xf32> to vector<1000x128xf32>
    %mul3A_50 = arith.mulf %mul3A_49, %dot_general3A_48 : vector<1000x128xf32>
    %add3A_51 = arith.addf %add3A_43, %mul3A_50 : vector<1000x128xf32>
    %get3A_52 = arith.constant 0 : index
    %get3A_53 = arith.constant 0 : index
    %get3A_54 = vector.load %arg7[%get3A_52, %get3A_53] : memref<1x128xf32, #tpu.memory_space<vmem>>, vector<1x128xf32>
    %mul3A_55 = vector.broadcast %sub3A : vector<1000x1xf32> to vector<1000x128xf32>
    %mul3A_56 = vector.broadcast %get3A_54 : vector<1x128xf32> to vector<1000x128xf32>
    %mul3A_57 = arith.mulf %mul3A_55, %mul3A_56 : vector<1000x128xf32>
    %add3A_58 = arith.addf %add3A_51, %mul3A_57 : vector<1000x128xf32>
    %add3A_59 = arith.addf %add3A_58, %slice3A : vector<1000x128xf32>
    %get3A_60 = arith.constant 0 : index
    %get3A_61 = arith.constant 0 : index
    %get3A_62 = vector.load %arg8[%get3A_60, %get3A_61] : memref<128x128xf32, #tpu.memory_space<vmem>>, vector<128x128xf32>
    %dot_general3A_63 = arith.constant dense<0.000000e+00> : vector<1000x128xf32>
    %dot_general3A_64 = tpu.matmul %add3A_59, %get3A_62, %dot_general3A_63 {dimension_numbers = #tpu.dot_dimension_numbers<[1], [0], [0], [1], [0, 0, 1, 1], [], []>, transpose_lhs_hint = false} : vector<1000x128xf32>, vector<128x128xf32>, vector<1000x128xf32> -> vector<1000x128xf32>
    %get3A_65 = arith.constant 0 : index
    %get3A_66 = arith.constant 0 : index
    %get3A_67 = vector.load %arg9[%get3A_65, %get3A_66] : memref<1x128xf32, #tpu.memory_space<vmem>>, vector<1x128xf32>
    %add3A_68 = vector.broadcast %get3A_67 : vector<1x128xf32> to vector<1000x128xf32>
    %add3A_69 = arith.addf %dot_general3A_64, %add3A_68 : vector<1000x128xf32>
    %swap3A = arith.constant 0 : index
    %swap3A_70 = arith.constant 0 : index
    %swap3A_71 = vector.load %arg10[%swap3A, %swap3A_70] : memref<1000x128xf32, #tpu.memory_space<vmem>>, vector<1000x128xf32>
    tpu.vector_store %arg10[%swap3A, %swap3A_70], %add3A_69 {strides = array<i32>} : memref<1000x128xf32, #tpu.memory_space<vmem>>, vector<1000x128xf32>,
    return
  }
  func.func @transform_0(%arg0: i32) -> (i32, i32, i32) {
    %c0_i32 = arith.constant 0 : i32
    %c0_i32_0 = arith.constant 0 : i32
    %c0_i32_1 = arith.constant 0 : i32
    return %c0_i32, %arg0, %c0_i32_0 : i32, i32, i32
  }
  func.func @transform_1(%arg0: i32) -> (i32, i32, i32) {
    %c0_i32 = arith.constant 0 : i32
    %c0_i32_0 = arith.constant 0 : i32
    %c0_i32_1 = arith.constant 0 : i32
    return %c0_i32, %arg0, %c0_i32_0 : i32, i32, i32
  }
  func.func @transform_2(%arg0: i32) -> (i32, i32) {
    %c0_i32 = arith.constant 0 : i32
    %c0_i32_0 = arith.constant 0 : i32
    return %arg0, %c0_i32 : i32, i32
  }
  func.func @transform_3(%arg0: i32) -> (i32, i32) {
    %c0_i32 = arith.constant 0 : i32
    %c0_i32_0 = arith.constant 0 : i32
    %c0_i32_1 = arith.constant 0 : i32
    return %c0_i32, %c0_i32_0 : i32, i32
  }
  func.func @transform_4(%arg0: i32) -> (i32, i32) {
    %c0_i32 = arith.constant 0 : i32
    %c0_i32_0 = arith.constant 0 : i32
    %c0_i32_1 = arith.constant 0 : i32
    return %c0_i32, %c0_i32_0 : i32, i32
  }
  func.func @transform_5(%arg0: i32) -> (i32, i32) {
    %c0_i32 = arith.constant 0 : i32
    %c0_i32_0 = arith.constant 0 : i32
    %c0_i32_1 = arith.constant 0 : i32
    return %c0_i32, %c0_i32_0 : i32, i32
  }
  func.func @transform_6(%arg0: i32) -> (i32, i32) {
    %c0_i32 = arith.constant 0 : i32
    %c0_i32_0 = arith.constant 0 : i32
    %c0_i32_1 = arith.constant 0 : i32
    return %c0_i32, %c0_i32_0 : i32, i32
  }
  func.func @transform_7(%arg0: i32) -> (i32, i32) {
    %c0_i32 = arith.constant 0 : i32
    %c0_i32_0 = arith.constant 0 : i32
    %c0_i32_1 = arith.constant 0 : i32
    return %c0_i32, %c0_i32_0 : i32, i32
  }
  func.func @transform_8(%arg0: i32) -> (i32, i32) {
    %c0_i32 = arith.constant 0 : i32
    %c0_i32_0 = arith.constant 0 : i32
    %c0_i32_1 = arith.constant 0 : i32
    return %c0_i32, %c0_i32_0 : i32, i32
  }
  func.func @transform_9(%arg0: i32) -> (i32, i32) {
    %c0_i32 = arith.constant 0 : i32
    %c0_i32_0 = arith.constant 0 : i32
    return %arg0, %c0_i32 : i32, i32
  }
}

</mosaic_0001>

<sc_bundles>
// kernel: kernel.6.cloned.1.call-start
scs
__scs_entry_jumppad:
0x0: {  	(pc) =	sbr.rel $0x88, $3  }
0x1: {  	(tag) =	ssettag $0x0;
	lr =	simm.s32 $0x1  }
0x2: {  	[smem:$0x3F99] =	sst lr;
	_ =	strace $0xD0000000  }
0x3: {  	_ = 	snop  }
0x4: {  	_ = 	snop  }
0x5: {  	_ = 	snop  }
0x6: {  	_ = 	snop  }
0x7: {  	_ = 	snop  }
__scs_overlays_trampoline_lowered:
0x8: {  	[smem:$0x3FA8] =	sst s0  }
0x9: {  	[smem:$0x3FA9] =	sst s1  }
0xa: {  	[smem:$0x3FAA] =	sst s2  }
0xb: {  	[smem:$0x3FAB] =	sst s3  }
0xc: {  	[smem:$0x3FAC] =	sst s4  }
0xd: {  	[smem:$0x3FAD] =	sst s5  }
0xe: {  	[smem:$0x3FAE] =	sst s6  }
0xf: {  	[smem:$0x3FAF] =	sst s7  }
0x10: {  	[smem:$0x3FB0] =	sst s8  }
0x11: {  	[smem:$0x3FB1] =	sst s9;
	s0 =	simm.s32 @!p0 $0x0  }
0x12: {  	s1 =	sld [smem:$0x3F97];
	s0 =	simm.s32 @p0 $0x1  }
0x13: {  	[smem:$0x3FB2] =	sst s0;
	s0 =	simm.s32 @!p1 $0x0  }
0x14: {  	s2 =	sld [smem:$0x3F96];
	s0 =	simm.s32 @p1 $0x1  }
0x15: {  	[smem:$0x3FB3] =	sst s0;
	s0 =	simm.s32 @!p2 $0x0  }
0x16: {  	s3 =	sld [smem:$0x3FDB];
	s0 =	simm.s32 @p2 $0x1  }
0x17: {  	s4 =	simm.s32 $0x1BF5;
	[smem:$0x3FB5] =	sst s0  }
0x18: {  	s0 =	sld [smem:$0x3F98];
	_ =	swait.ge [sflag:s4], $0x0  }
0x19: {  	s7 =	sld [smem:$0x3F99]  }
0x1a: {  	s8 =	sadd.s32 $0xFFFFE003, lr  }
0x1b: {  	s9 =	sadd.s32 $0xFFFFFEF7, lr;
	s5 =	simm.s32 $0xFFFFFFFF;
	p2 =	slt.u32 s8, $0xFFFFF086  }
0x1c: {  	p1 =	slt.u32 s9, $0xF7A;
	s5 =	simm.s32 @!p2 $0x0  }
0x1d: {  	s5 =	simm.s32 @p1 $0x1;
	p0 =	seq.s32 s7, s2  }
0x1e: {  	s7 =	smul.u32 @!p0 $0xF7A, s2;
	p2 =	seq.s32 @!p0 s5, $0x0  }
0x1f: {  	s9 =	smul.u32 $0xF7A, s1;
	s8 =	simm.s32 @!p0 $0x1BF5;
	p2 =	por !p2, p0  }
0x20: {  	[sflag:s8] =	ssyncset.s32 @!p0 $0xFFFFF086;
	s6 =	sadd.s32 @!p0 s3, s7;
	s7 =	simm.s32 @!p0 $0x108  }
0x21: {  	s3 =	sadd.s32 s3, s9;
	s6 =	sadd.s32 @!p0 $0x88, s6;
	s7 =	simm.s32 @p2 $0x1082  }
0x22: {  	[simem:s7], [sflag:s8] =	dma.local @!p0 [hbm:s6], $0xF7A  }
0x23: {  	s9 =	sor.u32 $0xD0000000, s2;
	s6 =	simm.s32 $0x108;
	_ =	swait.ge @!p0 [sflag:s8], $0x0  }
0x24: {  	s3 =	sadd.s32 $0x88, s3;
	s6 =	simm.s32 @!p1 $0x1082;
	[sflag:s4] =	ssyncset.s32 $0xFFFFF086  }
0x25: {  	[simem:s6], [sflag:s4] =	dma.local [hbm:s3], $0xF7A  }
0x26: {  	[smem:$0x3F99] =	sst s1;
	(tag) =	ssettag s2;
	_ =	strace s9  }
0x27: {  	s1 =	sld [smem:$0x3FA9]  }
0x28: {  	s2 =	sld [smem:$0x3FAA]  }
0x29: {  	s4 =	sld [smem:$0x3FAC]  }
0x2a: {  	p0 =	seq.s32 s5, $0x0;
	s5 =	sld [smem:$0x3FAD]  }
0x2b: {  	s6 =	sld [smem:$0x3FAE]  }
0x2c: {  	s7 =	sld [smem:$0x3FAF]  }
0x2d: {  	s3 =	simm.s32 $0x108;
	s8 =	sld [smem:$0x3FB0]  }
0x2e: {  	s3 =	simm.s32 @!p0 $0x1082;
	s9 =	sld [smem:$0x3FB1]  }
0x2f: {  	lr =	sadd.s32 s0, s3;
	s0 =	sld [smem:$0x3FA8]  }
0x30: {  	s3 =	sld [smem:$0x3FAB]  }
0x31: {  	[smem:$0x3FB4] =	sst s10  }
0x32: {  	s10 =	sld [smem:$0x3FB2];
	_ =	sdelay $0x3  }
0x33: {  	p0 =	seq.s32 s10, $0x1;
	s10 =	sld [smem:$0x3FB4];
	_ =	sdelay $0x3  }
0x34: {  	[smem:$0x3FB4] =	sst s10  }
0x35: {  	s10 =	sld [smem:$0x3FB3];
	_ =	sdelay $0x3  }
0x36: {  	p1 =	seq.s32 s10, $0x1;
	s10 =	sld [smem:$0x3FB4];
	_ =	sdelay $0x3  }
0x37: {  	[smem:$0x3FB4] =	sst s10  }
0x38: {  	s10 =	sld [smem:$0x3FB5]  }
0x39: {  	_ = 	snop;
	(pc) =	sbr.ind lr, $3  }
0x3a: {  	_ = 	snop  }
0x3b: {  	_ = 	snop  }
0x3c: {  	p2 =	seq.s32 s10, $0x1;
	s10 =	sld [smem:$0x3FB4]  }
0x3d: {  	_ =	shalt  }
0x3e: {  	_ =	shalt  }
0x3f: {  	_ =	shalt  }
0x40: {  	_ =	shalt  }
0x41: {  	_ =	shalt  }
0x42: {  	_ =	shalt  }
0x43: {  	_ =	shalt  }
0x44: {  	_ =	shalt  }
0x45: {  	_ =	shalt  }
0x46: {  	_ =	shalt  }
0x47: {  	_ =	shalt  }
0x48: {  	_ =	shalt  }
0x49: {  	_ =	shalt  }
0x4a: {  	_ =	shalt  }
0x4b: {  	_ =	shalt  }
0x4c: {  	_ =	shalt  }
0x4d: {  	_ =	shalt  }
0x4e: {  	_ =	shalt  }
0x4f: {  	_ =	shalt  }
0x50: {  	_ =	shalt  }
0x51: {  	_ =	shalt  }
0x52: {  	_ =	shalt  }
0x53: {  	_ =	shalt  }
0x54: {  	_ =	shalt  }
0x55: {  	_ =	shalt  }
0x56: {  	_ =	shalt  }
0x57: {  	_ =	shalt  }
0x58: {  	_ =	shalt  }
0x59: {  	_ =	shalt  }
0x5a: {  	_ =	shalt  }
0x5b: {  	_ =	shalt  }
0x5c: {  	_ =	shalt  }
0x5d: {  	_ =	shalt  }
0x5e: {  	_ =	shalt  }
0x5f: {  	_ =	shalt  }
0x60: {  	_ =	shalt  }
0x61: {  	_ =	shalt  }
0x62: {  	_ =	shalt  }
0x63: {  	_ =	shalt  }
0x64: {  	_ =	shalt  }
0x65: {  	_ =	shalt  }
0x66: {  	_ =	shalt  }
0x67: {  	_ =	shalt  }
0x68: {  	_ =	shalt  }
0x69: {  	_ =	shalt  }
0x6a: {  	_ =	shalt  }
0x6b: {  	_ =	shalt  }
0x6c: {  	_ =	shalt  }
0x6d: {  	_ =	shalt  }
0x6e: {  	_ =	shalt  }
0x6f: {  	_ =	shalt  }
0x70: {  	_ =	shalt  }
0x71: {  	_ =	shalt  }
0x72: {  	_ =	shalt  }
0x73: {  	_ =	shalt  }
0x74: {  	_ =	shalt  }
0x75: {  	_ =	shalt  }
0x76: {  	_ =	shalt  }
0x77: {  	_ =	shalt  }
0x78: {  	_ =	shalt  }
0x79: {  	_ =	shalt  }
0x7a: {  	_ =	shalt  }
0x7b: {  	_ =	shalt  }
0x7c: {  	_ =	shalt  }
0x7d: {  	_ =	shalt  }
0x7e: {  	_ =	shalt  }
0x7f: {  	_ =	shalt  }
0x80: {  	_ =	shalt  }
0x81: {  	_ =	shalt  }
0x82: {  	_ =	shalt  }
0x83: {  	_ =	shalt  }
0x84: {  	_ =	shalt  }
0x85: {  	_ =	shalt  }
0x86: {  	_ =	shalt  }
0x87: {  	_ =	shalt  }
.Lfunc_end0:
.L_simem_size_0:
called_computation_lowered:
.L_overlay_start_0:
0x88: {  	s2 =	sld [smem:$0x3FD9]  }
0x89: {  	s3 =	sld [smem:$0x3FFE];
	_ =	sdelay $0x1  }
0x8a: {  	s1 =	srdreg.scid  }
0x8b: {  	s0 =	sand.u32 $0x1, s1  }
0x8c: {  	s17 =	sshll.u32 s0, $0xA;
	s2 =	sadd.s32 s3, s2  }
0x8d: {  	s2 =	sadd.s32 s2, s17  }
0x8e: {  	[smem:$0x3FC0] =	sst s2  }
0x8f: {  	_ = 	snop  }
0x90: {  	s2 =	sld [smem:$0x3FD0];
	(tm) =	ssettm $0x1  }
0x91: {  	s18 =	sld [smem:$0x3FFB];
	_ =	sdelay $0x3  }
0x92: {  	_ =	strace s18  }
0x93: {  	s3 =	sld [smem:$0x3FFC];
	_ =	sdelay $0x3  }
0x94: {  	_ =	strace s3  }
0x95: {  	s3 =	sld [smem:$0x3FFD];
	_ =	sdelay $0x3  }
0x96: {  	_ =	strace s3  }
0x97: {  	_ =	strace $0x8FFFFFFF  }
0x98: {  	s19 =	sld [smem:$0x3FDB];
	_ =	sdelay $0x1  }
0x99: {  	s4 =	simm.s32 $_scs_section_size  }
0x9a: {  	s5 =	simm.s32 $_size__tile_overlayer_lowered;
	s6 =	simm.s32 $_tile_overlayer_lowered  }
0x9b: {  	s22 =	simm.s32 $0x1BFF;
	s21 =	sshll.u32 s6, $0x1;
	s3 =	sadd.s32 s4, s19  }
0x9c: {  	s7 =	simm.s32 $0x0;
	s20 =	sshll.u32 s5, $0x1;
	s5 =	sadd.s32 s21, s3  }
0x9d: {  	[timem:s7], [sflag:s22] =	dma.local [hbm:s5], s20  }
0x9e: {  	_ =	swait.ge [sflag:s22], s20  }
0x9f: {  	s4 =	ssub.s32 $0x0, s20;
	[sflag:s22] =	ssyncset.done $0x0  }
0xa0: {  	[sflag:s22] =	ssyncadd.s32 s4;
	_ =	sdelay $0x1  }
0xa1: {  	s23 =	simm.s32 $0x1B8B  }
0xa2: {  	_ =	swait.ge [sflag:s23], $0x1  }
0xa3: {  	[sflag:s23] =	ssyncset.done $0x0  }
0xa4: {  	s25 =	simm.s32 $0x1B8E;
	s24 =	sld [smem:$0x3FFE];
	[sflag:s23] =	ssyncadd.s32 $0xFFFFFFFF  }
0xa5: {  	s26 =	simm.s32 $execute0_lowered;
	[smem:$0x3FD2] =	sst s25  }
0xa6: {  	s5 =	sshll.u32 s26, $0x1;
	_ =	strace $0x80000046;
	[dreg:$0x1] =	wrdreg $0xFFFFFFFF  }
0xa7: {  	s28 =	simm.s32 $_size_execute0_lowered;
	s3 =	sadd.s32 s3, s5;
	[dreg:$0x0] =	wrdreg $0x0  }
0xa8: {  	s5 =	sshll.u32 s28, $0x1;
	[dreg:$0x2] =	wrdreg s3  }
0xa9: {  	[dreg:$0x3] =	wrdreg s5  }
0xaa: {  	[dreg:$0x4] =	wrdreg $0xC0  }
0xab: {  	_ =	task [dreg:s7], $0x5FFFF  }
0xac: {  	[dreg:$0x1] =	wrdreg $0xFFFFFFFF  }
0xad: {  	[dreg:$0x0] =	wrdreg $0x60  }
0xae: {  	[dreg:$0x2] =	wrdreg s24  }
0xaf: {  	[dreg:$0x3] =	wrdreg s2  }
0xb0: {  	[dreg:$0x4] =	wrdreg $0x5C800  }
0xb1: {  	[dreg:$0x5] =	wrdreg $0x9  }
0xb2: {  	_ =	task.clear_ibuf [dreg:s7], $0x6FFFF;
	_ =	strace $0x90000046  }
0xb3: {  	s29 =	simm.s32 $0x9;
	_ =	strace $0x80000048  }
0xb4: {  	_ =	swait.ge [sflag:s29], $0x1  }
0xb5: {  	[sflag:s29] =	ssyncadd.s32 $0xFFFFFFFF  }
0xb6: {  	_ =	strace $0x90000048  }
0xb7: {  	_ =	sfence  }
0xb8: {  	s30 =	sld [smem:$0x0];
	_ =	sdelay $0x2  }
0xb9: {  	s31 =	sshll.u32 s1, $0xD;
	s1 =	sshrl.u32 s1, $0x2  }
0xba: {  	s3 =	sand.u32 $0x4000, s31;
	s1 =	sadd.s32 s1, s30  }
0xbb: {  	s0 =	sor.u32 s3, s0;
	s1 =	sshll.u32 s1, $0x11  }
0xbc: {  	s0 =	sor.u32 s1, s0  }
0xbd: {  	s0 =	sadd.s32 $0x8F2B, s0  }
0xbe: {  	[sflag:s0] =	ssyncadd.remote.s32 $0x1  }
0xbf: {  	_ =	sfence.sel $0xFFFF  }
0xc0: {  	[dreg:$0x0] =	wrdreg $0xFFFFFFFF;
	(pc) =	sbr.abs _section_cstart, $3  }
0xc1: {  	[dreg:$0x1] =	wrdreg $0xFFFFFFFF  }
0xc2: {  	_ =	task.clear_ibuf [dreg:s7], $0x2FFFF;
	_ =	strace $0x9FFFFFFF  }
0xc3: {  	(tm) =	ssettm $0x7FFFFFFF  }
tec
execute0_lowered:
.L_overlay_start_1:
0x0: {  	(tag) =	ssettag $0x1  }
0x1: {  	s0 =	rddreg [dreg:$0x0]  }
0x2: {  	s1 =	srdreg.scid;
	s3 =	rddreg [dreg:$0x1]  }
0x3: {  	s9 =	stileid.u32;
	s2 =	rddreg [dreg:$0x2];
	s5 =	simm.s32 $0x0  }
0x4: {  	s23 =	simm.s32 $0x140;
	s24 =	simm.s32 $0xF0;
	s25 =	simm.s32 $0x1E0  }
0x5: {  	s26 =	simm.s32 $0x190;
	s28 =	simm.s32 $0x3;
	s29 =	simm.s32 $0x7  }
0x6: {  	s30 =	simm.s32 $0x6;
	s31 =	simm.s32 $0x4;
	s6 =	smul.u32 $0x16800, s9  }
0x7: {  	s1 =	sand.u32 $0x1, s1;
	[smem:$0x7FF] =	sst s5;
	s8 =	smul.u32 $0x78, s9  }
0x8: {  	s12 =	smin.u32 s9, $0x8;
	p1 =	slt.u32 s9, $0x8;
	s14 =	smul.u32 $0x5A000, s9  }
0x9: {  	s5 =	simm.s32 $0x7C;
	s9 =	sshll.u32 s9, $0x7;
	s4 =	smul.u32 $0x168000, s1  }
0xa: {  	_ =	strace $0x80000047;
	s7 =	ssub.s32 $0x2, s1;
	[dreg:$0x4] =	wrdreg s23  }
0xb: {  	p0 =	seq.s32 s1, $0x0;
	s13 =	sshll.u32 s12, $0x2;
	[dreg:$0x5] =	wrdreg s24  }
0xc: {  	s5 =	simm.s32 @!p1 $0x78;
	s23 =	simm.s32 $0x1;
	[dreg:$0x6] =	wrdreg s25  }
0xd: {  	s24 =	simm.s32 $0x2;
	[dreg:$0x7] =	wrdreg s26;
	s25 =	simm.s32 $0x50  }
0xe: {  	s26 =	simm.s32 $0x2F80;
	s11 =	sshrl.u32 s7, $0x1;
	s1 =	sadd.s32 s8, s13  }
0xf: {  	s5 =	simm.s32 @p0 $0x80;
	s8 =	sshrl.u32 s14, $0x2;
	s4 =	sadd.s32 s6, s4  }
0x10: {  	s7 =	ssub.s32 s7, s11;
	s8 =	sadd.s32 s8, s2;
	s21 =	sshrl.u32 s5, $0x2  }
0x11: {  	s1 =	sadd.s32 $0x800, s1;
	s15 =	sadd.s32 $0x5A00, s8;
	[dreg:$0x10] =	wrdreg s21  }
0x12: {  	s6 =	sadd.s32 s6, s2;
	s16 =	sadd.s32 $0x8700, s8;
	[dreg:$0x9] =	wrdreg s15  }
0x13: {  	s10 =	sshrl.u32 s4, $0x3;
	s17 =	sadd.s32 $0xB400, s8;
	[dreg:$0xa] =	wrdreg s16  }
0x14: {  	s4 =	sadd.s32 $0x53400, s0;
	s18 =	sadd.s32 $0xE100, s8;
	[dreg:$0xb] =	wrdreg s17  }
0x15: {  	s1 =	smov.u32 @p0 s9;
	s19 =	sadd.s32 $0x10E00, s8;
	[dreg:$0xc] =	wrdreg s18  }
0x16: {  	s22 =	smax.u32 s7, $0x1;
	s0 =	sadd.s32 s10, s0;
	[dreg:$0xd] =	wrdreg s19  }
0x17: {  	s9 =	smul.u32 $0xA0, s1;
	s10 =	sadd.s32 $0x2D00, s8;
	[dreg:$0x12] =	wrdreg s22  }
0x18: {  	s1 =	smul.u32 $0x14, s1;
	s8 =	sadd.s32 $0x13B00, s8;
	[dreg:$0x8] =	wrdreg s10  }
0x19: {  	s21 =	simm.s32 $0x5;
	s22 =	simm.s32 $0xA0;
	[dreg:$0xe] =	wrdreg s8  }
0x1a: {  	s0 =	sadd.s32 $0x80400, s0;
	s9 =	sshrl.u32 s9, $0x3;
	s14 =	sadd.s32 s3, s1  }
0x1b: {  	[dreg:$0x11] =	wrdreg s0;
	s1 =	simm.s32 $0x8;
	s9 =	sadd.s32 s3, s9  }
0x1c: {  	s0 =	simm.s32 $0x9;
	s11 =	sadd.s32 $0x3C, s14;
	s20 =	sadd.s32 $0x14, s9  }
0x1d: {  	v0 =	vimm.f32 $0.0e+00;
	s3 =	simm.s32 $0x0;
	[dreg:$0xf] =	wrdreg s20;
	s20 =	simm.s32 $0x280  }
.LBB2_1:
0x1e: {  	s7 =	simm.s32 $0x0;
	s8 =	simm.s32 $0x240  }
.LBB2_2:
0x1f: {  	p0 =	sne.s32 s8, $0xB1C0;
	[tilespmem:s7+$0x300] =	vst v0  }
0x20: {  	[tilespmem:s7+$0x280] =	vst v0  }
0x21: {  	[tilespmem:s7+$0x290] =	vst v0  }
0x22: {  	[tilespmem:s7+$0x2A0] =	vst v0  }
.Ltmp0:
0x23: {  	[tilespmem:s7+$0x2B0] =	vst v0;
	(pc) =	sbr.rel @p0 .LBB2_2-.Ltmp0, $4  }
0x24: {  	[tilespmem:s7+$0x2C0] =	vst v0  }
0x25: {  	[tilespmem:s7+$0x2D0] =	vst v0  }
0x26: {  	[tilespmem:s7+$0x2E0] =	vst v0  }
0x27: {  	[tilespmem:s7+$0x2F0] =	vst v0;
	s7 =	sshra.s32 s8, $0x2;
	s8 =	sadd.s32 $0x240, s8  }
0x28: {  	[tilespmem:s7+$0x300] =	vst v0  }
0x29: {  	[tilespmem:s7+$0x280] =	vst v0  }
0x2a: {  	[tilespmem:s7+$0x290] =	vst v0  }
0x2b: {  	[tilespmem:s7+$0x2A0] =	vst v0  }
0x2c: {  	[tilespmem:s7+$0x2B0] =	vst v0  }
0x2d: {  	[tilespmem:s7+$0x2C0] =	vst v0  }
0x2e: {  	[tilespmem:s7+$0x2D0] =	vst v0  }
0x2f: {  	[tilespmem:s7+$0x2E0] =	vst v0  }
0x30: {  	[tilespmem:s7+$0x2F0] =	vst v0  }
0x31: {  	[spmem:s6] =	stream.linear.scatter [tilespmem:s20], [sflag:$0x5], $0x2D00, $0x38;
	[tilespmem:$0x1C480] =	vst v63  }
0x32: {  	s18 =	rddreg [dreg:$0x8]  }
0x33: {  	[spmem:s18] =	stream.linear.scatter [tilespmem:s20], [sflag:$0x5], $0x2D00, $0x38;
	[tilespmem:$0x1C480] =	vst v63  }
0x34: {  	s19 =	rddreg [dreg:$0x9]  }
0x35: {  	[spmem:s19] =	stream.linear.scatter [tilespmem:s20], [sflag:$0x5], $0x2D00, $0x38;
	[tilespmem:$0x1C480] =	vst v63  }
0x36: {  	s8 =	rddreg [dreg:$0xa]  }
0x37: {  	[spmem:s8] =	stream.linear.scatter [tilespmem:s20], [sflag:$0x5], $0x2D00, $0x38;
	[tilespmem:$0x1C480] =	vst v63  }
0x38: {  	s9 =	rddreg [dreg:$0xb]  }
0x39: {  	[spmem:s9] =	stream.linear.scatter [tilespmem:s20], [sflag:$0x5], $0x2D00, $0x38;
	[tilespmem:$0x1C480] =	vst v63  }
0x3a: {  	s10 =	rddreg [dreg:$0xc]  }
0x3b: {  	[spmem:s10] =	stream.linear.scatter [tilespmem:s20], [sflag:$0x5], $0x2D00, $0x38;
	[tilespmem:$0x1C480] =	vst v63  }
0x3c: {  	s12 =	rddreg [dreg:$0xd]  }
0x3d: {  	[spmem:s12] =	stream.linear.scatter [tilespmem:s20], [sflag:$0x5], $0x2D00, $0x38;
	[tilespmem:$0x1C480] =	vst v63  }
0x3e: {  	s13 =	rddreg [dreg:$0xe]  }
0x3f: {  	[spmem:s13] =	stream.linear.scatter [tilespmem:s20], [sflag:$0x5], $0x2D00, $0x38;
	[tilespmem:$0x1C480] =	vst v63  }
0x40: {  	_ =	swait.ge [sflag:s21], $0x2D00  }
0x41: {  	[sflag:s21] =	ssyncset.done $0x0  }
0x42: {  	[sflag:s21] =	ssyncadd.s32 $0xFFFFD300  }
0x43: {  	_ =	swait.ge [sflag:s21], $0x2D00  }
0x44: {  	[sflag:s21] =	ssyncset.done $0x0  }
0x45: {  	[sflag:s21] =	ssyncadd.s32 $0xFFFFD300  }
0x46: {  	_ =	swait.ge [sflag:s21], $0x2D00  }
0x47: {  	[sflag:s21] =	ssyncset.done $0x0  }
0x48: {  	[sflag:s21] =	ssyncadd.s32 $0xFFFFD300  }
0x49: {  	_ =	swait.ge [sflag:s21], $0x2D00  }
0x4a: {  	[sflag:s21] =	ssyncset.done $0x0  }
0x4b: {  	[sflag:s21] =	ssyncadd.s32 $0xFFFFD300  }
0x4c: {  	_ =	swait.ge [sflag:s21], $0x2D00  }
0x4d: {  	[sflag:s21] =	ssyncset.done $0x0  }
0x4e: {  	[sflag:s21] =	ssyncadd.s32 $0xFFFFD300  }
0x4f: {  	_ =	swait.ge [sflag:s21], $0x2D00  }
0x50: {  	[sflag:s21] =	ssyncset.done $0x0  }
0x51: {  	[sflag:s21] =	ssyncadd.s32 $0xFFFFD300  }
0x52: {  	_ =	swait.ge [sflag:s21], $0x2D00  }
0x53: {  	[sflag:s21] =	ssyncset.done $0x0  }
0x54: {  	[sflag:s21] =	ssyncadd.s32 $0xFFFFD300  }
0x55: {  	_ =	swait.ge [sflag:s21], $0x2D00  }
0x56: {  	[sflag:s21] =	ssyncset.done $0x0  }
0x57: {  	[sflag:s21] =	ssyncadd.s32 $0xFFFFD300  }
0x58: {  	s15 =	simm.s32 $0x0;
	[bflag:$0x0] =	sbarrier.arrive $0xFFFF  }
0x59: {  	[tilespmem:s15], [sflag:$0x1] =	stream.linear.gather [hbm4b:s14+s15], $0xA0, $0x38;
	[tilespmem:$0x1C480] =	vst v63  }
0x5a: {  	s8 =	rddreg [dreg:$0xf]  }
0x5b: {  	[tilespmem:s22], [sflag:$0x2] =	stream.linear.gather [hbm4b:s8+s15], $0xA0, $0x38;
	[tilespmem:$0x1C480] =	vst v63  }
0x5c: {  	p0 =	por $0x1, $0x1;
	_ =	swait.ge [sflag:s23], $0xA0  }
0x5d: {  	s7 =	simm.s32 @p0 $0x50;
	s9 =	simm.s32 @p0 $0x280;
	[sflag:s23] =	ssyncset.done $0x0  }
0x5e: {  	s10 =	simm.s32 @!p0 $0x7;
	s8 =	simm.s32 @p0 $0x0;
	[sflag:s23] =	ssyncadd.s32 $0xFFFFFF60  }
0x5f: {  	[tilespmem:s9], [sflag:$0x5] =	stream.indirect.gather @p0 [hbm4b:s4+s7], $0x90, s8, s7, $0xb8;
	[tilespmem:$0x1C480] =	vst v63  }
0x60: {  	_ =	swait.ge @!p0 [sflag:s10], $0x2D00  }
0x61: {  	s7 =	simm.s32 @!p0 $0x280;
	s8 =	simm.s32 @!p0 $0x50;
	[sflag:s10] =	ssyncset.done @!p0 $0x0  }
0x62: {  	s9 =	simm.s32 @!p0 $0x0;
	[sflag:s10] =	ssyncadd.s32 @!p0 $0xFFFFD300;
	s10 =	simm.s32 @!p0 $0x6  }
0x63: {  	[tilespmem:s7], [sflag:$0x5] =	stream.indirect.gather @!p0 [hbm4b:s4+s8], $0x90, s9, s8, $0xb8;
	[tilespmem:$0x1C480] =	vst v63  }
0x64: {  	_ =	swait.ge @!p0 [sflag:s10], $0x2D00  }
0x65: {  	p1 =	sle.u32 s5, $0x2;
	[sflag:s10] =	ssyncset.done @!p0 $0x0  }
0x66: {  	s7 =	simm.s32 @!p0 $0x230;
	s9 =	simm.s32 @!p0 $0x2F80;
	[sflag:s10] =	ssyncadd.s32 @!p0 $0xFFFFD300  }
0x67: {  	[spmem:s2] =	stream.indirect.scatter.add.f32 @!p0 [tilespmem:s9], [sflag:$0x8], $0x90, s7, s8, $0xb8;
	[tilespmem:$0x1C480] =	vst v63  }
0x68: {  	s7 =	sadd.s32 @!p1 $0xFFFFFFEC, s11;
	s8 =	simm.s32 @!p1 $0x0;
	s9 =	simm.s32 @!p1 $0x140  }
0x69: {  	[tilespmem:s9], [sflag:$0x3] =	stream.linear.gather @!p1 [hbm4b:s7+s8], $0xA0, $0x38;
	[tilespmem:$0x1C480] =	vst v63  }
0x6a: {  	_ =	swait.ge [sflag:s24], $0xA0  }
0x6b: {  	[sflag:s24] =	ssyncset.done $0x0  }
0x6c: {  	s7 =	simm.s32 @!p0 $0x8;
	[sflag:s24] =	ssyncadd.s32 $0xFFFFFF60  }
0x6d: {  	_ =	swait.ge @!p0 [sflag:s7], $0x2D00  }
0x6e: {  	[sflag:s7] =	ssyncset.done @!p0 $0x0  }
0x6f: {  	[sflag:s7] =	ssyncadd.s32 @!p0 $0xFFFFD300  }
0x70: {  	[tilespmem:s26], [sflag:$0x6] =	stream.indirect.gather [hbm4b:s4+s25], $0x90, s22, s25, $0xb8;
	[tilespmem:$0x1C480] =	vst v63  }
0x71: {  	_ =	swait.ge [sflag:s21], $0x2D00  }
0x72: {  	[sflag:s21] =	ssyncset.done $0x0  }
0x73: {  	p0 =	sle.u32 s5, $0x3;
	[sflag:s21] =	ssyncadd.s32 $0xFFFFD300  }
0x74: {  	[spmem:s2] =	stream.indirect.scatter.add.f32 [tilespmem:s20], [sflag:$0x7], $0x90, s25, s25, $0xb8;
	[tilespmem:$0x1C480] =	vst v63  }
0x75: {  	s7 =	simm.s32 @!p0 $0x0;
	s8 =	simm.s32 @!p0 $0x1E0  }
0x76: {  	[tilespmem:s8], [sflag:$0x4] =	stream.linear.gather @!p0 [hbm4b:s11+s7], $0xA0, $0x38;
	[tilespmem:$0x1C480] =	vst v63  }
0x77: {  	_ =	swait.ge [sflag:s28], $0xA0  }
0x78: {  	[sflag:s28] =	ssyncset.done $0x0  }
0x79: {  	[sflag:s28] =	ssyncadd.s32 $0xFFFFFF60  }
0x7a: {  	_ =	swait.ge [sflag:s29], $0x2D00  }
0x7b: {  	[sflag:s29] =	ssyncset.done $0x0  }
0x7c: {  	s16 =	rddreg [dreg:$0x4];
	[sflag:s29] =	ssyncadd.s32 $0xFFFFD300  }
0x7d: {  	[tilespmem:s20], [sflag:$0x5] =	stream.indirect.gather [hbm4b:s4+s25], $0x90, s16, s25, $0xb8;
	[tilespmem:$0x1C480] =	vst v63  }
0x7e: {  	_ =	swait.ge [sflag:s30], $0x2D00  }
0x7f: {  	[sflag:s30] =	ssyncset.done $0x0  }
0x80: {  	p0 =	sle.u32 s5, $0x4;
	s17 =	rddreg [dreg:$0x5];
	[sflag:s30] =	ssyncadd.s32 $0xFFFFD300  }
0x81: {  	[spmem:s2] =	stream.indirect.scatter.add.f32 [tilespmem:s26], [sflag:$0x8], $0x90, s17, s25, $0xb8;
	[tilespmem:$0x1C480] =	vst v63  }
0x82: {  	s7 =	sadd.s32 @!p0 $0x14, s11;
	s8 =	simm.s32 @!p0 $0x0  }
0x83: {  	[tilespmem:s8], [sflag:$0x1] =	stream.linear.gather @!p0 [hbm4b:s7+s8], $0xA0, $0x38;
	[tilespmem:$0x1C480] =	vst v63  }
0x84: {  	_ =	swait.ge [sflag:s31], $0xA0  }
0x85: {  	[sflag:s31] =	ssyncset.done $0x0  }
0x86: {  	[sflag:s31] =	ssyncadd.s32 $0xFFFFFF60  }
0x87: {  	_ =	swait.ge [sflag:s1], $0x2D00  }
0x88: {  	s19 =	rddreg [dreg:$0x10]  }
0x89: {  	s7 =	sadd.s32 $0xFFFFFFFF, s19  }
0x8a: {  	p0 =	sne.s32 s7, $0x0  }
.Ltmp1:
0x8b: {  	[sflag:s1] =	ssyncset.done $0x0;
	(pc) =	sbr.rel @!p0 .LBB2_5-.Ltmp1, $4  }
0x8c: {  	s10 =	simm.s32 $0x6;
	s18 =	rddreg [dreg:$0x6];
	[sflag:s1] =	ssyncadd.s32 $0xFFFFD300  }
0x8d: {  	[tilespmem:s26], [sflag:$0x6] =	stream.indirect.gather [hbm4b:s4+s25], $0x90, s18, s25, $0xb8;
	[tilespmem:$0x1C480] =	vst v63  }
0x8e: {  	s9 =	sadd.s32 $0x50, s11;
	s8 =	simm.s32 $0x2;
	_ =	swait.ge [sflag:s21], $0x2D00  }
0x8f: {  	s19 =	smov.u32 s11;
	[sflag:s21] =	ssyncset.done $0x0;
	s12 =	rddreg [dreg:$0x7]  }
.LBB2_4:
0x90: {  	s8 =	sadd.s32 $0x3, s8  }
0x91: {  	[sflag:s21] =	ssyncadd.s32 $0xFFFFD300;
	p1 =	sge.u32 s8, s5  }
0x92: {  	[spmem:s2] =	stream.indirect.scatter.add.f32 [tilespmem:s20], [sflag:$0x7], $0x90, s12, s25, $0xb8;
	[tilespmem:$0x1C480] =	vst v63  }
0x93: {  	s13 =	sadd.s32 @!p1 $0x28, s19;
	s15 =	simm.s32 @!p1 $0x0;
	s16 =	simm.s32 @!p1 $0xA0  }
0x94: {  	[tilespmem:s16], [sflag:$0x2] =	stream.linear.gather @!p1 [hbm4b:s13+s15], $0xA0, $0x38;
	[tilespmem:$0x1C480] =	vst v63  }
0x95: {  	p1 =	seq.s32 s10, $0x2;
	_ =	swait.ge [sflag:s23], $0xA0  }
0x96: {  	s12 =	simm.s32 @p1 $0x50;
	s13 =	simm.s32 @p1 $0x0;
	[sflag:s23] =	ssyncset.done $0x0  }
0x97: {  	s15 =	simm.s32 @p1 $0x280;
	s16 =	simm.s32 @!p1 $0x7;
	[sflag:s23] =	ssyncadd.s32 $0xFFFFFF60  }
0x98: {  	[tilespmem:s15], [sflag:$0x5] =	stream.indirect.gather @p1 [hbm4b:s4+s12], $0x90, s13, s12, $0xb8;
	[tilespmem:$0x1C480] =	vst v63  }
0x99: {  	_ =	swait.ge @!p1 [sflag:s16], $0x2D00  }
0x9a: {  	s12 =	simm.s32 @!p1 $0x280;
	s13 =	simm.s32 @!p1 $0x50;
	[sflag:s16] =	ssyncset.done @!p1 $0x0  }
0x9b: {  	s15 =	simm.s32 @!p1 $0x0;
	[sflag:s16] =	ssyncadd.s32 @!p1 $0xFFFFD300;
	s16 =	simm.s32 @!p1 $0x6  }
0x9c: {  	[tilespmem:s12], [sflag:$0x5] =	stream.indirect.gather @!p1 [hbm4b:s4+s13], $0x90, s15, s13, $0xb8;
	[tilespmem:$0x1C480] =	vst v63  }
0x9d: {  	_ =	swait.ge @!p1 [sflag:s16], $0x2D00  }
0x9e: {  	p2 =	sge.u32 s10, s5;
	[sflag:s16] =	ssyncset.done @!p1 $0x0  }
0x9f: {  	s17 =	simm.s32 @!p1 $0x230;
	s18 =	simm.s32 @!p1 $0x2F80;
	[sflag:s16] =	ssyncadd.s32 @!p1 $0xFFFFD300  }
0xa0: {  	[spmem:s2] =	stream.indirect.scatter.add.f32 @!p1 [tilespmem:s18], [sflag:$0x8], $0x90, s17, s13, $0xb8;
	[tilespmem:$0x1C480] =	vst v63  }
0xa1: {  	s12 =	sadd.s32 @!p2 $0xFFFFFFEC, s9;
	s15 =	simm.s32 @!p2 $0x0;
	s13 =	simm.s32 @!p2 $0x140  }
0xa2: {  	[tilespmem:s13], [sflag:$0x3] =	stream.linear.gather @!p2 [hbm4b:s12+s15], $0xA0, $0x38;
	[tilespmem:$0x1C480] =	vst v63  }
0xa3: {  	_ =	swait.ge [sflag:s24], $0xA0  }
0xa4: {  	[sflag:s24] =	ssyncset.done $0x0  }
0xa5: {  	s12 =	simm.s32 @!p1 $0x8;
	[sflag:s24] =	ssyncadd.s32 $0xFFFFFF60  }
0xa6: {  	_ =	swait.ge @!p1 [sflag:s12], $0x2D00  }
0xa7: {  	[sflag:s12] =	ssyncset.done @!p1 $0x0  }
0xa8: {  	[sflag:s12] =	ssyncadd.s32 @!p1 $0xFFFFD300  }
0xa9: {  	[tilespmem:s26], [sflag:$0x6] =	stream.indirect.gather [hbm4b:s4+s25], $0x90, s22, s25, $0xb8;
	[tilespmem:$0x1C480] =	vst v63  }
0xaa: {  	_ =	swait.ge [sflag:s21], $0x2D00  }
0xab: {  	s13 =	sadd.s32 $0x1, s10;
	[sflag:s21] =	ssyncset.done $0x0  }
0xac: {  	p1 =	sge.u32 s13, s5;
	[sflag:s21] =	ssyncadd.s32 $0xFFFFD300  }
0xad: {  	[spmem:s2] =	stream.indirect.scatter.add.f32 [tilespmem:s20], [sflag:$0x7], $0x90, s25, s25, $0xb8;
	[tilespmem:$0x1C480] =	vst v63  }
0xae: {  	s12 =	simm.s32 @!p1 $0x0;
	s13 =	simm.s32 @!p1 $0x1E0  }
0xaf: {  	[tilespmem:s13], [sflag:$0x4] =	stream.linear.gather @!p1 [hbm4b:s9+s12], $0xA0, $0x38;
	[tilespmem:$0x1C480] =	vst v63  }
0xb0: {  	_ =	swait.ge [sflag:s28], $0xA0  }
0xb1: {  	[sflag:s28] =	ssyncset.done $0x0  }
0xb2: {  	[sflag:s28] =	ssyncadd.s32 $0xFFFFFF60  }
0xb3: {  	_ =	swait.ge [sflag:s29], $0x2D00  }
0xb4: {  	[sflag:s29] =	ssyncset.done $0x0  }
0xb5: {  	s15 =	rddreg [dreg:$0x4];
	[sflag:s29] =	ssyncadd.s32 $0xFFFFD300  }
0xb6: {  	[tilespmem:s20], [sflag:$0x5] =	stream.indirect.gather [hbm4b:s4+s25], $0x90, s15, s25, $0xb8;
	[tilespmem:$0x1C480] =	vst v63  }
0xb7: {  	_ =	swait.ge [sflag:s30], $0x2D00  }
0xb8: {  	s17 =	sadd.s32 $0x2, s10;
	[sflag:s30] =	ssyncset.done $0x0  }
0xb9: {  	p1 =	sge.u32 s17, s5;
	s16 =	rddreg [dreg:$0x5];
	[sflag:s30] =	ssyncadd.s32 $0xFFFFD300  }
0xba: {  	[spmem:s2] =	stream.indirect.scatter.add.f32 [tilespmem:s26], [sflag:$0x8], $0x90, s16, s25, $0xb8;
	[tilespmem:$0x1C480] =	vst v63  }
0xbb: {  	s13 =	sadd.s32 @!p1 $0x14, s9;
	s15 =	simm.s32 @!p1 $0x0  }
0xbc: {  	[tilespmem:s15], [sflag:$0x1] =	stream.linear.gather @!p1 [hbm4b:s13+s15], $0xA0, $0x38;
	[tilespmem:$0x1C480] =	vst v63  }
0xbd: {  	_ =	swait.ge [sflag:s31], $0xA0  }
0xbe: {  	[sflag:s31] =	ssyncset.done $0x0  }
0xbf: {  	s7 =	sadd.s32 $0xFFFFFFFF, s7;
	[sflag:s31] =	ssyncadd.s32 $0xFFFFFF60  }
0xc0: {  	p0 =	sne.s32 s7, $0x0;
	_ =	swait.ge [sflag:s1], $0x2D00  }
.Ltmp2:
0xc1: {  	[sflag:s1] =	ssyncset.done $0x0;
	(pc) =	sbr.rel @p0 .LBB2_4-.Ltmp2, $4  }
0xc2: {  	s8 =	smov.u32 s10;
	s18 =	rddreg [dreg:$0x6];
	[sflag:s1] =	ssyncadd.s32 $0xFFFFD300  }
0xc3: {  	[tilespmem:s26], [sflag:$0x6] =	stream.indirect.gather [hbm4b:s4+s25], $0x90, s18, s25, $0xb8;
	[tilespmem:$0x1C480] =	vst v63  }
0xc4: {  	s19 =	smov.u32 s9;
	s10 =	sadd.s32 $0x4, s10;
	_ =	swait.ge [sflag:s21], $0x2D00  }
0xc5: {  	s9 =	sadd.s32 $0x50, s9;
	[sflag:s21] =	ssyncset.done $0x0;
	s12 =	rddreg [dreg:$0x7]  }
.LBB2_5:
0xc6: {  	s7 =	sadd.s32 $0x3, s8  }
0xc7: {  	[sflag:s21] =	ssyncadd.s32 $0xFFFFD300;
	p0 =	sge.u32 s7, s5  }
0xc8: {  	[spmem:s2] =	stream.indirect.scatter.add.f32 [tilespmem:s20], [sflag:$0x7], $0x90, s12, s25, $0xb8;
	[tilespmem:$0x1C480] =	vst v63  }
0xc9: {  	s7 =	sadd.s32 @!p0 $0x28, s19;
	s8 =	simm.s32 @!p0 $0x0;
	s9 =	simm.s32 @!p0 $0xA0  }
0xca: {  	[tilespmem:s9], [sflag:$0x2] =	stream.linear.gather @!p0 [hbm4b:s7+s8], $0xA0, $0x38;
	[tilespmem:$0x1C480] =	vst v63  }
0xcb: {  	_ =	swait.ge [sflag:s30], $0x2D00  }
0xcc: {  	[sflag:s30] =	ssyncset.done $0x0  }
0xcd: {  	s15 =	simm.s32 $0x230;
	[sflag:s30] =	ssyncadd.s32 $0xFFFFD300  }
0xce: {  	[spmem:s2] =	stream.indirect.scatter.add.f32 [tilespmem:s26], [sflag:$0x8], $0x90, s15, s25, $0xb8;
	[tilespmem:$0x1C480] =	vst v63  }
0xcf: {  	_ =	swait.ge [sflag:s29], $0x2D00  }
0xd0: {  	[sflag:s29] =	ssyncset.done $0x0  }
0xd1: {  	[sflag:s29] =	ssyncadd.s32 $0xFFFFD300  }
0xd2: {  	_ =	swait.ge [sflag:s1], $0x2D00  }
0xd3: {  	[sflag:s1] =	ssyncset.done $0x0  }
0xd4: {  	s16 =	stileid.u32;
	[sflag:s1] =	ssyncadd.s32 $0xFFFFD300  }
0xd5: {  	s7 =	sshll.u32 s16, $0x6;
	[bflag:$0x0] =	sbarrier.arrive $0xFFFF  }
0xd6: {  	s17 =	sshrl.u32 s6, $0x3;
	s7 =	sor.u32 $0x1C09, s7;
	s18 =	rddreg [dreg:$0x11]  }
0xd7: {  	[hbm:s18], [sflag:s7] =	dma.local [spmem:s17], $0x2D00  }
0xd8: {  	_ =	swait.ge [sflag:s0], $0x2D00  }
0xd9: {  	s3 =	sadd.s32 $0x1, s3;
	s19 =	rddreg [dreg:$0x12]  }
0xda: {  	p0 =	sne.s32 s3, s19  }
.Ltmp3:
0xdb: {  	_ = 	snop;
	(pc) =	sbr.rel @p0 .LBB2_1-.Ltmp3, $3  }
0xdc: {  	_ =	sdelay $0x1  }
0xdd: {  	[sflag:s0] =	ssyncset.done $0x0  }
0xde: {  	[sflag:s0] =	ssyncadd.s32 $0xFFFFD300  }
0xdf: {  	_ =	sfence.sel $0x180000  }
0xe0: {  	[bflag:$0x0] =	sbarrier.arrive $0xFFFF  }
0xe1: {  	_ =	strace $0x90000047  }
0xe2: {  	s0 =	stileid.u32;
	[bflag:$0x2] =	sbarrier.arrive $0xFFFF  }
0xe3: {  	p0 =	sne.s32 s0, $0x0;
	s0 =	rddreg [dreg:$0x3]  }
0xe4: {  	s0 =	sadd.s32 @!p0 $0x100000, s0  }
0xe5: {  	[sflag:s0] =	ssyncadd.tile.s32 @!p0 $0x1;
	_ =	shalt  }
.Lfunc_end2:
_tile_overlayer_lowered:
.L_overlay_start_2:
0xe6: {  	(tag) =	ssettag $0x2  }
0xe7: {  	s0 =	rddreg [dreg:$0x0];
	s2 =	stileid.u32  }
0xe8: {  	s1 =	rddreg [dreg:$0x1];
	p0 =	sne.s32 s2, $0x0  }
0xe9: {  	s3 =	rddreg [dreg:$0x2];
	[bflag:$0x3] =	sbarrier.arrive $0xFFFF;
	s2 =	simm.s32 @!p0 $0x1C09  }
0xea: {  	[timem:s3], [sflag:s2] =	dma.local @!p0 [hbm:s0], s1  }
0xeb: {  	s0 =	simm.s32 @!p0 $0x9  }
0xec: {  	_ =	swait.ge @!p0 [sflag:s0], s1  }
0xed: {  	s1 =	ssub.s32 @!p0 $0x0, s1;
	[sflag:s0] =	ssyncset.done @!p0 $0x0  }
0xee: {  	[sflag:s0] =	ssyncadd.s32 @!p0 s1  }
0xef: {  	[bflag:$0x3] =	sbarrier.arrive $0xFFFF  }
0xf0: {  	_ =	shalt  }

// kernel: kernel.9.cloned.1.call-start
scs
__scs_entry_jumppad:
0x0: {  	(pc) =	sbr.rel $0x88, $3  }
0x1: {  	(tag) =	ssettag $0x0;
	lr =	simm.s32 $0x1  }
0x2: {  	[smem:$0x3F99] =	sst lr;
	_ =	strace $0xD0000000  }
0x3: {  	_ = 	snop  }
0x4: {  	_ = 	snop  }
0x5: {  	_ = 	snop  }
0x6: {  	_ = 	snop  }
0x7: {  	_ = 	snop  }
__scs_overlays_trampoline_lowered:
0x8: {  	[smem:$0x3FA8] =	sst s0  }
0x9: {  	[smem:$0x3FA9] =	sst s1  }
0xa: {  	[smem:$0x3FAA] =	sst s2  }
0xb: {  	[smem:$0x3FAB] =	sst s3  }
0xc: {  	[smem:$0x3FAC] =	sst s4  }
0xd: {  	[smem:$0x3FAD] =	sst s5  }
0xe: {  	[smem:$0x3FAE] =	sst s6  }
0xf: {  	[smem:$0x3FAF] =	sst s7  }
0x10: {  	[smem:$0x3FB0] =	sst s8  }
0x11: {  	[smem:$0x3FB1] =	sst s9;
	s0 =	simm.s32 @!p0 $0x0  }
0x12: {  	s1 =	sld [smem:$0x3F97];
	s0 =	simm.s32 @p0 $0x1  }
0x13: {  	[smem:$0x3FB2] =	sst s0;
	s0 =	simm.s32 @!p1 $0x0  }
0x14: {  	s2 =	sld [smem:$0x3F96];
	s0 =	simm.s32 @p1 $0x1  }
0x15: {  	[smem:$0x3FB3] =	sst s0;
	s0 =	simm.s32 @!p2 $0x0  }
0x16: {  	s3 =	sld [smem:$0x3FDB];
	s0 =	simm.s32 @p2 $0x1  }
0x17: {  	s4 =	simm.s32 $0x1BF5;
	[smem:$0x3FB5] =	sst s0  }
0x18: {  	s0 =	sld [smem:$0x3F98];
	_ =	swait.ge [sflag:s4], $0x0  }
0x19: {  	s7 =	sld [smem:$0x3F99]  }
0x1a: {  	s8 =	sadd.s32 $0xFFFFE003, lr  }
0x1b: {  	s9 =	sadd.s32 $0xFFFFFEF7, lr;
	s5 =	simm.s32 $0xFFFFFFFF;
	p2 =	slt.u32 s8, $0xFFFFF086  }
0x1c: {  	p1 =	slt.u32 s9, $0xF7A;
	s5 =	simm.s32 @!p2 $0x0  }
0x1d: {  	s5 =	simm.s32 @p1 $0x1;
	p0 =	seq.s32 s7, s2  }
0x1e: {  	s7 =	smul.u32 @!p0 $0xF7A, s2;
	p2 =	seq.s32 @!p0 s5, $0x0  }
0x1f: {  	s9 =	smul.u32 $0xF7A, s1;
	s8 =	simm.s32 @!p0 $0x1BF5;
	p2 =	por !p2, p0  }
0x20: {  	[sflag:s8] =	ssyncset.s32 @!p0 $0xFFFFF086;
	s6 =	sadd.s32 @!p0 s3, s7;
	s7 =	simm.s32 @!p0 $0x108  }
0x21: {  	s3 =	sadd.s32 s3, s9;
	s6 =	sadd.s32 @!p0 $0x88, s6;
	s7 =	simm.s32 @p2 $0x1082  }
0x22: {  	[simem:s7], [sflag:s8] =	dma.local @!p0 [hbm:s6], $0xF7A  }
0x23: {  	s9 =	sor.u32 $0xD0000000, s2;
	s6 =	simm.s32 $0x108;
	_ =	swait.ge @!p0 [sflag:s8], $0x0  }
0x24: {  	s3 =	sadd.s32 $0x88, s3;
	s6 =	simm.s32 @!p1 $0x1082;
	[sflag:s4] =	ssyncset.s32 $0xFFFFF086  }
0x25: {  	[simem:s6], [sflag:s4] =	dma.local [hbm:s3], $0xF7A  }
0x26: {  	[smem:$0x3F99] =	sst s1;
	(tag) =	ssettag s2;
	_ =	strace s9  }
0x27: {  	s1 =	sld [smem:$0x3FA9]  }
0x28: {  	s2 =	sld [smem:$0x3FAA]  }
0x29: {  	s4 =	sld [smem:$0x3FAC]  }
0x2a: {  	p0 =	seq.s32 s5, $0x0;
	s5 =	sld [smem:$0x3FAD]  }
0x2b: {  	s6 =	sld [smem:$0x3FAE]  }
0x2c: {  	s7 =	sld [smem:$0x3FAF]  }
0x2d: {  	s3 =	simm.s32 $0x108;
	s8 =	sld [smem:$0x3FB0]  }
0x2e: {  	s3 =	simm.s32 @!p0 $0x1082;
	s9 =	sld [smem:$0x3FB1]  }
0x2f: {  	lr =	sadd.s32 s0, s3;
	s0 =	sld [smem:$0x3FA8]  }
0x30: {  	s3 =	sld [smem:$0x3FAB]  }
0x31: {  	[smem:$0x3FB4] =	sst s10  }
0x32: {  	s10 =	sld [smem:$0x3FB2];
	_ =	sdelay $0x3  }
0x33: {  	p0 =	seq.s32 s10, $0x1;
	s10 =	sld [smem:$0x3FB4];
	_ =	sdelay $0x3  }
0x34: {  	[smem:$0x3FB4] =	sst s10  }
0x35: {  	s10 =	sld [smem:$0x3FB3];
	_ =	sdelay $0x3  }
0x36: {  	p1 =	seq.s32 s10, $0x1;
	s10 =	sld [smem:$0x3FB4];
	_ =	sdelay $0x3  }
0x37: {  	[smem:$0x3FB4] =	sst s10  }
0x38: {  	s10 =	sld [smem:$0x3FB5]  }
0x39: {  	_ = 	snop;
	(pc) =	sbr.ind lr, $3  }
0x3a: {  	_ = 	snop  }
0x3b: {  	_ = 	snop  }
0x3c: {  	p2 =	seq.s32 s10, $0x1;
	s10 =	sld [smem:$0x3FB4]  }
0x3d: {  	_ =	shalt  }
0x3e: {  	_ =	shalt  }
0x3f: {  	_ =	shalt  }
0x40: {  	_ =	shalt  }
0x41: {  	_ =	shalt  }
0x42: {  	_ =	shalt  }
0x43: {  	_ =	shalt  }
0x44: {  	_ =	shalt  }
0x45: {  	_ =	shalt  }
0x46: {  	_ =	shalt  }
0x47: {  	_ =	shalt  }
0x48: {  	_ =	shalt  }
0x49: {  	_ =	shalt  }
0x4a: {  	_ =	shalt  }
0x4b: {  	_ =	shalt  }
0x4c: {  	_ =	shalt  }
0x4d: {  	_ =	shalt  }
0x4e: {  	_ =	shalt  }
0x4f: {  	_ =	shalt  }
0x50: {  	_ =	shalt  }
0x51: {  	_ =	shalt  }
0x52: {  	_ =	shalt  }
0x53: {  	_ =	shalt  }
0x54: {  	_ =	shalt  }
0x55: {  	_ =	shalt  }
0x56: {  	_ =	shalt  }
0x57: {  	_ =	shalt  }
0x58: {  	_ =	shalt  }
0x59: {  	_ =	shalt  }
0x5a: {  	_ =	shalt  }
0x5b: {  	_ =	shalt  }
0x5c: {  	_ =	shalt  }
0x5d: {  	_ =	shalt  }
0x5e: {  	_ =	shalt  }
0x5f: {  	_ =	shalt  }
0x60: {  	_ =	shalt  }
0x61: {  	_ =	shalt  }
0x62: {  	_ =	shalt  }
0x63: {  	_ =	shalt  }
0x64: {  	_ =	shalt  }
0x65: {  	_ =	shalt  }
0x66: {  	_ =	shalt  }
0x67: {  	_ =	shalt  }
0x68: {  	_ =	shalt  }
0x69: {  	_ =	shalt  }
0x6a: {  	_ =	shalt  }
0x6b: {  	_ =	shalt  }
0x6c: {  	_ =	shalt  }
0x6d: {  	_ =	shalt  }
0x6e: {  	_ =	shalt  }
0x6f: {  	_ =	shalt  }
0x70: {  	_ =	shalt  }
0x71: {  	_ =	shalt  }
0x72: {  	_ =	shalt  }
0x73: {  	_ =	shalt  }
0x74: {  	_ =	shalt  }
0x75: {  	_ =	shalt  }
0x76: {  	_ =	shalt  }
0x77: {  	_ =	shalt  }
0x78: {  	_ =	shalt  }
0x79: {  	_ =	shalt  }
0x7a: {  	_ =	shalt  }
0x7b: {  	_ =	shalt  }
0x7c: {  	_ =	shalt  }
0x7d: {  	_ =	shalt  }
0x7e: {  	_ =	shalt  }
0x7f: {  	_ =	shalt  }
0x80: {  	_ =	shalt  }
0x81: {  	_ =	shalt  }
0x82: {  	_ =	shalt  }
0x83: {  	_ =	shalt  }
0x84: {  	_ =	shalt  }
0x85: {  	_ =	shalt  }
0x86: {  	_ =	shalt  }
0x87: {  	_ =	shalt  }
.Lfunc_end0:
.L_simem_size_0:
called_computation.1_lowered:
.L_overlay_start_0:
0x88: {  	s2 =	sld [smem:$0x3FD9]  }
0x89: {  	s3 =	sld [smem:$0x3FFE];
	_ =	sdelay $0x1  }
0x8a: {  	s1 =	srdreg.scid  }
0x8b: {  	s0 =	sand.u32 $0x1, s1  }
0x8c: {  	s17 =	sshll.u32 s0, $0xA;
	s2 =	sadd.s32 s3, s2  }
0x8d: {  	s2 =	sadd.s32 s2, s17  }
0x8e: {  	[smem:$0x3FC0] =	sst s2  }
0x8f: {  	_ = 	snop  }
0x90: {  	(tm) =	ssettm $0x1  }
0x91: {  	s18 =	sld [smem:$0x3FFB];
	_ =	sdelay $0x3  }
0x92: {  	_ =	strace s18  }
0x93: {  	s2 =	sld [smem:$0x3FFC];
	_ =	sdelay $0x3  }
0x94: {  	_ =	strace s2  }
0x95: {  	s2 =	sld [smem:$0x3FFD];
	_ =	sdelay $0x3  }
0x96: {  	_ =	strace s2  }
0x97: {  	_ =	strace $0x8FFFFFFF  }
0x98: {  	s19 =	sld [smem:$0x3FDB];
	_ =	sdelay $0x1  }
0x99: {  	s20 =	simm.s32 $_scs_section_size  }
0x9a: {  	s4 =	simm.s32 $_size__tile_overlayer_lowered;
	s5 =	simm.s32 $_tile_overlayer_lowered  }
0x9b: {  	s6 =	simm.s32 $0x1BFF;
	s21 =	sshll.u32 s5, $0x1;
	s3 =	sadd.s32 s20, s19  }
0x9c: {  	s22 =	simm.s32 $0x0;
	s4 =	sshll.u32 s4, $0x1;
	s5 =	sadd.s32 s21, s3  }
0x9d: {  	[timem:s22], [sflag:s6] =	dma.local [hbm:s5], s4  }
0x9e: {  	_ =	swait.ge [sflag:s6], s4  }
0x9f: {  	s4 =	ssub.s32 $0x0, s4;
	[sflag:s6] =	ssyncset.done $0x0  }
0xa0: {  	[sflag:s6] =	ssyncadd.s32 s4;
	_ =	sdelay $0x1  }
0xa1: {  	s23 =	simm.s32 $0x1B8B  }
0xa2: {  	_ =	swait.ge [sflag:s23], $0x1  }
0xa3: {  	[sflag:s23] =	ssyncset.done $0x0  }
0xa4: {  	[sflag:s23] =	ssyncadd.s32 $0xFFFFFFFF  }
0xa5: {  	s4 =	sld [smem:$0x0]  }
0xa6: {  	s5 =	sand.u32 $0xFFFFFFFE, s1  }
0xa7: {  	p0 =	sne.s32 s1, s5  }
0xa8: {  	s5 =	sshll.u32 @p0 s5, $0xE  }
0xa9: {  	s5 =	sadd.s32 @p0 $0x11B8D, s5;
	s6 =	sshll.u32 @p0 s4, $0x11  }
0xaa: {  	s5 =	sor.u32 @p0 s6, s5  }
0xab: {  	[sflag:s5] =	ssyncadd.remote.s32 @p0 $0x1;
	_ =	sdelay $0x1  }
0xac: {  	s5 =	simm.s32 @p0 $0x1B8D  }
0xad: {  	_ =	swait.eq @p0 [sflag:s5], $0x1  }
0xae: {  	[sflag:s5] =	ssyncadd.s32 @p0 $0xFFFFFFFF  }
0xaf: {  	s6 =	sshll.u32 @!p0 s1, $0xE  }
0xb0: {  	s6 =	sor.u32 @!p0 $0x4000, s6;
	s5 =	simm.s32 @!p0 $0x1B8D  }
0xb1: {  	s4 =	sshll.u32 @!p0 s4, $0x11;
	s6 =	sadd.s32 @!p0 $0x11B8D, s6;
	_ =	swait.eq @!p0 [sflag:s5], $0x1  }
0xb2: {  	s4 =	sor.u32 @!p0 s4, s6;
	[sflag:s5] =	ssyncadd.s32 @!p0 $0xFFFFFFFF  }
0xb3: {  	s25 =	simm.s32 $0x1B8E;
	s24 =	sld [smem:$0x3FFE];
	[sflag:s4] =	ssyncadd.remote.s32 @!p0 $0x1  }
0xb4: {  	s26 =	simm.s32 $execute0_lowered;
	[smem:$0x3FD2] =	sst s25  }
0xb5: {  	s5 =	sshll.u32 s26, $0x1;
	_ =	strace $0x80000049;
	[dreg:$0x1] =	wrdreg $0xFFFFFFFF  }
0xb6: {  	s28 =	simm.s32 $_size_execute0_lowered;
	s3 =	sadd.s32 s3, s5;
	[dreg:$0x0] =	wrdreg $0x0  }
0xb7: {  	s5 =	sshll.u32 s28, $0x1;
	[dreg:$0x2] =	wrdreg s3  }
0xb8: {  	[dreg:$0x3] =	wrdreg s5  }
0xb9: {  	[dreg:$0x4] =	wrdreg $0xC0  }
0xba: {  	_ =	task [dreg:s22], $0x5FFFF  }
0xbb: {  	[dreg:$0x1] =	wrdreg $0xFFFFFFFF  }
0xbc: {  	[dreg:$0x0] =	wrdreg $0x60  }
0xbd: {  	[dreg:$0x2] =	wrdreg s24  }
0xbe: {  	[dreg:$0x3] =	wrdreg $0x12000  }
0xbf: {  	[dreg:$0x4] =	wrdreg $0xA  }
0xc0: {  	_ =	task.clear_ibuf [dreg:s22], $0x5FFFF;
	_ =	strace $0x90000049  }
0xc1: {  	s29 =	simm.s32 $0xA;
	_ =	strace $0x8000004B  }
0xc2: {  	_ =	swait.ge [sflag:s29], $0x1  }
0xc3: {  	[sflag:s29] =	ssyncadd.s32 $0xFFFFFFFF  }
0xc4: {  	_ =	strace $0x9000004B  }
0xc5: {  	_ =	sfence  }
0xc6: {  	s30 =	sld [smem:$0x0];
	_ =	sdelay $0x2  }
0xc7: {  	s31 =	sshll.u32 s1, $0xD;
	s1 =	sshrl.u32 s1, $0x2  }
0xc8: {  	s4 =	sand.u32 $0x4000, s31;
	s1 =	sadd.s32 s1, s30  }
0xc9: {  	s0 =	sor.u32 s4, s0;
	s1 =	sshll.u32 s1, $0x11  }
0xca: {  	s0 =	sor.u32 s1, s0  }
0xcb: {  	s0 =	sadd.s32 $0x8F2B, s0  }
0xcc: {  	[sflag:s0] =	ssyncadd.remote.s32 $0x1  }
0xcd: {  	_ =	sfence.sel $0xFFFF  }
0xce: {  	[dreg:$0x0] =	wrdreg $0xFFFFFFFF;
	(pc) =	sbr.abs _section_cstart, $3  }
0xcf: {  	[dreg:$0x1] =	wrdreg $0xFFFFFFFF  }
0xd0: {  	_ =	task.clear_ibuf [dreg:s22], $0x2FFFF;
	_ =	strace $0x9FFFFFFF  }
0xd1: {  	(tm) =	ssettm $0x7FFFFFFF  }
tec
execute0_lowered:
.L_overlay_start_1:
0x0: {  	(tag) =	ssettag $0x1  }
0x1: {  	s0 =	rddreg [dreg:$0x0]  }
0x2: {  	s2 =	rddreg [dreg:$0x1]  }
0x3: {  	s1 =	srdreg.scid;
	s12 =	stileid.u32;
	s3 =	simm.s32 $0x0  }
0x4: {  	s19 =	simm.s32 $0x200;
	s20 =	simm.s32 $0x5;
	s28 =	simm.s32 $0x3  }
0x5: {  	s29 =	simm.s32 $0x7;
	s30 =	simm.s32 $0x6;
	s5 =	smul.u32 $0x2800, s12  }
0x6: {  	s31 =	simm.s32 $0x4;
	s1 =	sand.u32 $0x1, s1;
	s9 =	smul.u32 $0xA000, s12  }
0x7: {  	[smem:$0x7FF] =	sst s3;
	s8 =	sshll.u32 s12, $0x1;
	s12 =	smul.u32 $0xA0, s12  }
0x8: {  	s4 =	sadd.s32 $0x5BC400, s0;
	s7 =	sadd.s32 $0xDA400, s0;
	s6 =	smul.u32 $0x28000, s1  }
0x9: {  	s21 =	ssub.s32 $0x2, s1;
	s8 =	sor.u32 s1, s8;
	s1 =	smul.u32 $0x50, s1  }
0xa: {  	_ =	strace $0x8000004A;
	s10 =	sshrl.u32 s21, $0x1;
	s11 =	smul.u32 $0x500, s8  }
0xb: {  	s9 =	sshrl.u32 s9, $0x2;
	s8 =	smul.u32 $0x5000, s8;
	s6 =	sadd.s32 s5, s6  }
0xc: {  	s9 =	sadd.s32 s9, s2;
	s5 =	sadd.s32 s5, s2;
	s1 =	sadd.s32 s1, s12  }
0xd: {  	s6 =	sshrl.u32 s6, $0x3;
	s22 =	sadd.s32 $0x800, s9;
	s23 =	sadd.s32 $0x1000, s9  }
0xe: {  	s24 =	sadd.s32 $0x1800, s9;
	s9 =	sadd.s32 $0x2000, s9;
	[dreg:$0x3] =	wrdreg s22  }
0xf: {  	s12 =	sadd.s32 s4, s8;
	s26 =	sshll.u32 s1, $0x4;
	[dreg:$0x4] =	wrdreg s23  }
0x10: {  	s8 =	sor.u32 $0x1, s1;
	s1 =	simm.s32 $0x9;
	[dreg:$0x5] =	wrdreg s24  }
0x11: {  	s0 =	sadd.s32 s6, s0;
	s6 =	ssub.s32 s21, s10;
	[dreg:$0x6] =	wrdreg s9  }
0x12: {  	s10 =	sadd.s32 s7, s11;
	s15 =	sadd.s32 s26, s7;
	s21 =	simm.s32 $0x80  }
.Ltmp0:
0x13: {  	s22 =	simm.s32 $0x1;
	s23 =	simm.s32 $0x100;
	(pc) =	sbr.rel .LBB2_1-.Ltmp0, $4  }
0x14: {  	s24 =	simm.s32 $0x2;
	s26 =	simm.s32 $0x180;
	s25 =	sadd.s32 $0x10, s10  }
0x15: {  	s0 =	sadd.s32 $0xE4400, s0;
	s14 =	smax.u32 s6, $0x1;
	s16 =	sadd.s32 $0x40, s15  }
0x16: {  	s18 =	sadd.s32 $0x20, s15;
	s6 =	simm.s32 $0x0;
	[dreg:$0x7] =	wrdreg s25  }
0x17: {  	v0 =	vimm.f32 $0.0e+00;
	[dreg:$0x8] =	wrdreg s0;
	s25 =	simm.s32 $0xA00;
	s0 =	simm.s32 $0x8  }
.LBB2_6:
0x18: {  	_ =	swait.ge [sflag:s30], $0x800  }
0x19: {  	[sflag:s30] =	ssyncset.done $0x0  }
0x1a: {  	[sflag:s30] =	ssyncadd.s32 $0xFFFFF800  }
0x1b: {  	[spmem:s2] =	stream.indirect.scatter.add.f32 [tilespmem:s25], [sflag:$0x8], $0x10, s26, s21, $0xb8;
	[tilespmem:$0x3A00] =	vst v63  }
0x1c: {  	_ =	swait.ge [sflag:s29], $0x800  }
0x1d: {  	[sflag:s29] =	ssyncset.done $0x0  }
0x1e: {  	[sflag:s29] =	ssyncadd.s32 $0xFFFFF800  }
0x1f: {  	_ =	swait.ge [sflag:s0], $0x800  }
0x20: {  	s7 =	stileid.u32;
	[sflag:s0] =	ssyncset.done $0x0  }
0x21: {  	s9 =	sshrl.u32 s5, $0x3;
	s6 =	sadd.s32 $0x1, s6;
	[sflag:s0] =	ssyncadd.s32 $0xFFFFF800  }
0x22: {  	s7 =	sshll.u32 s7, $0x6;
	p0 =	sne.s32 s6, s14;
	[bflag:$0x0] =	sbarrier.arrive $0xFFFF  }
.Ltmp1:
0x23: {  	s7 =	sor.u32 $0x1C09, s7;
	s11 =	rddreg [dreg:$0x8];
	(pc) =	sbr.rel @!p0 .LBB2_7-.Ltmp1, $4  }
0x24: {  	[hbm:s11], [sflag:s7] =	dma.local [spmem:s9], $0x500  }
0x25: {  	_ =	swait.ge [sflag:s1], $0x500  }
0x26: {  	[sflag:s1] =	ssyncset.done $0x0  }
0x27: {  	[sflag:s1] =	ssyncadd.s32 $0xFFFFFB00  }
.LBB2_1:
0x28: {  	s7 =	simm.s32 $0x40;
	s9 =	simm.s32 $0x0  }
.LBB2_2:
0x29: {  	p0 =	sne.s32 s7, $0x1FC0;
	[tilespmem:s9+$0x200] =	vst v0;
	s9 =	smov.u32 s7;
	s7 =	sadd.s32 $0x40, s7  }
.Ltmp2:
0x2a: {  	(pc) =	sbr.rel @p0 .LBB2_2-.Ltmp2, $2  }
0x2b: {  	_ =	sdelay $0x2  }
0x2c: {  	s9 =	sshra.s32 s9, $0x2  }
0x2d: {  	[tilespmem:s9+$0x200] =	vst v0  }
0x2e: {  	[spmem:s5] =	stream.linear.scatter [tilespmem:s19], [sflag:$0x5], $0x800, $0x38;
	[tilespmem:$0x3A00] =	vst v63  }
0x2f: {  	s7 =	rddreg [dreg:$0x3]  }
0x30: {  	[spmem:s7] =	stream.linear.scatter [tilespmem:s19], [sflag:$0x5], $0x800, $0x38;
	[tilespmem:$0x3A00] =	vst v63  }
0x31: {  	s9 =	rddreg [dreg:$0x4]  }
0x32: {  	[spmem:s9] =	stream.linear.scatter [tilespmem:s19], [sflag:$0x5], $0x800, $0x38;
	[tilespmem:$0x3A00] =	vst v63  }
0x33: {  	s11 =	rddreg [dreg:$0x5]  }
0x34: {  	[spmem:s11] =	stream.linear.scatter [tilespmem:s19], [sflag:$0x5], $0x800, $0x38;
	[tilespmem:$0x3A00] =	vst v63  }
0x35: {  	s13 =	rddreg [dreg:$0x6]  }
0x36: {  	[spmem:s13] =	stream.linear.scatter [tilespmem:s19], [sflag:$0x5], $0x800, $0x38;
	[tilespmem:$0x3A00] =	vst v63  }
0x37: {  	_ =	swait.ge [sflag:s20], $0x800  }
0x38: {  	[sflag:s20] =	ssyncset.done $0x0  }
0x39: {  	[sflag:s20] =	ssyncadd.s32 $0xFFFFF800  }
0x3a: {  	_ =	swait.ge [sflag:s20], $0x800  }
0x3b: {  	[sflag:s20] =	ssyncset.done $0x0  }
0x3c: {  	[sflag:s20] =	ssyncadd.s32 $0xFFFFF800  }
0x3d: {  	_ =	swait.ge [sflag:s20], $0x800  }
0x3e: {  	[sflag:s20] =	ssyncset.done $0x0  }
0x3f: {  	[sflag:s20] =	ssyncadd.s32 $0xFFFFF800  }
0x40: {  	_ =	swait.ge [sflag:s20], $0x800  }
0x41: {  	[sflag:s20] =	ssyncset.done $0x0  }
0x42: {  	[sflag:s20] =	ssyncadd.s32 $0xFFFFF800  }
0x43: {  	_ =	swait.ge [sflag:s20], $0x800  }
0x44: {  	[sflag:s20] =	ssyncset.done $0x0  }
0x45: {  	[sflag:s20] =	ssyncadd.s32 $0xFFFFF800  }
0x46: {  	s7 =	simm.s32 $0x0;
	[bflag:$0x0] =	sbarrier.arrive $0xFFFF  }
0x47: {  	[tilespmem:s7], [sflag:$0x1] =	stream.linear.gather [hbm4b:s10+s7], $0x80, $0x38;
	[tilespmem:$0x3A00] =	vst v63  }
0x48: {  	s17 =	rddreg [dreg:$0x7]  }
0x49: {  	[tilespmem:s21], [sflag:$0x2] =	stream.linear.gather [hbm4b:s17+s7], $0x80, $0x38;
	[tilespmem:$0x3A00] =	vst v63  }
0x4a: {  	s17 =	smov.u32 s8  }
.LBB2_4:
0x4b: {  	_ =	swait.ge [sflag:s22], $0x80  }
0x4c: {  	p0 =	seq.s32 s7, $0x0;
	[sflag:s22] =	ssyncset.done $0x0  }
0x4d: {  	s9 =	simm.s32 @p0 $0x0;
	s11 =	simm.s32 @p0 $0x200;
	[sflag:s22] =	ssyncadd.s32 $0xFFFFFF80  }
0x4e: {  	[tilespmem:s11], [sflag:$0x5] =	stream.linear.gather @p0 [hbm4b:s12+s9], $0x800, $0x38;
	[tilespmem:$0x3A00] =	vst v63  }
0x4f: {  	s9 =	sadd.s32 @!p0 $0xFFFFFFFF, s17  }
0x50: {  	p1 =	slt.s32 @!p0 s9, $0x9C3  }
0x51: {  	s11 =	simm.s32 @!p0 $0x7;
	p1 =	por !p1, p0  }
0x52: {  	_ =	swait.ge @!p0 [sflag:s11], $0x800;
	s9 =	simm.s32 @p1 $0x9C3  }
0x53: {  	s13 =	simm.s32 @!p0 $0x200;
	[sflag:s11] =	ssyncset.done @!p0 $0x0;
	s9 =	sshll.u32 @!p0 s9, $0x8  }
0x54: {  	[sflag:s11] =	ssyncadd.s32 @!p0 $0xFFFFF800;
	s11 =	simm.s32 @!p0 $0x0;
	s9 =	sadd.s32 @!p0 s4, s9  }
0x55: {  	[tilespmem:s13], [sflag:$0x5] =	stream.linear.gather @!p0 [hbm4b:s9+s11], $0x800, $0x38;
	[tilespmem:$0x3A00] =	vst v63  }
0x56: {  	s9 =	simm.s32 @!p0 $0x6  }
0x57: {  	_ =	swait.ge @!p0 [sflag:s9], $0x800  }
0x58: {  	s11 =	simm.s32 @!p0 $0x180;
	[sflag:s9] =	ssyncset.done @!p0 $0x0  }
0x59: {  	s13 =	simm.s32 @!p0 $0xA00;
	[sflag:s9] =	ssyncadd.s32 @!p0 $0xFFFFF800;
	s9 =	simm.s32 @!p0 $0x80  }
0x5a: {  	[spmem:s2] =	stream.indirect.scatter.add.f32 @!p0 [tilespmem:s13], [sflag:$0x8], $0x10, s11, s9, $0xb8;
	[tilespmem:$0x3A00] =	vst v63  }
0x5b: {  	s13 =	sadd.s32 s7, s18  }
0x5c: {  	[tilespmem:s23], [sflag:$0x3] =	stream.linear.gather [hbm4b:s13+s3], $0x80, $0x38;
	[tilespmem:$0x3A00] =	vst v63  }
0x5d: {  	_ =	swait.ge [sflag:s24], $0x80  }
0x5e: {  	p1 =	slt.s32 s17, $0x9C3;
	[sflag:s24] =	ssyncset.done $0x0  }
0x5f: {  	s9 =	simm.s32 @!p0 $0x8;
	s11 =	smov.u32 s17;
	[sflag:s24] =	ssyncadd.s32 $0xFFFFFF80  }
0x60: {  	s11 =	simm.s32 @!p1 $0x9C3;
	_ =	swait.ge @!p0 [sflag:s9], $0x800  }
0x61: {  	s11 =	sshll.u32 s11, $0x8;
	[sflag:s9] =	ssyncset.done @!p0 $0x0  }
0x62: {  	s11 =	sadd.s32 s4, s11;
	[sflag:s9] =	ssyncadd.s32 @!p0 $0xFFFFF800  }
0x63: {  	[tilespmem:s25], [sflag:$0x6] =	stream.linear.gather [hbm4b:s11+s3], $0x800, $0x38;
	[tilespmem:$0x3A00] =	vst v63  }
0x64: {  	_ =	swait.ge [sflag:s20], $0x800  }
0x65: {  	[sflag:s20] =	ssyncset.done $0x0  }
0x66: {  	s9 =	sadd.s32 s7, s15;
	[sflag:s20] =	ssyncadd.s32 $0xFFFFF800  }
0x67: {  	[spmem:s2] =	stream.indirect.scatter.add.f32 [tilespmem:s19], [sflag:$0x7], $0x10, s3, s21, $0xb8;
	[tilespmem:$0x3A00] =	vst v63  }
0x68: {  	s13 =	sadd.s32 $0x30, s9  }
0x69: {  	[tilespmem:s26], [sflag:$0x4] =	stream.linear.gather [hbm4b:s13+s3], $0x80, $0x38;
	[tilespmem:$0x3A00] =	vst v63  }
0x6a: {  	_ =	swait.ge [sflag:s28], $0x80  }
0x6b: {  	s11 =	sadd.s32 $0x1, s17;
	[sflag:s28] =	ssyncset.done $0x0  }
0x6c: {  	p0 =	slt.s32 s11, $0x9C3;
	[sflag:s28] =	ssyncadd.s32 $0xFFFFFF80  }
0x6d: {  	s11 =	simm.s32 @!p0 $0x9C3;
	_ =	swait.ge [sflag:s29], $0x800  }
0x6e: {  	s11 =	sshll.u32 s11, $0x8;
	[sflag:s29] =	ssyncset.done $0x0  }
0x6f: {  	s11 =	sadd.s32 s4, s11;
	[sflag:s29] =	ssyncadd.s32 $0xFFFFF800  }
0x70: {  	[tilespmem:s19], [sflag:$0x5] =	stream.linear.gather [hbm4b:s11+s3], $0x800, $0x38;
	[tilespmem:$0x3A00] =	vst v63  }
0x71: {  	_ =	swait.ge [sflag:s30], $0x800  }
0x72: {  	[sflag:s30] =	ssyncset.done $0x0  }
0x73: {  	p0 =	seq.s32 s7, $0x4C0;
	[sflag:s30] =	ssyncadd.s32 $0xFFFFF800  }
0x74: {  	[spmem:s2] =	stream.indirect.scatter.add.f32 [tilespmem:s25], [sflag:$0x8], $0x10, s21, s21, $0xb8;
	[tilespmem:$0x3A00] =	vst v63  }
0x75: {  	s13 =	simm.s32 @!p0 $0x0;
	s11 =	sadd.s32 @!p0 s7, s16  }
0x76: {  	[tilespmem:s13], [sflag:$0x1] =	stream.linear.gather @!p0 [hbm4b:s11+s13], $0x80, $0x38;
	[tilespmem:$0x3A00] =	vst v63  }
0x77: {  	_ =	swait.ge [sflag:s31], $0x80  }
0x78: {  	s11 =	sadd.s32 $0x2, s17;
	[sflag:s31] =	ssyncset.done $0x0  }
0x79: {  	p1 =	slt.s32 s11, $0x9C3;
	[sflag:s31] =	ssyncadd.s32 $0xFFFFFF80  }
0x7a: {  	s11 =	simm.s32 @!p1 $0x9C3;
	_ =	swait.ge [sflag:s0], $0x800  }
0x7b: {  	s11 =	sshll.u32 s11, $0x8;
	[sflag:s0] =	ssyncset.done $0x0  }
0x7c: {  	s11 =	sadd.s32 s4, s11;
	[sflag:s0] =	ssyncadd.s32 $0xFFFFF800  }
0x7d: {  	[tilespmem:s25], [sflag:$0x6] =	stream.linear.gather [hbm4b:s11+s3], $0x800, $0x38;
	[tilespmem:$0x3A00] =	vst v63  }
.Ltmp3:
0x7e: {  	_ = 	snop;
	(pc) =	sbr.rel @p0 .LBB2_6-.Ltmp3, $4  }
0x7f: {  	_ =	swait.ge [sflag:s20], $0x800  }
0x80: {  	[sflag:s20] =	ssyncset.done $0x0  }
0x81: {  	[sflag:s20] =	ssyncadd.s32 $0xFFFFF800  }
0x82: {  	[spmem:s2] =	stream.indirect.scatter.add.f32 [tilespmem:s19], [sflag:$0x7], $0x10, s23, s21, $0xb8;
	[tilespmem:$0x3A00] =	vst v63  }
.Ltmp4:
0x83: {  	(pc) =	sbr.rel .LBB2_4-.Ltmp4, $3  }
0x84: {  	_ =	sdelay $0x1  }
0x85: {  	s9 =	sadd.s32 $0x50, s9;
	s7 =	sadd.s32 $0x40, s7;
	s17 =	sadd.s32 $0x4, s17  }
0x86: {  	[tilespmem:s21], [sflag:$0x2] =	stream.linear.gather [hbm4b:s9+s3], $0x80, $0x38;
	[tilespmem:$0x3A00] =	vst v63  }
.LBB2_7:
0x87: {  	_ =	sfence.sel $0x180000  }
0x88: {  	[bflag:$0x0] =	sbarrier.arrive $0xFFFF  }
0x89: {  	_ =	strace $0x9000004A  }
0x8a: {  	s0 =	stileid.u32;
	[bflag:$0x2] =	sbarrier.arrive $0xFFFF  }
0x8b: {  	p0 =	sne.s32 s0, $0x0;
	s0 =	rddreg [dreg:$0x2]  }
0x8c: {  	s0 =	sadd.s32 @!p0 $0x100000, s0  }
0x8d: {  	[sflag:s0] =	ssyncadd.tile.s32 @!p0 $0x1;
	_ =	shalt  }
.Lfunc_end2:
_tile_overlayer_lowered:
.L_overlay_start_2:
0x8e: {  	(tag) =	ssettag $0x2  }
0x8f: {  	s0 =	rddreg [dreg:$0x0];
	s2 =	stileid.u32  }
0x90: {  	s1 =	rddreg [dreg:$0x1];
	p0 =	sne.s32 s2, $0x0  }
0x91: {  	s3 =	rddreg [dreg:$0x2];
	[bflag:$0x3] =	sbarrier.arrive $0xFFFF;
	s2 =	simm.s32 @!p0 $0x1C09  }
0x92: {  	[timem:s3], [sflag:s2] =	dma.local @!p0 [hbm:s0], s1  }
0x93: {  	s0 =	simm.s32 @!p0 $0x9  }
0x94: {  	_ =	swait.ge @!p0 [sflag:s0], s1  }
0x95: {  	s1 =	ssub.s32 @!p0 $0x0, s1;
	[sflag:s0] =	ssyncset.done @!p0 $0x0  }
0x96: {  	[sflag:s0] =	ssyncadd.s32 @!p0 s1  }
0x97: {  	[bflag:$0x3] =	sbarrier.arrive $0xFFFF  }
0x98: {  	_ =	shalt  }

</sc_bundles>
